<compile_context>
chip_gen: v7x
topology: tpu7x:2x2x1
jax: 0.10.2.dev20260603
libtpu: 0.0.44.dev20260713+nightly
codegen_flags: <defaults>
</compile_context>

<pallas_src>
import functools

import jax
import jax.numpy as jnp
from jax import lax
from jax.experimental import pallas as pl
from jax.experimental.pallas import tpu as pltpu
from jax.experimental.pallas import tpu_sc as plsc

K = 64
ROWS = 128
COLS = 32768
NITER = COLS // 16
CHUNK = 512
CAP = 4096
BUF = CAP + 16 * CHUNK + 16
BIG = 1 << 30
NEG_INF = float("-inf")

NC, NS = 2, 16
NW = NC * NS
RPW = ROWS // NW


def _body(logits_hbm, vals_hbm, idx_hbm,
          row_va, row_vb, cval, cidx, cval2, cidx2, outv, outi,
          sem_a, sem_b):
    lane = lax.iota(jnp.int32, 16)
    lane0 = lane == 0
    wid = lax.axis_index("s") * NC + lax.axis_index("c")

    def subset_min_threshold(src, nv):
        ninf = jnp.full((16,), NEG_INF)

        @plsc.parallel_loop(0, nv - (nv % 4), step=4, unroll=4,
                            carry=(ninf, ninf, ninf, ninf))
        def acc(j, c):
            a0, a1, a2, a3 = c
            a0 = jnp.maximum(a0, src[pl.ds(j * 16, 16)])
            a1 = jnp.maximum(a1, src[pl.ds((j + 1) * 16, 16)])
            a2 = jnp.maximum(a2, src[pl.ds((j + 2) * 16, 16)])
            a3 = jnp.maximum(a3, src[pl.ds((j + 3) * 16, 16)])
            return (a0, a1, a2, a3)

        a0, a1, a2, a3 = acc
        def leftover(j, a):
            return jnp.maximum(a, src[pl.ds(j * 16, 16)])

        a0 = lax.fori_loop(nv - (nv % 4), nv, leftover, a0)
        return jnp.min(jnp.minimum(jnp.minimum(a0, a1),
                                   jnp.minimum(a2, a3)))

    def filter_append(src_v, src_i, dval, didx, lo, hi, t, off, use_iota,
                      pipelined=True):
        offv = jnp.full((16,), jnp.int32(0)) + off

        def step(i, offv):
            v = src_v[pl.ds(i * 16, 16)]
            if use_iota:
                ix = i * 16 + lane
            else:
                ix = src_i[pl.ds(i * 16, 16)]
            mask = v >= t
            ones = mask.astype(jnp.int32)
            pos = offv + plsc.cumsum(ones) - 1
            if dval is not None:
                plsc.store_scatter(dval, [pos], v, mask=mask)
            plsc.store_scatter(didx, [pos], ix, mask=mask)
            return offv + plsc.all_reduce_population_count(mask)

        if pipelined:
            run = plsc.parallel_loop(lo, hi, unroll=4, carry=offv)(step)
        else:
            run = lax.fori_loop(lo, hi, step, offv)
        return jnp.max(run)

    def extract_topk(bval, bidx, off, obase=0):
        bval[pl.ds(off, 16)] = jnp.full((16,), NEG_INF)
        nv = (off + 15) // 16
        ninf = jnp.full((16,), NEG_INF)
        bigv = jnp.full((16,), jnp.int32(BIG))

        def ext_step(k, prev):
            m_prev, j_prev = prev

            @plsc.parallel_loop(0, nv, unroll=2, carry=(ninf, bigv))
            def scan(j, acc):
                av, ai = acc
                v = bval[pl.ds(j * 16, 16)]
                ix = bidx[pl.ds(j * 16, 16)]
                hit = (v == m_prev) & (ix == j_prev)
                v = jnp.where(hit, NEG_INF, v)
                bval[pl.ds(j * 16, 16)] = v
                take = (v > av) | ((v == av) & (ix < ai))
                return (jnp.where(take, v, av), jnp.where(take, ix, ai))

            av, ai = scan
            m = jnp.max(av)
            jm = jnp.min(jnp.where(av == m, ai, BIG))
            plsc.store_compressed(
                outv.at[pl.ds(obase + k, 16)], jnp.full((16,), m), mask=lane0)
            plsc.store_compressed(
                outi.at[pl.ds(obase + k, 16)], jnp.full((16,), jm), mask=lane0)
            return (m, jm)

        m, _ = lax.fori_loop(0, K, ext_step,
                             (jnp.float32(jnp.inf), jnp.int32(-1)))
        return m

    def row_body(r, buf):
        def gather_values(off):
            cidx[pl.ds(off, 16)] = jnp.full((16,), jnp.int32(0))
            nv = (off + 15) // 16

            def gv(j, _):
                ix = cidx[pl.ds(j * 16, 16)]
                cval[pl.ds(j * 16, 16)] = plsc.load_gather(buf, [ix])
                return 0

            lax.fori_loop(0, nv, gv, 0)

        def compact(carry):
            off, t = carry
            gather_values(off)
            t_new = extract_topk(cval, cidx, off, RPW * K)
            for j in range(K // 16):
                cidx[pl.ds(j * 16, 16)] = outi[pl.ds(RPW * K + j * 16, 16)]
            return (jnp.int32(K), t_new)

        t0 = subset_min_threshold(buf, NITER)

        def pb_chunk(c, carry):
            off, t = carry
            off = filter_append(buf, None, None, cidx,
                                c * CHUNK, (c + 1) * CHUNK, t, off, True)
            return lax.cond(off > CAP, compact, lambda x: x, (off, t))

        off, _t = lax.fori_loop(0, NITER // CHUNK, pb_chunk,
                                (jnp.int32(0), t0))

        gather_values(off)

        cval[pl.ds(off, 16)] = jnp.full((16,), NEG_INF)
        nv = (off + 15) // 16
        t1 = subset_min_threshold(cval, nv)

        def rf(j, o2):
            v = cval[pl.ds(j * 16, 16)]
            ix = cidx[pl.ds(j * 16, 16)]
            mask = v >= t1
            plsc.store_compressed(cval2.at[pl.ds(o2, 16)], v, mask=mask)
            plsc.store_compressed(cidx2.at[pl.ds(o2, 16)], ix, mask=mask)
            return o2 + jnp.sum(mask.astype(jnp.int32))

        off2 = lax.fori_loop(0, nv, rf, jnp.int32(0))

        extract_topk(cval2, cidx2, off2, r * K)
        return 0

    row0 = wid * RPW
    pltpu.async_copy(logits_hbm.at[row0], row_va, sem_a)

    def two_rows(q, _):
        r0 = 2 * q
        pltpu.make_async_copy(logits_hbm.at[row0 + r0], row_va, sem_a).wait()
        pltpu.async_copy(logits_hbm.at[row0 + r0 + 1], row_vb, sem_b)
        row_body(r0, row_va)
        pltpu.make_async_copy(
            logits_hbm.at[row0 + r0 + 1], row_vb, sem_b).wait()

        @pl.when(q + 1 < RPW // 2)
        def _():
            pltpu.async_copy(logits_hbm.at[row0 + r0 + 2], row_va, sem_a)

        row_body(r0 + 1, row_vb)
        return 0

    lax.fori_loop(0, RPW // 2, two_rows, 0)
    base = wid * (RPW * K)
    pltpu.sync_copy(outv.at[pl.ds(0, RPW * K)], vals_hbm.at[pl.ds(base, RPW * K)])
    pltpu.sync_copy(outi.at[pl.ds(0, RPW * K)], idx_hbm.at[pl.ds(base, RPW * K)])


def kernel(logits):
    mesh = plsc.VectorSubcoreMesh(core_axis_name="c", subcore_axis_name="s")
    f = functools.partial(
        pl.kernel,
        mesh=mesh,
        compiler_params=pltpu.CompilerParams(
            needs_layout_passes=False, use_tc_tiling_on_sc=True),
        out_type=[
            jax.ShapeDtypeStruct((ROWS * K,), jnp.float32),
            jax.ShapeDtypeStruct((ROWS * K,), jnp.int32),
        ],
        scratch_types=[
            pltpu.VMEM((COLS,), jnp.float32),
            pltpu.VMEM((COLS,), jnp.float32),
            pltpu.VMEM((BUF,), jnp.float32),
            pltpu.VMEM((BUF,), jnp.int32),
            pltpu.VMEM((BUF,), jnp.float32),
            pltpu.VMEM((BUF,), jnp.int32),
            pltpu.VMEM((RPW * K + K + 16,), jnp.float32),
            pltpu.VMEM((RPW * K + K + 16,), jnp.int32),
            pltpu.SemaphoreType.DMA,
            pltpu.SemaphoreType.DMA,
        ],
    )(_body)
    vals, idx = f(logits)
    return (vals.reshape(ROWS, K), idx.reshape(ROWS, K))

# --- scband reference (transcript-rebuilt; emitter-appended) ---
"""Pipeline reference for scband-gumbel-top-k-74491912781873 (READ-ONLY COPY).

The authoritative reference and input builder live on the scoring server;
editing this copy changes nothing except your own understanding.
"""

import jax, jax.numpy as jnp
import numpy as np

K = 64

def setup_inputs(seed: int = 0) -> dict:
    key = jax.random.key(seed)
    logits = jax.random.normal(key, (128, 32768), dtype=jnp.float32)
    return {"logits": logits}

def reference(logits):
    # GumbelTopK with gumble=False, dim=-1: plain top-k along the last dim,
    # returning (values, indices) like torch.topk.
    values, indices = jax.lax.top_k(logits, K)
    return (values, indices)

if __name__ == "__main__":
    import jax
    _d = setup_inputs()
    print(jax.jit(kernel)(*tuple(_d.values())))

</pallas_src>

<mosaic_0001>
#map = affine_map<(d0, d1) -> (0, 0)>
#map1 = affine_map<(d0, d1) -> (0)>
module attributes {stable_mosaic.version = 14 : i64} {
  func.func @_body(%arg0: i32, %arg1: i32, %arg2: memref<128x32768xf32, #tpu.memory_space<hbm>>, %arg3: memref<8192xf32, #tpu.memory_space<hbm>>, %arg4: memref<8192xi32, #tpu.memory_space<hbm>>, %arg5: memref<32768xf32, #tpu.memory_space<vmem>>, %arg6: memref<32768xf32, #tpu.memory_space<vmem>>, %arg7: memref<12304xf32, #tpu.memory_space<vmem>>, %arg8: memref<12304xi32, #tpu.memory_space<vmem>>, %arg9: memref<12304xf32, #tpu.memory_space<vmem>>, %arg10: memref<12304xi32, #tpu.memory_space<vmem>>, %arg11: memref<336xf32, #tpu.memory_space<vmem>>, %arg12: memref<336xi32, #tpu.memory_space<vmem>>, %arg13: memref<!tpu.dma_semaphore, #tpu.memory_space<semaphore_mem>>, %arg14: memref<!tpu.dma_semaphore, #tpu.memory_space<semaphore_mem>>) attributes {dimension_semantics = [#tpu.dimension_semantics<core_parallel>, #tpu.dimension_semantics<subcore_parallel>], iteration_bounds = array<i64: 2, 16>, scalar_prefetch = 0 : i64, scratch_operands = 10 : i64, tpu.core_type = #tpu.core_type<sc_vector_subcore>, window_params = [{transform_indices = #map}, {transform_indices = #map1}, {transform_indices = #map1}]} {
    %iota3A = tpu.iota {dimensions = array<i32: 0>} : vector<16xi32>
    %eq3A = arith.constant 0 : i32
    %eq3A_0 = vector.broadcast %eq3A : i32 to vector<16xi32>
    %eq3A_1 = arith.cmpi eq, %iota3A, %eq3A_0 : vector<16xi32>
    %mul3A = arith.constant 2 : i32
    %mul3A_2 = arith.muli %arg1, %mul3A : i32
    %add3A = arith.addi %mul3A_2, %arg0 : i32
    %mul3A_3 = arith.constant 4 : i32
    %mul3A_4 = arith.muli %add3A, %mul3A_3 : i32
    %dma_start3A = arith.constant 0 : i32
    %dma_start3A_5 = tpu.memref_slice %arg2[%mul3A_4, %dma_start3A] : memref<128x32768xf32, #tpu.memory_space<hbm>> -> memref<1x32768xf32, #tpu.memory_space<hbm>>
    %dma_start3A_6 = tpu.memref_squeeze %dma_start3A_5 : memref<1x32768xf32, #tpu.memory_space<hbm>> -> memref<32768xf32, #tpu.memory_space<hbm>>
    %dma_start3A_7 = arith.constant 0 : i32
    %dma_start3A_8 = tpu.memref_slice %arg2[%mul3A_4, %dma_start3A_7] : memref<128x32768xf32, #tpu.memory_space<hbm>> -> memref<1x32768xf32, #tpu.memory_space<hbm>>
    %dma_start3A_9 = tpu.memref_squeeze %dma_start3A_8 : memref<1x32768xf32, #tpu.memory_space<hbm>> -> memref<32768xf32, #tpu.memory_space<hbm>>
    tpu.enqueue_dma source(%dma_start3A_9 : memref<32768xf32, #tpu.memory_space<hbm>>) target(%arg5 : memref<32768xf32, #tpu.memory_space<vmem>>) target_semaphore(%arg13 : memref<!tpu.dma_semaphore, #tpu.memory_space<semaphore_mem>>)
    %scan3A = arith.constant 0 : i32
    %scan3A_10 = arith.constant 0 : i32
    %scan3A_11 = arith.constant 2 : i32
    %scan3A_12 = arith.addi %scan3A_10, %scan3A_11 : i32
    %scan3A_13 = arith.constant 1 : i32
    %scan3A_14 = scf.for %scan3A_18 = %scan3A_10 to %scan3A_12 step %scan3A_13 iter_args(%scan3A_19 = %scan3A) -> (i32)  : i32 {
      %mul3A_20 = arith.constant 2 : i32
      %mul3A_21 = arith.muli %mul3A_20, %scan3A_18 : i32
      %add3A_22 = arith.addi %mul3A_4, %mul3A_21 : i32
      %dma_wait3A = arith.constant 0 : i32
      %dma_wait3A_23 = tpu.memref_slice %arg2[%add3A_22, %dma_wait3A] : memref<128x32768xf32, #tpu.memory_space<hbm>> -> memref<1x32768xf32, #tpu.memory_space<hbm>>
      %dma_wait3A_24 = tpu.memref_squeeze %dma_wait3A_23 : memref<1x32768xf32, #tpu.memory_space<hbm>> -> memref<32768xf32, #tpu.memory_space<hbm>>
      %dma_wait3A_25 = arith.constant 0 : i32
      %dma_wait3A_26 = tpu.memref_slice %arg2[%add3A_22, %dma_wait3A_25] : memref<128x32768xf32, #tpu.memory_space<hbm>> -> memref<1x32768xf32, #tpu.memory_space<hbm>>
      %dma_wait3A_27 = tpu.memref_squeeze %dma_wait3A_26 : memref<1x32768xf32, #tpu.memory_space<hbm>> -> memref<32768xf32, #tpu.memory_space<hbm>>
      tpu.wait_dma2 semaphore(%arg13 : memref<!tpu.dma_semaphore, #tpu.memory_space<semaphore_mem>>) src(%dma_wait3A_27 : memref<32768xf32, #tpu.memory_space<hbm>>) dst(%arg5 : memref<32768xf32, #tpu.memory_space<vmem>>)
      %add3A_28 = arith.addi %mul3A_4, %mul3A_21 : i32
      %add3A_29 = arith.constant 1 : i32
      %add3A_30 = arith.addi %add3A_28, %add3A_29 : i32
      %dma_start3A_31 = arith.constant 0 : i32
      %dma_start3A_32 = tpu.memref_slice %arg2[%add3A_30, %dma_start3A_31] : memref<128x32768xf32, #tpu.memory_space<hbm>> -> memref<1x32768xf32, #tpu.memory_space<hbm>>
      %dma_start3A_33 = tpu.memref_squeeze %dma_start3A_32 : memref<1x32768xf32, #tpu.memory_space<hbm>> -> memref<32768xf32, #tpu.memory_space<hbm>>
      %dma_start3A_34 = arith.constant 0 : i32
      %dma_start3A_35 = tpu.memref_slice %arg2[%add3A_30, %dma_start3A_34] : memref<128x32768xf32, #tpu.memory_space<hbm>> -> memref<1x32768xf32, #tpu.memory_space<hbm>>
      %dma_start3A_36 = tpu.memref_squeeze %dma_start3A_35 : memref<1x32768xf32, #tpu.memory_space<hbm>> -> memref<32768xf32, #tpu.memory_space<hbm>>
      tpu.enqueue_dma source(%dma_start3A_36 : memref<32768xf32, #tpu.memory_space<hbm>>) target(%arg6 : memref<32768xf32, #tpu.memory_space<vmem>>) target_semaphore(%arg14 : memref<!tpu.dma_semaphore, #tpu.memory_space<semaphore_mem>>)
      %broadcast_in_dim3A = arith.constant 0xFF800000 : f32
      %broadcast_in_dim3A_37 = vector.broadcast %broadcast_in_dim3A : f32 to vector<16xf32>
      %parallel_loop3A = arith.constant 0 : i32
      %parallel_loop3A_38 = arith.constant 2048 : i32
      %parallel_loop3A_39 = arith.constant 4 : i32
      %parallel_loop3A_40:4 = scf.for %parallel_loop3A_455 = %parallel_loop3A to %parallel_loop3A_38 step %parallel_loop3A_39 iter_args(%parallel_loop3A_456 = %broadcast_in_dim3A_37, %parallel_loop3A_457 = %broadcast_in_dim3A_37, %parallel_loop3A_458 = %broadcast_in_dim3A_37, %parallel_loop3A_459 = %broadcast_in_dim3A_37) -> (vector<16xf32>, vector<16xf32>, vector<16xf32>, vector<16xf32>)  : i32 {
        %parallel_loop3A_460 = arith.constant 16 : i32
        %parallel_loop3A_461 = arith.muli %parallel_loop3A_455, %parallel_loop3A_460 : i32
        %parallel_loop3A_462 = arith.index_cast %parallel_loop3A_461 : i32 to index
        %parallel_loop3A_463 = tpu.vector_load %arg5[%parallel_loop3A_462] {strides = array<i32>} : memref<32768xf32, #tpu.memory_space<vmem>>, vector<16xf32>,
        %parallel_loop3A_464 = arith.maximumf %parallel_loop3A_456, %parallel_loop3A_463 : vector<16xf32>
        %parallel_loop3A_465 = arith.constant 1 : i32
        %parallel_loop3A_466 = arith.addi %parallel_loop3A_455, %parallel_loop3A_465 : i32
        %parallel_loop3A_467 = arith.constant 16 : i32
        %parallel_loop3A_468 = arith.muli %parallel_loop3A_466, %parallel_loop3A_467 : i32
        %parallel_loop3A_469 = arith.index_cast %parallel_loop3A_468 : i32 to index
        %parallel_loop3A_470 = tpu.vector_load %arg5[%parallel_loop3A_469] {strides = array<i32>} : memref<32768xf32, #tpu.memory_space<vmem>>, vector<16xf32>,
        %parallel_loop3A_471 = arith.maximumf %parallel_loop3A_457, %parallel_loop3A_470 : vector<16xf32>
        %parallel_loop3A_472 = arith.constant 2 : i32
        %parallel_loop3A_473 = arith.addi %parallel_loop3A_455, %parallel_loop3A_472 : i32
        %parallel_loop3A_474 = arith.constant 16 : i32
        %parallel_loop3A_475 = arith.muli %parallel_loop3A_473, %parallel_loop3A_474 : i32
        %parallel_loop3A_476 = arith.index_cast %parallel_loop3A_475 : i32 to index
        %parallel_loop3A_477 = tpu.vector_load %arg5[%parallel_loop3A_476] {strides = array<i32>} : memref<32768xf32, #tpu.memory_space<vmem>>, vector<16xf32>,
        %parallel_loop3A_478 = arith.maximumf %parallel_loop3A_458, %parallel_loop3A_477 : vector<16xf32>
        %parallel_loop3A_479 = arith.constant 3 : i32
        %parallel_loop3A_480 = arith.addi %parallel_loop3A_455, %parallel_loop3A_479 : i32
        %parallel_loop3A_481 = arith.constant 16 : i32
        %parallel_loop3A_482 = arith.muli %parallel_loop3A_480, %parallel_loop3A_481 : i32
        %parallel_loop3A_483 = arith.index_cast %parallel_loop3A_482 : i32 to index
        %parallel_loop3A_484 = tpu.vector_load %arg5[%parallel_loop3A_483] {strides = array<i32>} : memref<32768xf32, #tpu.memory_space<vmem>>, vector<16xf32>,
        %parallel_loop3A_485 = arith.maximumf %parallel_loop3A_459, %parallel_loop3A_484 : vector<16xf32>
        scf.yield %parallel_loop3A_464, %parallel_loop3A_471, %parallel_loop3A_478, %parallel_loop3A_485 : vector<16xf32>, vector<16xf32>, vector<16xf32>, vector<16xf32>
      } {sc.loop_unroll_factor = 4 : i64, sc.parallel_access}
      %scan3A_41 = arith.constant 2048 : i32
      %scan3A_42 = arith.constant 0 : i32
      %scan3A_43 = arith.addi %scan3A_41, %scan3A_42 : i32
      %scan3A_44 = arith.constant 0 : i32
      %min3A = arith.minimumf %parallel_loop3A_40#0, %parallel_loop3A_40#1 : vector<16xf32>
      %min3A_45 = arith.minimumf %parallel_loop3A_40#2, %parallel_loop3A_40#3 : vector<16xf32>
      %min3A_46 = arith.minimumf %min3A, %min3A_45 : vector<16xf32>
      %reduce_min3A = arith.constant true
      %reduce_min3A_47 = vector.broadcast %reduce_min3A : i1 to vector<16xi1>
      %reduce_min3A_48 = tpu.scan <min>, %min3A_46 masked %reduce_min3A_47 : vector<16xf32>, vector<16xi1> -> vector<16xf32>
      %reduce_min3A_49 = vector.extract %reduce_min3A_48[15] : f32 from vector<16xf32>
      %scan3A_50 = arith.constant 0 : i32
      %scan3A_51 = arith.constant 0 : i32
      %scan3A_52 = arith.constant 4 : i32
      %scan3A_53 = arith.addi %scan3A_51, %scan3A_52 : i32
      %scan3A_54 = arith.constant 1 : i32
      %scan3A_55:2 = scf.for %scan3A_455 = %scan3A_51 to %scan3A_53 step %scan3A_54 iter_args(%scan3A_456 = %scan3A_50, %scan3A_457 = %reduce_min3A_49) -> (i32, f32)  : i32 {
        %mul3A_458 = arith.constant 512 : i32
        %mul3A_459 = arith.muli %scan3A_455, %mul3A_458 : i32
        %add3A_460 = arith.constant 1 : i32
        %add3A_461 = arith.addi %scan3A_455, %add3A_460 : i32
        %mul3A_462 = arith.constant 512 : i32
        %mul3A_463 = arith.muli %add3A_461, %mul3A_462 : i32
        %broadcast_in_dim3A_464 = arith.constant 0 : i32
        %broadcast_in_dim3A_465 = vector.broadcast %broadcast_in_dim3A_464 : i32 to vector<16xi32>
        %add3A_466 = vector.broadcast %scan3A_456 : i32 to vector<16xi32>
        %add3A_467 = arith.addi %broadcast_in_dim3A_465, %add3A_466 : vector<16xi32>
        %parallel_loop3A_468 = arith.constant 1 : i32
        %parallel_loop3A_469 = scf.for %parallel_loop3A_482 = %mul3A_459 to %mul3A_463 step %parallel_loop3A_468 iter_args(%parallel_loop3A_483 = %add3A_467) -> (vector<16xi32>)  : i32 {
          %parallel_loop3A_484 = arith.constant 16 : i32
          %parallel_loop3A_485 = arith.muli %parallel_loop3A_482, %parallel_loop3A_484 : i32
          %parallel_loop3A_486 = arith.index_cast %parallel_loop3A_485 : i32 to index
          %parallel_loop3A_487 = tpu.vector_load %arg5[%parallel_loop3A_486] {strides = array<i32>} : memref<32768xf32, #tpu.memory_space<vmem>>, vector<16xf32>,
          %parallel_loop3A_488 = arith.constant 16 : i32
          %parallel_loop3A_489 = arith.muli %parallel_loop3A_482, %parallel_loop3A_488 : i32
          %parallel_loop3A_490 = vector.broadcast %parallel_loop3A_489 : i32 to vector<16xi32>
          %parallel_loop3A_491 = arith.addi %parallel_loop3A_490, %iota3A : vector<16xi32>
          %parallel_loop3A_492 = vector.broadcast %scan3A_457 : f32 to vector<16xf32>
          %parallel_loop3A_493 = arith.cmpf oge, %parallel_loop3A_487, %parallel_loop3A_492 : vector<16xf32>
          %parallel_loop3A_494 = arith.extui %parallel_loop3A_493 : vector<16xi1> to vector<16xi32>
          %parallel_loop3A_495 = arith.constant true
          %parallel_loop3A_496 = vector.broadcast %parallel_loop3A_495 : i1 to vector<16xi1>
          %parallel_loop3A_497 = tpu.scan <sum>, %parallel_loop3A_494 masked %parallel_loop3A_496 : vector<16xi32>, vector<16xi1> -> vector<16xi32>
          %parallel_loop3A_498 = arith.addi %parallel_loop3A_483, %parallel_loop3A_497 : vector<16xi32>
          %parallel_loop3A_499 = arith.constant 1 : i32
          %parallel_loop3A_500 = vector.broadcast %parallel_loop3A_499 : i32 to vector<16xi32>
          %parallel_loop3A_501 = arith.subi %parallel_loop3A_498, %parallel_loop3A_500 : vector<16xi32>
          tpu.vector_store_idx %arg8[%parallel_loop3A_501], %parallel_loop3A_491 masked %parallel_loop3A_493 : memref<12304xi32, #tpu.memory_space<vmem>>[vector<16xi32>], vector<16xi32>, vector<16xi1>
          %parallel_loop3A_502 = tpu.all_reduce %parallel_loop3A_493 {dim = 0 : i64, kind = #tpu.reduction_kind<sum>} : vector<16xi1> -> vector<16xi32>
          %parallel_loop3A_503 = arith.addi %parallel_loop3A_483, %parallel_loop3A_502 : vector<16xi32>
          scf.yield %parallel_loop3A_503 : vector<16xi32>
        } {sc.loop_unroll_factor = 4 : i64, sc.parallel_access}
        %reduce_max3A = arith.constant true
        %reduce_max3A_470 = vector.broadcast %reduce_max3A : i1 to vector<16xi1>
        %reduce_max3A_471 = arith.constant -2147483648 : i32
        %reduce_max3A_472 = vector.broadcast %reduce_max3A_471 : i32 to vector<16xi32>
        %reduce_max3A_473 = arith.xori %parallel_loop3A_469, %reduce_max3A_472 : vector<16xi32>
        %reduce_max3A_474 = tpu.scan <max>, %reduce_max3A_473 masked %reduce_max3A_470 : vector<16xi32>, vector<16xi1> -> vector<16xi32>
        %reduce_max3A_475 = arith.xori %reduce_max3A_474, %reduce_max3A_472 : vector<16xi32>
        %reduce_max3A_476 = vector.extract %reduce_max3A_475[15] : i32 from vector<16xi32>
        %gt3A = arith.constant 4096 : i32
        %gt3A_477 = arith.cmpi sgt, %reduce_max3A_476, %gt3A : i32
        %convert_element_type3A_478 = arith.extui %gt3A_477 : i1 to i32
        %cond3A_479 = arith.constant 0 : i32
        %cond3A_480 = arith.cmpi ne, %convert_element_type3A_478, %cond3A_479 : i32
        %cond3A_481:2 = scf.if %cond3A_480 -> (i32, f32) {
          %broadcast_in_dim3A_482 = arith.constant 0 : i32
          %broadcast_in_dim3A_483 = vector.broadcast %broadcast_in_dim3A_482 : i32 to vector<16xi32>
          %swap3A_484 = arith.index_cast %reduce_max3A_476 : i32 to index
          %swap3A_485 = tpu.vector_load %arg8[%swap3A_484] {strides = array<i32>} : memref<12304xi32, #tpu.memory_space<vmem>>, vector<16xi32>,
          tpu.vector_store %arg8[%swap3A_484], %broadcast_in_dim3A_483 {strides = array<i32>} : memref<12304xi32, #tpu.memory_space<vmem>>, vector<16xi32>,
          %add3A_486 = arith.constant 15 : i32
          %add3A_487 = arith.addi %reduce_max3A_476, %add3A_486 : i32
          %jit3A_488 = arith.constant 16 : i32
          %div3A_489 = arith.divsi %add3A_487, %jit3A_488 : i32
          %sign3A_490 = arith.constant 0 : i32
          %sign3A_491 = arith.cmpi sgt, %add3A_487, %sign3A_490 : i32
          %sign3A_492 = arith.extui %sign3A_491 : i1 to i32
          %sign3A_493 = arith.constant 0 : i32
          %sign3A_494 = arith.cmpi slt, %add3A_487, %sign3A_493 : i32
          %sign3A_495 = arith.extui %sign3A_494 : i1 to i32
          %sign3A_496 = arith.subi %sign3A_492, %sign3A_495 : i32
          %sign3A_497 = arith.constant 0 : i32
          %sign3A_498 = arith.cmpi sgt, %jit3A_488, %sign3A_497 : i32
          %sign3A_499 = arith.extui %sign3A_498 : i1 to i32
          %sign3A_500 = arith.constant 0 : i32
          %sign3A_501 = arith.cmpi slt, %jit3A_488, %sign3A_500 : i32
          %sign3A_502 = arith.extui %sign3A_501 : i1 to i32
          %sign3A_503 = arith.subi %sign3A_499, %sign3A_502 : i32
          %ne3A_504 = arith.cmpi ne, %sign3A_496, %sign3A_503 : i32
          %rem3A_505 = arith.remsi %add3A_487, %jit3A_488 : i32
          %ne3A_506 = arith.constant 0 : i32
          %ne3A_507 = arith.cmpi ne, %rem3A_505, %ne3A_506 : i32
          %and3A_508 = arith.andi %ne3A_504, %ne3A_507 : i1
          %sub3A_509 = arith.constant 1 : i32
          %sub3A_510 = arith.subi %div3A_489, %sub3A_509 : i32
          %select_n3A_511 = arith.select %and3A_508, %sub3A_510, %div3A_489 : i32
          %while3A_512 = arith.constant 0 : i32
          %while3A_513 = arith.constant 0 : i32
          %while3A_514 = arith.subi %select_n3A_511, %while3A_512 : i32
          %while3A_515 = arith.addi %while3A_512, %while3A_514 : i32
          %while3A_516 = arith.constant 1 : i32
          %while3A_517 = arith.divsi %while3A_514, %while3A_516 : i32
          %while3A_518 = arith.muli %while3A_517, %while3A_516 : i32
          %while3A_519 = arith.addi %while3A_512, %while3A_518 : i32
          %while3A_520 = arith.constant 1 : i32
          %while3A_521 = scf.for %while3A_582 = %while3A_512 to %while3A_519 step %while3A_520 iter_args(%while3A_583 = %while3A_513) -> (i32)  : i32 {
            %mul3A_584 = arith.constant 16 : i32
            %mul3A_585 = arith.muli %while3A_582, %mul3A_584 : i32
            %get3A_586 = arith.index_cast %mul3A_585 : i32 to index
            %get3A_587 = tpu.vector_load %arg8[%get3A_586] {strides = array<i32>} : memref<12304xi32, #tpu.memory_space<vmem>>, vector<16xi32>,
            %gather3A = tpu.vector_load_idx %arg5[%get3A_587] : memref<32768xf32, #tpu.memory_space<vmem>>[vector<16xi32>], vector<16xf32>,
            %mul3A_588 = arith.constant 16 : i32
            %mul3A_589 = arith.muli %while3A_582, %mul3A_588 : i32
            %swap3A_590 = arith.index_cast %mul3A_589 : i32 to index
            %swap3A_591 = tpu.vector_load %arg7[%swap3A_590] {strides = array<i32>} : memref<12304xf32, #tpu.memory_space<vmem>>, vector<16xf32>,
            tpu.vector_store %arg7[%swap3A_590], %gather3A {strides = array<i32>} : memref<12304xf32, #tpu.memory_space<vmem>>, vector<16xf32>,
            %while3A_592 = arith.constant 0 : i32
            scf.yield %while3A_592 : i32
          }
          %while3A_522 = arith.constant 1 : i32
          %while3A_523 = scf.for %while3A_582 = %while3A_519 to %while3A_515 step %while3A_522 iter_args(%while3A_583 = %while3A_521) -> (i32)  : i32 {
            %mul3A_584 = arith.constant 16 : i32
            %mul3A_585 = arith.muli %while3A_582, %mul3A_584 : i32
            %get3A_586 = arith.index_cast %mul3A_585 : i32 to index
            %get3A_587 = tpu.vector_load %arg8[%get3A_586] {strides = array<i32>} : memref<12304xi32, #tpu.memory_space<vmem>>, vector<16xi32>,
            %gather3A = tpu.vector_load_idx %arg5[%get3A_587] : memref<32768xf32, #tpu.memory_space<vmem>>[vector<16xi32>], vector<16xf32>,
            %mul3A_588 = arith.constant 16 : i32
            %mul3A_589 = arith.muli %while3A_582, %mul3A_588 : i32
            %swap3A_590 = arith.index_cast %mul3A_589 : i32 to index
            %swap3A_591 = tpu.vector_load %arg7[%swap3A_590] {strides = array<i32>} : memref<12304xf32, #tpu.memory_space<vmem>>, vector<16xf32>,
            tpu.vector_store %arg7[%swap3A_590], %gather3A {strides = array<i32>} : memref<12304xf32, #tpu.memory_space<vmem>>, vector<16xf32>,
            %while3A_592 = arith.constant 0 : i32
            scf.yield %while3A_592 : i32
          }
          %broadcast_in_dim3A_524 = arith.constant 0xFF800000 : f32
          %broadcast_in_dim3A_525 = vector.broadcast %broadcast_in_dim3A_524 : f32 to vector<16xf32>
          %swap3A_526 = arith.index_cast %reduce_max3A_476 : i32 to index
          %swap3A_527 = tpu.vector_load %arg7[%swap3A_526] {strides = array<i32>} : memref<12304xf32, #tpu.memory_space<vmem>>, vector<16xf32>,
          tpu.vector_store %arg7[%swap3A_526], %broadcast_in_dim3A_525 {strides = array<i32>} : memref<12304xf32, #tpu.memory_space<vmem>>, vector<16xf32>,
          %add3A_528 = arith.constant 15 : i32
          %add3A_529 = arith.addi %reduce_max3A_476, %add3A_528 : i32
          %jit3A_530 = arith.constant 16 : i32
          %div3A_531 = arith.divsi %add3A_529, %jit3A_530 : i32
          %sign3A_532 = arith.constant 0 : i32
          %sign3A_533 = arith.cmpi sgt, %add3A_529, %sign3A_532 : i32
          %sign3A_534 = arith.extui %sign3A_533 : i1 to i32
          %sign3A_535 = arith.constant 0 : i32
          %sign3A_536 = arith.cmpi slt, %add3A_529, %sign3A_535 : i32
          %sign3A_537 = arith.extui %sign3A_536 : i1 to i32
          %sign3A_538 = arith.subi %sign3A_534, %sign3A_537 : i32
          %sign3A_539 = arith.constant 0 : i32
          %sign3A_540 = arith.cmpi sgt, %jit3A_530, %sign3A_539 : i32
          %sign3A_541 = arith.extui %sign3A_540 : i1 to i32
          %sign3A_542 = arith.constant 0 : i32
          %sign3A_543 = arith.cmpi slt, %jit3A_530, %sign3A_542 : i32
          %sign3A_544 = arith.extui %sign3A_543 : i1 to i32
          %sign3A_545 = arith.subi %sign3A_541, %sign3A_544 : i32
          %ne3A_546 = arith.cmpi ne, %sign3A_538, %sign3A_545 : i32
          %rem3A_547 = arith.remsi %add3A_529, %jit3A_530 : i32
          %ne3A_548 = arith.constant 0 : i32
          %ne3A_549 = arith.cmpi ne, %rem3A_547, %ne3A_548 : i32
          %and3A_550 = arith.andi %ne3A_546, %ne3A_549 : i1
          %sub3A_551 = arith.constant 1 : i32
          %sub3A_552 = arith.subi %div3A_531, %sub3A_551 : i32
          %select_n3A_553 = arith.select %and3A_550, %sub3A_552, %div3A_531 : i32
          %broadcast_in_dim3A_554 = arith.constant 0xFF800000 : f32
          %broadcast_in_dim3A_555 = vector.broadcast %broadcast_in_dim3A_554 : f32 to vector<16xf32>
          %broadcast_in_dim3A_556 = arith.constant 1073741824 : i32
          %broadcast_in_dim3A_557 = vector.broadcast %broadcast_in_dim3A_556 : i32 to vector<16xi32>
          %scan3A_558 = arith.constant 0x7F800000 : f32
          %scan3A_559 = arith.constant -1 : i32
          %scan3A_560 = arith.constant 0 : i32
          %scan3A_561 = arith.constant 64 : i32
          %scan3A_562 = arith.addi %scan3A_560, %scan3A_561 : i32
          %scan3A_563 = arith.constant 1 : i32
          %scan3A_564:2 = scf.for %scan3A_582 = %scan3A_560 to %scan3A_562 step %scan3A_563 iter_args(%scan3A_583 = %scan3A_558, %scan3A_584 = %scan3A_559) -> (f32, i32)  : i32 {
            %parallel_loop3A_585 = arith.constant 0 : i32
            %parallel_loop3A_586 = arith.constant 1 : i32
            %parallel_loop3A_587:2 = scf.for %parallel_loop3A_615 = %parallel_loop3A_585 to %select_n3A_553 step %parallel_loop3A_586 iter_args(%parallel_loop3A_616 = %broadcast_in_dim3A_555, %parallel_loop3A_617 = %broadcast_in_dim3A_557) -> (vector<16xf32>, vector<16xi32>)  : i32 {
              %parallel_loop3A_618 = arith.constant 16 : i32
              %parallel_loop3A_619 = arith.muli %parallel_loop3A_615, %parallel_loop3A_618 : i32
              %parallel_loop3A_620 = arith.index_cast %parallel_loop3A_619 : i32 to index
              %parallel_loop3A_621 = tpu.vector_load %arg7[%parallel_loop3A_620] {strides = array<i32>} : memref<12304xf32, #tpu.memory_space<vmem>>, vector<16xf32>,
              %parallel_loop3A_622 = arith.constant 16 : i32
              %parallel_loop3A_623 = arith.muli %parallel_loop3A_615, %parallel_loop3A_622 : i32
              %parallel_loop3A_624 = arith.index_cast %parallel_loop3A_623 : i32 to index
              %parallel_loop3A_625 = tpu.vector_load %arg8[%parallel_loop3A_624] {strides = array<i32>} : memref<12304xi32, #tpu.memory_space<vmem>>, vector<16xi32>,
              %parallel_loop3A_626 = vector.broadcast %scan3A_583 : f32 to vector<16xf32>
              %parallel_loop3A_627 = arith.cmpf oeq, %parallel_loop3A_621, %parallel_loop3A_626 : vector<16xf32>
              %parallel_loop3A_628 = vector.broadcast %scan3A_584 : i32 to vector<16xi32>
              %parallel_loop3A_629 = arith.cmpi eq, %parallel_loop3A_625, %parallel_loop3A_628 : vector<16xi32>
              %parallel_loop3A_630 = arith.andi %parallel_loop3A_627, %parallel_loop3A_629 : vector<16xi1>
              %parallel_loop3A_631 = arith.constant 0xFF800000 : f32
              %parallel_loop3A_632 = vector.broadcast %parallel_loop3A_631 : f32 to vector<16xf32>
              %parallel_loop3A_633 = arith.select %parallel_loop3A_630, %parallel_loop3A_632, %parallel_loop3A_621 : vector<16xi1>, vector<16xf32>
              %parallel_loop3A_634 = arith.constant 16 : i32
              %parallel_loop3A_635 = arith.muli %parallel_loop3A_615, %parallel_loop3A_634 : i32
              %parallel_loop3A_636 = arith.index_cast %parallel_loop3A_635 : i32 to index
              %parallel_loop3A_637 = tpu.vector_load %arg7[%parallel_loop3A_636] {strides = array<i32>} : memref<12304xf32, #tpu.memory_space<vmem>>, vector<16xf32>,
              tpu.vector_store %arg7[%parallel_loop3A_636], %parallel_loop3A_633 {strides = array<i32>} : memref<12304xf32, #tpu.memory_space<vmem>>, vector<16xf32>,
              %parallel_loop3A_638 = arith.cmpf ogt, %parallel_loop3A_633, %parallel_loop3A_616 : vector<16xf32>
              %parallel_loop3A_639 = arith.cmpf oeq, %parallel_loop3A_633, %parallel_loop3A_616 : vector<16xf32>
              %parallel_loop3A_640 = arith.cmpi slt, %parallel_loop3A_625, %parallel_loop3A_617 : vector<16xi32>
              %parallel_loop3A_641 = arith.andi %parallel_loop3A_639, %parallel_loop3A_640 : vector<16xi1>
              %parallel_loop3A_642 = arith.ori %parallel_loop3A_638, %parallel_loop3A_641 : vector<16xi1>
              %parallel_loop3A_643 = arith.select %parallel_loop3A_642, %parallel_loop3A_633, %parallel_loop3A_616 : vector<16xi1>, vector<16xf32>
              %parallel_loop3A_644 = arith.select %parallel_loop3A_642, %parallel_loop3A_625, %parallel_loop3A_617 : vector<16xi1>, vector<16xi32>
              scf.yield %parallel_loop3A_643, %parallel_loop3A_644 : vector<16xf32>, vector<16xi32>
            } {sc.loop_unroll_factor = 2 : i64, sc.parallel_access}
            %reduce_max3A_588 = arith.constant true
            %reduce_max3A_589 = vector.broadcast %reduce_max3A_588 : i1 to vector<16xi1>
            %reduce_max3A_590 = tpu.scan <max>, %parallel_loop3A_587#0 masked %reduce_max3A_589 : vector<16xf32>, vector<16xi1> -> vector<16xf32>
            %reduce_max3A_591 = vector.extract %reduce_max3A_590[15] : f32 from vector<16xf32>
            %eq3A_592 = vector.broadcast %reduce_max3A_591 : f32 to vector<16xf32>
            %eq3A_593 = arith.cmpf oeq, %parallel_loop3A_587#0, %eq3A_592 : vector<16xf32>
            %jit3A_594 = arith.constant 1073741824 : i32
            %broadcast_in_dim3A_595 = vector.broadcast %jit3A_594 : i32 to vector<16xi32>
            %select_n3A_596 = arith.select %eq3A_593, %parallel_loop3A_587#1, %broadcast_in_dim3A_595 : vector<16xi1>, vector<16xi32>
            %reduce_min3A_597 = arith.constant true
            %reduce_min3A_598 = vector.broadcast %reduce_min3A_597 : i1 to vector<16xi1>
            %reduce_min3A_599 = arith.constant -2147483648 : i32
            %reduce_min3A_600 = vector.broadcast %reduce_min3A_599 : i32 to vector<16xi32>
            %reduce_min3A_601 = arith.xori %select_n3A_596, %reduce_min3A_600 : vector<16xi32>
            %reduce_min3A_602 = tpu.scan <min>, %reduce_min3A_601 masked %reduce_min3A_598 : vector<16xi32>, vector<16xi1> -> vector<16xi32>
            %reduce_min3A_603 = arith.xori %reduce_min3A_602, %reduce_min3A_600 : vector<16xi32>
            %reduce_min3A_604 = vector.extract %reduce_min3A_603[15] : i32 from vector<16xi32>
            %add3A_605 = arith.constant 256 : i32
            %add3A_606 = arith.addi %add3A_605, %scan3A_582 : i32
            %broadcast_in_dim3A_607 = vector.broadcast %reduce_max3A_591 : f32 to vector<16xf32>
            %swap3A_608 = arith.index_cast %add3A_606 : i32 to index
            %swap3A_609 = tpu.vector_load %arg11[%swap3A_608] masked %eq3A_1 {strides = array<i32>} : memref<336xf32, #tpu.memory_space<vmem>>, vector<16xf32>, vector<16xi1>
            tpu.vector_store %arg11[%swap3A_608], %broadcast_in_dim3A_607 masked %eq3A_1 {strides = array<i32>} : memref<336xf32, #tpu.memory_space<vmem>>, vector<16xf32>, vector<16xi1>
            %add3A_610 = arith.constant 256 : i32
            %add3A_611 = arith.addi %add3A_610, %scan3A_582 : i32
            %broadcast_in_dim3A_612 = vector.broadcast %reduce_min3A_604 : i32 to vector<16xi32>
            %swap3A_613 = arith.index_cast %add3A_611 : i32 to index
            %swap3A_614 = tpu.vector_load %arg12[%swap3A_613] masked %eq3A_1 {strides = array<i32>} : memref<336xi32, #tpu.memory_space<vmem>>, vector<16xi32>, vector<16xi1>
            tpu.vector_store %arg12[%swap3A_613], %broadcast_in_dim3A_612 masked %eq3A_1 {strides = array<i32>} : memref<336xi32, #tpu.memory_space<vmem>>, vector<16xi32>, vector<16xi1>
            scf.yield %reduce_max3A_591, %reduce_min3A_604 : f32, i32
          }
          %scan3A_565 = arith.constant 64 : i32
          %get3A = arith.constant 256 : index
          %get3A_566 = tpu.vector_load %arg12[%get3A] {strides = array<i32>} : memref<336xi32, #tpu.memory_space<vmem>>, vector<16xi32>,
          %swap3A_567 = arith.constant 0 : index
          %swap3A_568 = tpu.vector_load %arg8[%swap3A_567] {strides = array<i32>} : memref<12304xi32, #tpu.memory_space<vmem>>, vector<16xi32>,
          tpu.vector_store %arg8[%swap3A_567], %get3A_566 {strides = array<i32>} : memref<12304xi32, #tpu.memory_space<vmem>>, vector<16xi32>,
          %get3A_569 = arith.constant 272 : index
          %get3A_570 = tpu.vector_load %arg12[%get3A_569] {strides = array<i32>} : memref<336xi32, #tpu.memory_space<vmem>>, vector<16xi32>,
          %swap3A_571 = arith.constant 16 : index
          %swap3A_572 = tpu.vector_load %arg8[%swap3A_571] {strides = array<i32>} : memref<12304xi32, #tpu.memory_space<vmem>>, vector<16xi32>,
          tpu.vector_store %arg8[%swap3A_571], %get3A_570 {strides = array<i32>} : memref<12304xi32, #tpu.memory_space<vmem>>, vector<16xi32>,
          %get3A_573 = arith.constant 288 : index
          %get3A_574 = tpu.vector_load %arg12[%get3A_573] {strides = array<i32>} : memref<336xi32, #tpu.memory_space<vmem>>, vector<16xi32>,
          %swap3A_575 = arith.constant 32 : index
          %swap3A_576 = tpu.vector_load %arg8[%swap3A_575] {strides = array<i32>} : memref<12304xi32, #tpu.memory_space<vmem>>, vector<16xi32>,
          tpu.vector_store %arg8[%swap3A_575], %get3A_574 {strides = array<i32>} : memref<12304xi32, #tpu.memory_space<vmem>>, vector<16xi32>,
          %get3A_577 = arith.constant 304 : index
          %get3A_578 = tpu.vector_load %arg12[%get3A_577] {strides = array<i32>} : memref<336xi32, #tpu.memory_space<vmem>>, vector<16xi32>,
          %swap3A_579 = arith.constant 48 : index
          %swap3A_580 = tpu.vector_load %arg8[%swap3A_579] {strides = array<i32>} : memref<12304xi32, #tpu.memory_space<vmem>>, vector<16xi32>,
          tpu.vector_store %arg8[%swap3A_579], %get3A_578 {strides = array<i32>} : memref<12304xi32, #tpu.memory_space<vmem>>, vector<16xi32>,
          %cond3A_581 = arith.constant 64 : i32
          scf.yield %cond3A_581, %scan3A_564#0 : i32, f32
        } else {
          scf.yield %reduce_max3A_476, %scan3A_457 : i32, f32
        }
        scf.yield %cond3A_481#0, %cond3A_481#1 : i32, f32
      }
      %scan3A_56 = arith.constant 4 : i32
      %broadcast_in_dim3A_57 = arith.constant 0 : i32
      %broadcast_in_dim3A_58 = vector.broadcast %broadcast_in_dim3A_57 : i32 to vector<16xi32>
      %swap3A = arith.index_cast %scan3A_55#0 : i32 to index
      %swap3A_59 = tpu.vector_load %arg8[%swap3A] {strides = array<i32>} : memref<12304xi32, #tpu.memory_space<vmem>>, vector<16xi32>,
      tpu.vector_store %arg8[%swap3A], %broadcast_in_dim3A_58 {strides = array<i32>} : memref<12304xi32, #tpu.memory_space<vmem>>, vector<16xi32>,
      %add3A_60 = arith.constant 15 : i32
      %add3A_61 = arith.addi %scan3A_55#0, %add3A_60 : i32
      %jit3A = arith.constant 16 : i32
      %div3A = arith.divsi %add3A_61, %jit3A : i32
      %sign3A = arith.constant 0 : i32
      %sign3A_62 = arith.cmpi sgt, %add3A_61, %sign3A : i32
      %sign3A_63 = arith.extui %sign3A_62 : i1 to i32
      %sign3A_64 = arith.constant 0 : i32
      %sign3A_65 = arith.cmpi slt, %add3A_61, %sign3A_64 : i32
      %sign3A_66 = arith.extui %sign3A_65 : i1 to i32
      %sign3A_67 = arith.subi %sign3A_63, %sign3A_66 : i32
      %sign3A_68 = arith.constant 0 : i32
      %sign3A_69 = arith.cmpi sgt, %jit3A, %sign3A_68 : i32
      %sign3A_70 = arith.extui %sign3A_69 : i1 to i32
      %sign3A_71 = arith.constant 0 : i32
      %sign3A_72 = arith.cmpi slt, %jit3A, %sign3A_71 : i32
      %sign3A_73 = arith.extui %sign3A_72 : i1 to i32
      %sign3A_74 = arith.subi %sign3A_70, %sign3A_73 : i32
      %ne3A = arith.cmpi ne, %sign3A_67, %sign3A_74 : i32
      %rem3A = arith.remsi %add3A_61, %jit3A : i32
      %ne3A_75 = arith.constant 0 : i32
      %ne3A_76 = arith.cmpi ne, %rem3A, %ne3A_75 : i32
      %and3A = arith.andi %ne3A, %ne3A_76 : i1
      %sub3A = arith.constant 1 : i32
      %sub3A_77 = arith.subi %div3A, %sub3A : i32
      %select_n3A = arith.select %and3A, %sub3A_77, %div3A : i32
      %while3A = arith.constant 0 : i32
      %while3A_78 = arith.constant 0 : i32
      %while3A_79 = arith.subi %select_n3A, %while3A : i32
      %while3A_80 = arith.addi %while3A, %while3A_79 : i32
      %while3A_81 = arith.constant 1 : i32
      %while3A_82 = arith.divsi %while3A_79, %while3A_81 : i32
      %while3A_83 = arith.muli %while3A_82, %while3A_81 : i32
      %while3A_84 = arith.addi %while3A, %while3A_83 : i32
      %while3A_85 = arith.constant 1 : i32
      %while3A_86 = scf.for %while3A_455 = %while3A to %while3A_84 step %while3A_85 iter_args(%while3A_456 = %while3A_78) -> (i32)  : i32 {
        %mul3A_457 = arith.constant 16 : i32
        %mul3A_458 = arith.muli %while3A_455, %mul3A_457 : i32
        %get3A = arith.index_cast %mul3A_458 : i32 to index
        %get3A_459 = tpu.vector_load %arg8[%get3A] {strides = array<i32>} : memref<12304xi32, #tpu.memory_space<vmem>>, vector<16xi32>,
        %gather3A = tpu.vector_load_idx %arg5[%get3A_459] : memref<32768xf32, #tpu.memory_space<vmem>>[vector<16xi32>], vector<16xf32>,
        %mul3A_460 = arith.constant 16 : i32
        %mul3A_461 = arith.muli %while3A_455, %mul3A_460 : i32
        %swap3A_462 = arith.index_cast %mul3A_461 : i32 to index
        %swap3A_463 = tpu.vector_load %arg7[%swap3A_462] {strides = array<i32>} : memref<12304xf32, #tpu.memory_space<vmem>>, vector<16xf32>,
        tpu.vector_store %arg7[%swap3A_462], %gather3A {strides = array<i32>} : memref<12304xf32, #tpu.memory_space<vmem>>, vector<16xf32>,
        %while3A_464 = arith.constant 0 : i32
        scf.yield %while3A_464 : i32
      }
      %while3A_87 = arith.constant 1 : i32
      %while3A_88 = scf.for %while3A_455 = %while3A_84 to %while3A_80 step %while3A_87 iter_args(%while3A_456 = %while3A_86) -> (i32)  : i32 {
        %mul3A_457 = arith.constant 16 : i32
        %mul3A_458 = arith.muli %while3A_455, %mul3A_457 : i32
        %get3A = arith.index_cast %mul3A_458 : i32 to index
        %get3A_459 = tpu.vector_load %arg8[%get3A] {strides = array<i32>} : memref<12304xi32, #tpu.memory_space<vmem>>, vector<16xi32>,
        %gather3A = tpu.vector_load_idx %arg5[%get3A_459] : memref<32768xf32, #tpu.memory_space<vmem>>[vector<16xi32>], vector<16xf32>,
        %mul3A_460 = arith.constant 16 : i32
        %mul3A_461 = arith.muli %while3A_455, %mul3A_460 : i32
        %swap3A_462 = arith.index_cast %mul3A_461 : i32 to index
        %swap3A_463 = tpu.vector_load %arg7[%swap3A_462] {strides = array<i32>} : memref<12304xf32, #tpu.memory_space<vmem>>, vector<16xf32>,
        tpu.vector_store %arg7[%swap3A_462], %gather3A {strides = array<i32>} : memref<12304xf32, #tpu.memory_space<vmem>>, vector<16xf32>,
        %while3A_464 = arith.constant 0 : i32
        scf.yield %while3A_464 : i32
      }
      %broadcast_in_dim3A_89 = arith.constant 0xFF800000 : f32
      %broadcast_in_dim3A_90 = vector.broadcast %broadcast_in_dim3A_89 : f32 to vector<16xf32>
      %swap3A_91 = arith.index_cast %scan3A_55#0 : i32 to index
      %swap3A_92 = tpu.vector_load %arg7[%swap3A_91] {strides = array<i32>} : memref<12304xf32, #tpu.memory_space<vmem>>, vector<16xf32>,
      tpu.vector_store %arg7[%swap3A_91], %broadcast_in_dim3A_90 {strides = array<i32>} : memref<12304xf32, #tpu.memory_space<vmem>>, vector<16xf32>,
      %add3A_93 = arith.constant 15 : i32
      %add3A_94 = arith.addi %scan3A_55#0, %add3A_93 : i32
      %jit3A_95 = arith.constant 16 : i32
      %div3A_96 = arith.divsi %add3A_94, %jit3A_95 : i32
      %sign3A_97 = arith.constant 0 : i32
      %sign3A_98 = arith.cmpi sgt, %add3A_94, %sign3A_97 : i32
      %sign3A_99 = arith.extui %sign3A_98 : i1 to i32
      %sign3A_100 = arith.constant 0 : i32
      %sign3A_101 = arith.cmpi slt, %add3A_94, %sign3A_100 : i32
      %sign3A_102 = arith.extui %sign3A_101 : i1 to i32
      %sign3A_103 = arith.subi %sign3A_99, %sign3A_102 : i32
      %sign3A_104 = arith.constant 0 : i32
      %sign3A_105 = arith.cmpi sgt, %jit3A_95, %sign3A_104 : i32
      %sign3A_106 = arith.extui %sign3A_105 : i1 to i32
      %sign3A_107 = arith.constant 0 : i32
      %sign3A_108 = arith.cmpi slt, %jit3A_95, %sign3A_107 : i32
      %sign3A_109 = arith.extui %sign3A_108 : i1 to i32
      %sign3A_110 = arith.subi %sign3A_106, %sign3A_109 : i32
      %ne3A_111 = arith.cmpi ne, %sign3A_103, %sign3A_110 : i32
      %rem3A_112 = arith.remsi %add3A_94, %jit3A_95 : i32
      %ne3A_113 = arith.constant 0 : i32
      %ne3A_114 = arith.cmpi ne, %rem3A_112, %ne3A_113 : i32
      %and3A_115 = arith.andi %ne3A_111, %ne3A_114 : i1
      %sub3A_116 = arith.constant 1 : i32
      %sub3A_117 = arith.subi %div3A_96, %sub3A_116 : i32
      %select_n3A_118 = arith.select %and3A_115, %sub3A_117, %div3A_96 : i32
      %broadcast_in_dim3A_119 = arith.constant 0xFF800000 : f32
      %broadcast_in_dim3A_120 = vector.broadcast %broadcast_in_dim3A_119 : f32 to vector<16xf32>
      %jit3A_121 = arith.constant 4 : i32
      %eq3A_122 = arith.constant 0 : i32
      %eq3A_123 = arith.cmpi eq, %jit3A_121, %eq3A_122 : i32
      %jit3A_124 = arith.constant 1 : i32
      %select_n3A_125 = arith.select %eq3A_123, %jit3A_124, %jit3A_121 : i32
      %rem3A_126 = arith.remsi %select_n3A_118, %select_n3A_125 : i32
      %ne3A_127 = arith.constant 0 : i32
      %ne3A_128 = arith.cmpi ne, %rem3A_126, %ne3A_127 : i32
      %lt3A = arith.constant 0 : i32
      %lt3A_129 = arith.cmpi slt, %rem3A_126, %lt3A : i32
      %lt3A_130 = arith.constant 0 : i32
      %lt3A_131 = arith.cmpi slt, %select_n3A_125, %lt3A_130 : i32
      %ne3A_132 = arith.xori %lt3A_129, %lt3A_131 : i1
      %and3A_133 = arith.andi %ne3A_132, %ne3A_128 : i1
      %add3A_134 = arith.addi %rem3A_126, %select_n3A_125 : i32
      %select_n3A_135 = arith.select %and3A_133, %add3A_134, %rem3A_126 : i32
      %sub3A_136 = arith.subi %select_n3A_118, %select_n3A_135 : i32
      %parallel_loop3A_137 = arith.constant 0 : i32
      %parallel_loop3A_138 = arith.constant 4 : i32
      %parallel_loop3A_139:4 = scf.for %parallel_loop3A_455 = %parallel_loop3A_137 to %sub3A_136 step %parallel_loop3A_138 iter_args(%parallel_loop3A_456 = %broadcast_in_dim3A_120, %parallel_loop3A_457 = %broadcast_in_dim3A_120, %parallel_loop3A_458 = %broadcast_in_dim3A_120, %parallel_loop3A_459 = %broadcast_in_dim3A_120) -> (vector<16xf32>, vector<16xf32>, vector<16xf32>, vector<16xf32>)  : i32 {
        %parallel_loop3A_460 = arith.constant 16 : i32
        %parallel_loop3A_461 = arith.muli %parallel_loop3A_455, %parallel_loop3A_460 : i32
        %parallel_loop3A_462 = arith.index_cast %parallel_loop3A_461 : i32 to index
        %parallel_loop3A_463 = tpu.vector_load %arg7[%parallel_loop3A_462] {strides = array<i32>} : memref<12304xf32, #tpu.memory_space<vmem>>, vector<16xf32>,
        %parallel_loop3A_464 = arith.maximumf %parallel_loop3A_456, %parallel_loop3A_463 : vector<16xf32>
        %parallel_loop3A_465 = arith.constant 1 : i32
        %parallel_loop3A_466 = arith.addi %parallel_loop3A_455, %parallel_loop3A_465 : i32
        %parallel_loop3A_467 = arith.constant 16 : i32
        %parallel_loop3A_468 = arith.muli %parallel_loop3A_466, %parallel_loop3A_467 : i32
        %parallel_loop3A_469 = arith.index_cast %parallel_loop3A_468 : i32 to index
        %parallel_loop3A_470 = tpu.vector_load %arg7[%parallel_loop3A_469] {strides = array<i32>} : memref<12304xf32, #tpu.memory_space<vmem>>, vector<16xf32>,
        %parallel_loop3A_471 = arith.maximumf %parallel_loop3A_457, %parallel_loop3A_470 : vector<16xf32>
        %parallel_loop3A_472 = arith.constant 2 : i32
        %parallel_loop3A_473 = arith.addi %parallel_loop3A_455, %parallel_loop3A_472 : i32
        %parallel_loop3A_474 = arith.constant 16 : i32
        %parallel_loop3A_475 = arith.muli %parallel_loop3A_473, %parallel_loop3A_474 : i32
        %parallel_loop3A_476 = arith.index_cast %parallel_loop3A_475 : i32 to index
        %parallel_loop3A_477 = tpu.vector_load %arg7[%parallel_loop3A_476] {strides = array<i32>} : memref<12304xf32, #tpu.memory_space<vmem>>, vector<16xf32>,
        %parallel_loop3A_478 = arith.maximumf %parallel_loop3A_458, %parallel_loop3A_477 : vector<16xf32>
        %parallel_loop3A_479 = arith.constant 3 : i32
        %parallel_loop3A_480 = arith.addi %parallel_loop3A_455, %parallel_loop3A_479 : i32
        %parallel_loop3A_481 = arith.constant 16 : i32
        %parallel_loop3A_482 = arith.muli %parallel_loop3A_480, %parallel_loop3A_481 : i32
        %parallel_loop3A_483 = arith.index_cast %parallel_loop3A_482 : i32 to index
        %parallel_loop3A_484 = tpu.vector_load %arg7[%parallel_loop3A_483] {strides = array<i32>} : memref<12304xf32, #tpu.memory_space<vmem>>, vector<16xf32>,
        %parallel_loop3A_485 = arith.maximumf %parallel_loop3A_459, %parallel_loop3A_484 : vector<16xf32>
        scf.yield %parallel_loop3A_464, %parallel_loop3A_471, %parallel_loop3A_478, %parallel_loop3A_485 : vector<16xf32>, vector<16xf32>, vector<16xf32>, vector<16xf32>
      } {sc.loop_unroll_factor = 4 : i64, sc.parallel_access}
      %jit3A_140 = arith.constant 4 : i32
      %eq3A_141 = arith.constant 0 : i32
      %eq3A_142 = arith.cmpi eq, %jit3A_140, %eq3A_141 : i32
      %jit3A_143 = arith.constant 1 : i32
      %select_n3A_144 = arith.select %eq3A_142, %jit3A_143, %jit3A_140 : i32
      %rem3A_145 = arith.remsi %select_n3A_118, %select_n3A_144 : i32
      %ne3A_146 = arith.constant 0 : i32
      %ne3A_147 = arith.cmpi ne, %rem3A_145, %ne3A_146 : i32
      %lt3A_148 = arith.constant 0 : i32
      %lt3A_149 = arith.cmpi slt, %rem3A_145, %lt3A_148 : i32
      %lt3A_150 = arith.constant 0 : i32
      %lt3A_151 = arith.cmpi slt, %select_n3A_144, %lt3A_150 : i32
      %ne3A_152 = arith.xori %lt3A_149, %lt3A_151 : i1
      %and3A_153 = arith.andi %ne3A_152, %ne3A_147 : i1
      %add3A_154 = arith.addi %rem3A_145, %select_n3A_144 : i32
      %select_n3A_155 = arith.select %and3A_153, %add3A_154, %rem3A_145 : i32
      %sub3A_156 = arith.subi %select_n3A_118, %select_n3A_155 : i32
      %while3A_157 = arith.subi %select_n3A_118, %sub3A_156 : i32
      %while3A_158 = arith.addi %sub3A_156, %while3A_157 : i32
      %while3A_159 = arith.constant 1 : i32
      %while3A_160 = arith.divsi %while3A_157, %while3A_159 : i32
      %while3A_161 = arith.muli %while3A_160, %while3A_159 : i32
      %while3A_162 = arith.addi %sub3A_156, %while3A_161 : i32
      %while3A_163 = arith.constant 1 : i32
      %while3A_164 = scf.for %while3A_455 = %sub3A_156 to %while3A_162 step %while3A_163 iter_args(%while3A_456 = %parallel_loop3A_139#0) -> (vector<16xf32>)  : i32 {
        %mul3A_457 = arith.constant 16 : i32
        %mul3A_458 = arith.muli %while3A_455, %mul3A_457 : i32
        %get3A = arith.index_cast %mul3A_458 : i32 to index
        %get3A_459 = tpu.vector_load %arg7[%get3A] {strides = array<i32>} : memref<12304xf32, #tpu.memory_space<vmem>>, vector<16xf32>,
        %max3A = arith.maximumf %while3A_456, %get3A_459 : vector<16xf32>
        scf.yield %max3A : vector<16xf32>
      }
      %while3A_165 = arith.constant 1 : i32
      %while3A_166 = scf.for %while3A_455 = %while3A_162 to %while3A_158 step %while3A_165 iter_args(%while3A_456 = %while3A_164) -> (vector<16xf32>)  : i32 {
        %mul3A_457 = arith.constant 16 : i32
        %mul3A_458 = arith.muli %while3A_455, %mul3A_457 : i32
        %get3A = arith.index_cast %mul3A_458 : i32 to index
        %get3A_459 = tpu.vector_load %arg7[%get3A] {strides = array<i32>} : memref<12304xf32, #tpu.memory_space<vmem>>, vector<16xf32>,
        %max3A = arith.maximumf %while3A_456, %get3A_459 : vector<16xf32>
        scf.yield %max3A : vector<16xf32>
      }
      %min3A_167 = arith.minimumf %while3A_166, %parallel_loop3A_139#1 : vector<16xf32>
      %min3A_168 = arith.minimumf %parallel_loop3A_139#2, %parallel_loop3A_139#3 : vector<16xf32>
      %min3A_169 = arith.minimumf %min3A_167, %min3A_168 : vector<16xf32>
      %reduce_min3A_170 = arith.constant true
      %reduce_min3A_171 = vector.broadcast %reduce_min3A_170 : i1 to vector<16xi1>
      %reduce_min3A_172 = tpu.scan <min>, %min3A_169 masked %reduce_min3A_171 : vector<16xf32>, vector<16xi1> -> vector<16xf32>
      %reduce_min3A_173 = vector.extract %reduce_min3A_172[15] : f32 from vector<16xf32>
      %while3A_174 = arith.constant 0 : i32
      %while3A_175 = arith.constant 0 : i32
      %while3A_176 = arith.subi %select_n3A_118, %while3A_174 : i32
      %while3A_177 = arith.addi %while3A_174, %while3A_176 : i32
      %while3A_178 = arith.constant 1 : i32
      %while3A_179 = arith.divsi %while3A_176, %while3A_178 : i32
      %while3A_180 = arith.muli %while3A_179, %while3A_178 : i32
      %while3A_181 = arith.addi %while3A_174, %while3A_180 : i32
      %while3A_182 = arith.constant 1 : i32
      %while3A_183 = scf.for %while3A_455 = %while3A_174 to %while3A_181 step %while3A_182 iter_args(%while3A_456 = %while3A_175) -> (i32)  : i32 {
        %mul3A_457 = arith.constant 16 : i32
        %mul3A_458 = arith.muli %while3A_455, %mul3A_457 : i32
        %get3A = arith.index_cast %mul3A_458 : i32 to index
        %get3A_459 = tpu.vector_load %arg7[%get3A] {strides = array<i32>} : memref<12304xf32, #tpu.memory_space<vmem>>, vector<16xf32>,
        %mul3A_460 = arith.constant 16 : i32
        %mul3A_461 = arith.muli %while3A_455, %mul3A_460 : i32
        %get3A_462 = arith.index_cast %mul3A_461 : i32 to index
        %get3A_463 = tpu.vector_load %arg8[%get3A_462] {strides = array<i32>} : memref<12304xi32, #tpu.memory_space<vmem>>, vector<16xi32>,
        %ge3A = vector.broadcast %reduce_min3A_173 : f32 to vector<16xf32>
        %ge3A_464 = arith.cmpf oge, %get3A_459, %ge3A : vector<16xf32>
        %swap3A_465 = arith.index_cast %while3A_456 : i32 to index
        %swap3A_466 = tpu.vector_load %arg9[%swap3A_465] masked %ge3A_464 {strides = array<i32>} : memref<12304xf32, #tpu.memory_space<vmem>>, vector<16xf32>, vector<16xi1>
        tpu.vector_store %arg9[%swap3A_465], %get3A_459 masked %ge3A_464 {strides = array<i32>} : memref<12304xf32, #tpu.memory_space<vmem>>, vector<16xf32>, vector<16xi1>
        %swap3A_467 = arith.index_cast %while3A_456 : i32 to index
        %swap3A_468 = tpu.vector_load %arg10[%swap3A_467] masked %ge3A_464 {strides = array<i32>} : memref<12304xi32, #tpu.memory_space<vmem>>, vector<16xi32>, vector<16xi1>
        tpu.vector_store %arg10[%swap3A_467], %get3A_463 masked %ge3A_464 {strides = array<i32>} : memref<12304xi32, #tpu.memory_space<vmem>>, vector<16xi32>, vector<16xi1>
        %convert_element_type3A_469 = arith.extui %ge3A_464 : vector<16xi1> to vector<16xi32>
        %reduce_sum3A = arith.constant true
        %reduce_sum3A_470 = vector.broadcast %reduce_sum3A : i1 to vector<16xi1>
        %reduce_sum3A_471 = tpu.scan <sum>, %convert_element_type3A_469 masked %reduce_sum3A_470 : vector<16xi32>, vector<16xi1> -> vector<16xi32>
        %reduce_sum3A_472 = vector.extract %reduce_sum3A_471[15] : i32 from vector<16xi32>
        %add3A_473 = arith.addi %while3A_456, %reduce_sum3A_472 : i32
        scf.yield %add3A_473 : i32
      }
      %while3A_184 = arith.constant 1 : i32
      %while3A_185 = scf.for %while3A_455 = %while3A_181 to %while3A_177 step %while3A_184 iter_args(%while3A_456 = %while3A_183) -> (i32)  : i32 {
        %mul3A_457 = arith.constant 16 : i32
        %mul3A_458 = arith.muli %while3A_455, %mul3A_457 : i32
        %get3A = arith.index_cast %mul3A_458 : i32 to index
        %get3A_459 = tpu.vector_load %arg7[%get3A] {strides = array<i32>} : memref<12304xf32, #tpu.memory_space<vmem>>, vector<16xf32>,
        %mul3A_460 = arith.constant 16 : i32
        %mul3A_461 = arith.muli %while3A_455, %mul3A_460 : i32
        %get3A_462 = arith.index_cast %mul3A_461 : i32 to index
        %get3A_463 = tpu.vector_load %arg8[%get3A_462] {strides = array<i32>} : memref<12304xi32, #tpu.memory_space<vmem>>, vector<16xi32>,
        %ge3A = vector.broadcast %reduce_min3A_173 : f32 to vector<16xf32>
        %ge3A_464 = arith.cmpf oge, %get3A_459, %ge3A : vector<16xf32>
        %swap3A_465 = arith.index_cast %while3A_456 : i32 to index
        %swap3A_466 = tpu.vector_load %arg9[%swap3A_465] masked %ge3A_464 {strides = array<i32>} : memref<12304xf32, #tpu.memory_space<vmem>>, vector<16xf32>, vector<16xi1>
        tpu.vector_store %arg9[%swap3A_465], %get3A_459 masked %ge3A_464 {strides = array<i32>} : memref<12304xf32, #tpu.memory_space<vmem>>, vector<16xf32>, vector<16xi1>
        %swap3A_467 = arith.index_cast %while3A_456 : i32 to index
        %swap3A_468 = tpu.vector_load %arg10[%swap3A_467] masked %ge3A_464 {strides = array<i32>} : memref<12304xi32, #tpu.memory_space<vmem>>, vector<16xi32>, vector<16xi1>
        tpu.vector_store %arg10[%swap3A_467], %get3A_463 masked %ge3A_464 {strides = array<i32>} : memref<12304xi32, #tpu.memory_space<vmem>>, vector<16xi32>, vector<16xi1>
        %convert_element_type3A_469 = arith.extui %ge3A_464 : vector<16xi1> to vector<16xi32>
        %reduce_sum3A = arith.constant true
        %reduce_sum3A_470 = vector.broadcast %reduce_sum3A : i1 to vector<16xi1>
        %reduce_sum3A_471 = tpu.scan <sum>, %convert_element_type3A_469 masked %reduce_sum3A_470 : vector<16xi32>, vector<16xi1> -> vector<16xi32>
        %reduce_sum3A_472 = vector.extract %reduce_sum3A_471[15] : i32 from vector<16xi32>
        %add3A_473 = arith.addi %while3A_456, %reduce_sum3A_472 : i32
        scf.yield %add3A_473 : i32
      }
      %mul3A_186 = arith.constant 64 : i32
      %mul3A_187 = arith.muli %mul3A_21, %mul3A_186 : i32
      %broadcast_in_dim3A_188 = arith.constant 0xFF800000 : f32
      %broadcast_in_dim3A_189 = vector.broadcast %broadcast_in_dim3A_188 : f32 to vector<16xf32>
      %swap3A_190 = arith.index_cast %while3A_185 : i32 to index
      %swap3A_191 = tpu.vector_load %arg9[%swap3A_190] {strides = array<i32>} : memref<12304xf32, #tpu.memory_space<vmem>>, vector<16xf32>,
      tpu.vector_store %arg9[%swap3A_190], %broadcast_in_dim3A_189 {strides = array<i32>} : memref<12304xf32, #tpu.memory_space<vmem>>, vector<16xf32>,
      %add3A_192 = arith.constant 15 : i32
      %add3A_193 = arith.addi %while3A_185, %add3A_192 : i32
      %jit3A_194 = arith.constant 16 : i32
      %div3A_195 = arith.divsi %add3A_193, %jit3A_194 : i32
      %sign3A_196 = arith.constant 0 : i32
      %sign3A_197 = arith.cmpi sgt, %add3A_193, %sign3A_196 : i32
      %sign3A_198 = arith.extui %sign3A_197 : i1 to i32
      %sign3A_199 = arith.constant 0 : i32
      %sign3A_200 = arith.cmpi slt, %add3A_193, %sign3A_199 : i32
      %sign3A_201 = arith.extui %sign3A_200 : i1 to i32
      %sign3A_202 = arith.subi %sign3A_198, %sign3A_201 : i32
      %sign3A_203 = arith.constant 0 : i32
      %sign3A_204 = arith.cmpi sgt, %jit3A_194, %sign3A_203 : i32
      %sign3A_205 = arith.extui %sign3A_204 : i1 to i32
      %sign3A_206 = arith.constant 0 : i32
      %sign3A_207 = arith.cmpi slt, %jit3A_194, %sign3A_206 : i32
      %sign3A_208 = arith.extui %sign3A_207 : i1 to i32
      %sign3A_209 = arith.subi %sign3A_205, %sign3A_208 : i32
      %ne3A_210 = arith.cmpi ne, %sign3A_202, %sign3A_209 : i32
      %rem3A_211 = arith.remsi %add3A_193, %jit3A_194 : i32
      %ne3A_212 = arith.constant 0 : i32
      %ne3A_213 = arith.cmpi ne, %rem3A_211, %ne3A_212 : i32
      %and3A_214 = arith.andi %ne3A_210, %ne3A_213 : i1
      %sub3A_215 = arith.constant 1 : i32
      %sub3A_216 = arith.subi %div3A_195, %sub3A_215 : i32
      %select_n3A_217 = arith.select %and3A_214, %sub3A_216, %div3A_195 : i32
      %broadcast_in_dim3A_218 = arith.constant 0xFF800000 : f32
      %broadcast_in_dim3A_219 = vector.broadcast %broadcast_in_dim3A_218 : f32 to vector<16xf32>
      %broadcast_in_dim3A_220 = arith.constant 1073741824 : i32
      %broadcast_in_dim3A_221 = vector.broadcast %broadcast_in_dim3A_220 : i32 to vector<16xi32>
      %scan3A_222 = arith.constant 0x7F800000 : f32
      %scan3A_223 = arith.constant -1 : i32
      %scan3A_224 = arith.constant 0 : i32
      %scan3A_225 = arith.constant 64 : i32
      %scan3A_226 = arith.addi %scan3A_224, %scan3A_225 : i32
      %scan3A_227 = arith.constant 1 : i32
      %scan3A_228:2 = scf.for %scan3A_455 = %scan3A_224 to %scan3A_226 step %scan3A_227 iter_args(%scan3A_456 = %scan3A_222, %scan3A_457 = %scan3A_223) -> (f32, i32)  : i32 {
        %parallel_loop3A_458 = arith.constant 0 : i32
        %parallel_loop3A_459 = arith.constant 1 : i32
        %parallel_loop3A_460:2 = scf.for %parallel_loop3A_485 = %parallel_loop3A_458 to %select_n3A_217 step %parallel_loop3A_459 iter_args(%parallel_loop3A_486 = %broadcast_in_dim3A_219, %parallel_loop3A_487 = %broadcast_in_dim3A_221) -> (vector<16xf32>, vector<16xi32>)  : i32 {
          %parallel_loop3A_488 = arith.constant 16 : i32
          %parallel_loop3A_489 = arith.muli %parallel_loop3A_485, %parallel_loop3A_488 : i32
          %parallel_loop3A_490 = arith.index_cast %parallel_loop3A_489 : i32 to index
          %parallel_loop3A_491 = tpu.vector_load %arg9[%parallel_loop3A_490] {strides = array<i32>} : memref<12304xf32, #tpu.memory_space<vmem>>, vector<16xf32>,
          %parallel_loop3A_492 = arith.constant 16 : i32
          %parallel_loop3A_493 = arith.muli %parallel_loop3A_485, %parallel_loop3A_492 : i32
          %parallel_loop3A_494 = arith.index_cast %parallel_loop3A_493 : i32 to index
          %parallel_loop3A_495 = tpu.vector_load %arg10[%parallel_loop3A_494] {strides = array<i32>} : memref<12304xi32, #tpu.memory_space<vmem>>, vector<16xi32>,
          %parallel_loop3A_496 = vector.broadcast %scan3A_456 : f32 to vector<16xf32>
          %parallel_loop3A_497 = arith.cmpf oeq, %parallel_loop3A_491, %parallel_loop3A_496 : vector<16xf32>
          %parallel_loop3A_498 = vector.broadcast %scan3A_457 : i32 to vector<16xi32>
          %parallel_loop3A_499 = arith.cmpi eq, %parallel_loop3A_495, %parallel_loop3A_498 : vector<16xi32>
          %parallel_loop3A_500 = arith.andi %parallel_loop3A_497, %parallel_loop3A_499 : vector<16xi1>
          %parallel_loop3A_501 = arith.constant 0xFF800000 : f32
          %parallel_loop3A_502 = vector.broadcast %parallel_loop3A_501 : f32 to vector<16xf32>
          %parallel_loop3A_503 = arith.select %parallel_loop3A_500, %parallel_loop3A_502, %parallel_loop3A_491 : vector<16xi1>, vector<16xf32>
          %parallel_loop3A_504 = arith.constant 16 : i32
          %parallel_loop3A_505 = arith.muli %parallel_loop3A_485, %parallel_loop3A_504 : i32
          %parallel_loop3A_506 = arith.index_cast %parallel_loop3A_505 : i32 to index
          %parallel_loop3A_507 = tpu.vector_load %arg9[%parallel_loop3A_506] {strides = array<i32>} : memref<12304xf32, #tpu.memory_space<vmem>>, vector<16xf32>,
          tpu.vector_store %arg9[%parallel_loop3A_506], %parallel_loop3A_503 {strides = array<i32>} : memref<12304xf32, #tpu.memory_space<vmem>>, vector<16xf32>,
          %parallel_loop3A_508 = arith.cmpf ogt, %parallel_loop3A_503, %parallel_loop3A_486 : vector<16xf32>
          %parallel_loop3A_509 = arith.cmpf oeq, %parallel_loop3A_503, %parallel_loop3A_486 : vector<16xf32>
          %parallel_loop3A_510 = arith.cmpi slt, %parallel_loop3A_495, %parallel_loop3A_487 : vector<16xi32>
          %parallel_loop3A_511 = arith.andi %parallel_loop3A_509, %parallel_loop3A_510 : vector<16xi1>
          %parallel_loop3A_512 = arith.ori %parallel_loop3A_508, %parallel_loop3A_511 : vector<16xi1>
          %parallel_loop3A_513 = arith.select %parallel_loop3A_512, %parallel_loop3A_503, %parallel_loop3A_486 : vector<16xi1>, vector<16xf32>
          %parallel_loop3A_514 = arith.select %parallel_loop3A_512, %parallel_loop3A_495, %parallel_loop3A_487 : vector<16xi1>, vector<16xi32>
          scf.yield %parallel_loop3A_513, %parallel_loop3A_514 : vector<16xf32>, vector<16xi32>
        } {sc.loop_unroll_factor = 2 : i64, sc.parallel_access}
        %reduce_max3A = arith.constant true
        %reduce_max3A_461 = vector.broadcast %reduce_max3A : i1 to vector<16xi1>
        %reduce_max3A_462 = tpu.scan <max>, %parallel_loop3A_460#0 masked %reduce_max3A_461 : vector<16xf32>, vector<16xi1> -> vector<16xf32>
        %reduce_max3A_463 = vector.extract %reduce_max3A_462[15] : f32 from vector<16xf32>
        %eq3A_464 = vector.broadcast %reduce_max3A_463 : f32 to vector<16xf32>
        %eq3A_465 = arith.cmpf oeq, %parallel_loop3A_460#0, %eq3A_464 : vector<16xf32>
        %jit3A_466 = arith.constant 1073741824 : i32
        %broadcast_in_dim3A_467 = vector.broadcast %jit3A_466 : i32 to vector<16xi32>
        %select_n3A_468 = arith.select %eq3A_465, %parallel_loop3A_460#1, %broadcast_in_dim3A_467 : vector<16xi1>, vector<16xi32>
        %reduce_min3A_469 = arith.constant true
        %reduce_min3A_470 = vector.broadcast %reduce_min3A_469 : i1 to vector<16xi1>
        %reduce_min3A_471 = arith.constant -2147483648 : i32
        %reduce_min3A_472 = vector.broadcast %reduce_min3A_471 : i32 to vector<16xi32>
        %reduce_min3A_473 = arith.xori %select_n3A_468, %reduce_min3A_472 : vector<16xi32>
        %reduce_min3A_474 = tpu.scan <min>, %reduce_min3A_473 masked %reduce_min3A_470 : vector<16xi32>, vector<16xi1> -> vector<16xi32>
        %reduce_min3A_475 = arith.xori %reduce_min3A_474, %reduce_min3A_472 : vector<16xi32>
        %reduce_min3A_476 = vector.extract %reduce_min3A_475[15] : i32 from vector<16xi32>
        %add3A_477 = arith.addi %mul3A_187, %scan3A_455 : i32
        %broadcast_in_dim3A_478 = vector.broadcast %reduce_max3A_463 : f32 to vector<16xf32>
        %swap3A_479 = arith.index_cast %add3A_477 : i32 to index
        %swap3A_480 = tpu.vector_load %arg11[%swap3A_479] masked %eq3A_1 {strides = array<i32>} : memref<336xf32, #tpu.memory_space<vmem>>, vector<16xf32>, vector<16xi1>
        tpu.vector_store %arg11[%swap3A_479], %broadcast_in_dim3A_478 masked %eq3A_1 {strides = array<i32>} : memref<336xf32, #tpu.memory_space<vmem>>, vector<16xf32>, vector<16xi1>
        %add3A_481 = arith.addi %mul3A_187, %scan3A_455 : i32
        %broadcast_in_dim3A_482 = vector.broadcast %reduce_min3A_476 : i32 to vector<16xi32>
        %swap3A_483 = arith.index_cast %add3A_481 : i32 to index
        %swap3A_484 = tpu.vector_load %arg12[%swap3A_483] masked %eq3A_1 {strides = array<i32>} : memref<336xi32, #tpu.memory_space<vmem>>, vector<16xi32>, vector<16xi1>
        tpu.vector_store %arg12[%swap3A_483], %broadcast_in_dim3A_482 masked %eq3A_1 {strides = array<i32>} : memref<336xi32, #tpu.memory_space<vmem>>, vector<16xi32>, vector<16xi1>
        scf.yield %reduce_max3A_463, %reduce_min3A_476 : f32, i32
      }
      %scan3A_229 = arith.constant 64 : i32
      %add3A_230 = arith.addi %mul3A_4, %mul3A_21 : i32
      %add3A_231 = arith.constant 1 : i32
      %add3A_232 = arith.addi %add3A_230, %add3A_231 : i32
      %dma_wait3A_233 = arith.constant 0 : i32
      %dma_wait3A_234 = tpu.memref_slice %arg2[%add3A_232, %dma_wait3A_233] : memref<128x32768xf32, #tpu.memory_space<hbm>> -> memref<1x32768xf32, #tpu.memory_space<hbm>>
      %dma_wait3A_235 = tpu.memref_squeeze %dma_wait3A_234 : memref<1x32768xf32, #tpu.memory_space<hbm>> -> memref<32768xf32, #tpu.memory_space<hbm>>
      %dma_wait3A_236 = arith.constant 0 : i32
      %dma_wait3A_237 = tpu.memref_slice %arg2[%add3A_232, %dma_wait3A_236] : memref<128x32768xf32, #tpu.memory_space<hbm>> -> memref<1x32768xf32, #tpu.memory_space<hbm>>
      %dma_wait3A_238 = tpu.memref_squeeze %dma_wait3A_237 : memref<1x32768xf32, #tpu.memory_space<hbm>> -> memref<32768xf32, #tpu.memory_space<hbm>>
      tpu.wait_dma2 semaphore(%arg14 : memref<!tpu.dma_semaphore, #tpu.memory_space<semaphore_mem>>) src(%dma_wait3A_238 : memref<32768xf32, #tpu.memory_space<hbm>>) dst(%arg6 : memref<32768xf32, #tpu.memory_space<vmem>>)
      %add3A_239 = arith.constant 1 : i32
      %add3A_240 = arith.addi %scan3A_18, %add3A_239 : i32
      %lt3A_241 = arith.constant 2 : i32
      %lt3A_242 = arith.cmpi slt, %add3A_240, %lt3A_241 : i32
      %convert_element_type3A = arith.extui %lt3A_242 : i1 to i32
      %cond3A = arith.constant 0 : i32
      %cond3A_243 = arith.cmpi ne, %convert_element_type3A, %cond3A : i32
      scf.if %cond3A_243 {
        %add3A_455 = arith.addi %mul3A_4, %mul3A_21 : i32
        %add3A_456 = arith.constant 2 : i32
        %add3A_457 = arith.addi %add3A_455, %add3A_456 : i32
        %dma_start3A_458 = arith.constant 0 : i32
        %dma_start3A_459 = tpu.memref_slice %arg2[%add3A_457, %dma_start3A_458] : memref<128x32768xf32, #tpu.memory_space<hbm>> -> memref<1x32768xf32, #tpu.memory_space<hbm>>
        %dma_start3A_460 = tpu.memref_squeeze %dma_start3A_459 : memref<1x32768xf32, #tpu.memory_space<hbm>> -> memref<32768xf32, #tpu.memory_space<hbm>>
        %dma_start3A_461 = arith.constant 0 : i32
        %dma_start3A_462 = tpu.memref_slice %arg2[%add3A_457, %dma_start3A_461] : memref<128x32768xf32, #tpu.memory_space<hbm>> -> memref<1x32768xf32, #tpu.memory_space<hbm>>
        %dma_start3A_463 = tpu.memref_squeeze %dma_start3A_462 : memref<1x32768xf32, #tpu.memory_space<hbm>> -> memref<32768xf32, #tpu.memory_space<hbm>>
        tpu.enqueue_dma source(%dma_start3A_463 : memref<32768xf32, #tpu.memory_space<hbm>>) target(%arg5 : memref<32768xf32, #tpu.memory_space<vmem>>) target_semaphore(%arg13 : memref<!tpu.dma_semaphore, #tpu.memory_space<semaphore_mem>>)
      } else {
      }
      %add3A_244 = arith.constant 1 : i32
      %add3A_245 = arith.addi %mul3A_21, %add3A_244 : i32
      %broadcast_in_dim3A_246 = arith.constant 0xFF800000 : f32
      %broadcast_in_dim3A_247 = vector.broadcast %broadcast_in_dim3A_246 : f32 to vector<16xf32>
      %parallel_loop3A_248 = arith.constant 0 : i32
      %parallel_loop3A_249 = arith.constant 2048 : i32
      %parallel_loop3A_250 = arith.constant 4 : i32
      %parallel_loop3A_251:4 = scf.for %parallel_loop3A_455 = %parallel_loop3A_248 to %parallel_loop3A_249 step %parallel_loop3A_250 iter_args(%parallel_loop3A_456 = %broadcast_in_dim3A_247, %parallel_loop3A_457 = %broadcast_in_dim3A_247, %parallel_loop3A_458 = %broadcast_in_dim3A_247, %parallel_loop3A_459 = %broadcast_in_dim3A_247) -> (vector<16xf32>, vector<16xf32>, vector<16xf32>, vector<16xf32>)  : i32 {
        %parallel_loop3A_460 = arith.constant 16 : i32
        %parallel_loop3A_461 = arith.muli %parallel_loop3A_455, %parallel_loop3A_460 : i32
        %parallel_loop3A_462 = arith.index_cast %parallel_loop3A_461 : i32 to index
        %parallel_loop3A_463 = tpu.vector_load %arg6[%parallel_loop3A_462] {strides = array<i32>} : memref<32768xf32, #tpu.memory_space<vmem>>, vector<16xf32>,
        %parallel_loop3A_464 = arith.maximumf %parallel_loop3A_456, %parallel_loop3A_463 : vector<16xf32>
        %parallel_loop3A_465 = arith.constant 1 : i32
        %parallel_loop3A_466 = arith.addi %parallel_loop3A_455, %parallel_loop3A_465 : i32
        %parallel_loop3A_467 = arith.constant 16 : i32
        %parallel_loop3A_468 = arith.muli %parallel_loop3A_466, %parallel_loop3A_467 : i32
        %parallel_loop3A_469 = arith.index_cast %parallel_loop3A_468 : i32 to index
        %parallel_loop3A_470 = tpu.vector_load %arg6[%parallel_loop3A_469] {strides = array<i32>} : memref<32768xf32, #tpu.memory_space<vmem>>, vector<16xf32>,
        %parallel_loop3A_471 = arith.maximumf %parallel_loop3A_457, %parallel_loop3A_470 : vector<16xf32>
        %parallel_loop3A_472 = arith.constant 2 : i32
        %parallel_loop3A_473 = arith.addi %parallel_loop3A_455, %parallel_loop3A_472 : i32
        %parallel_loop3A_474 = arith.constant 16 : i32
        %parallel_loop3A_475 = arith.muli %parallel_loop3A_473, %parallel_loop3A_474 : i32
        %parallel_loop3A_476 = arith.index_cast %parallel_loop3A_475 : i32 to index
        %parallel_loop3A_477 = tpu.vector_load %arg6[%parallel_loop3A_476] {strides = array<i32>} : memref<32768xf32, #tpu.memory_space<vmem>>, vector<16xf32>,
        %parallel_loop3A_478 = arith.maximumf %parallel_loop3A_458, %parallel_loop3A_477 : vector<16xf32>
        %parallel_loop3A_479 = arith.constant 3 : i32
        %parallel_loop3A_480 = arith.addi %parallel_loop3A_455, %parallel_loop3A_479 : i32
        %parallel_loop3A_481 = arith.constant 16 : i32
        %parallel_loop3A_482 = arith.muli %parallel_loop3A_480, %parallel_loop3A_481 : i32
        %parallel_loop3A_483 = arith.index_cast %parallel_loop3A_482 : i32 to index
        %parallel_loop3A_484 = tpu.vector_load %arg6[%parallel_loop3A_483] {strides = array<i32>} : memref<32768xf32, #tpu.memory_space<vmem>>, vector<16xf32>,
        %parallel_loop3A_485 = arith.maximumf %parallel_loop3A_459, %parallel_loop3A_484 : vector<16xf32>
        scf.yield %parallel_loop3A_464, %parallel_loop3A_471, %parallel_loop3A_478, %parallel_loop3A_485 : vector<16xf32>, vector<16xf32>, vector<16xf32>, vector<16xf32>
      } {sc.loop_unroll_factor = 4 : i64, sc.parallel_access}
      %scan3A_252 = arith.constant 2048 : i32
      %scan3A_253 = arith.constant 0 : i32
      %scan3A_254 = arith.addi %scan3A_252, %scan3A_253 : i32
      %scan3A_255 = arith.constant 0 : i32
      %min3A_256 = arith.minimumf %parallel_loop3A_251#0, %parallel_loop3A_251#1 : vector<16xf32>
      %min3A_257 = arith.minimumf %parallel_loop3A_251#2, %parallel_loop3A_251#3 : vector<16xf32>
      %min3A_258 = arith.minimumf %min3A_256, %min3A_257 : vector<16xf32>
      %reduce_min3A_259 = arith.constant true
      %reduce_min3A_260 = vector.broadcast %reduce_min3A_259 : i1 to vector<16xi1>
      %reduce_min3A_261 = tpu.scan <min>, %min3A_258 masked %reduce_min3A_260 : vector<16xf32>, vector<16xi1> -> vector<16xf32>
      %reduce_min3A_262 = vector.extract %reduce_min3A_261[15] : f32 from vector<16xf32>
      %scan3A_263 = arith.constant 0 : i32
      %scan3A_264 = arith.constant 0 : i32
      %scan3A_265 = arith.constant 4 : i32
      %scan3A_266 = arith.addi %scan3A_264, %scan3A_265 : i32
      %scan3A_267 = arith.constant 1 : i32
      %scan3A_268:2 = scf.for %scan3A_455 = %scan3A_264 to %scan3A_266 step %scan3A_267 iter_args(%scan3A_456 = %scan3A_263, %scan3A_457 = %reduce_min3A_262) -> (i32, f32)  : i32 {
        %mul3A_458 = arith.constant 512 : i32
        %mul3A_459 = arith.muli %scan3A_455, %mul3A_458 : i32
        %add3A_460 = arith.constant 1 : i32
        %add3A_461 = arith.addi %scan3A_455, %add3A_460 : i32
        %mul3A_462 = arith.constant 512 : i32
        %mul3A_463 = arith.muli %add3A_461, %mul3A_462 : i32
        %broadcast_in_dim3A_464 = arith.constant 0 : i32
        %broadcast_in_dim3A_465 = vector.broadcast %broadcast_in_dim3A_464 : i32 to vector<16xi32>
        %add3A_466 = vector.broadcast %scan3A_456 : i32 to vector<16xi32>
        %add3A_467 = arith.addi %broadcast_in_dim3A_465, %add3A_466 : vector<16xi32>
        %parallel_loop3A_468 = arith.constant 1 : i32
        %parallel_loop3A_469 = scf.for %parallel_loop3A_482 = %mul3A_459 to %mul3A_463 step %parallel_loop3A_468 iter_args(%parallel_loop3A_483 = %add3A_467) -> (vector<16xi32>)  : i32 {
          %parallel_loop3A_484 = arith.constant 16 : i32
          %parallel_loop3A_485 = arith.muli %parallel_loop3A_482, %parallel_loop3A_484 : i32
          %parallel_loop3A_486 = arith.index_cast %parallel_loop3A_485 : i32 to index
          %parallel_loop3A_487 = tpu.vector_load %arg6[%parallel_loop3A_486] {strides = array<i32>} : memref<32768xf32, #tpu.memory_space<vmem>>, vector<16xf32>,
          %parallel_loop3A_488 = arith.constant 16 : i32
          %parallel_loop3A_489 = arith.muli %parallel_loop3A_482, %parallel_loop3A_488 : i32
          %parallel_loop3A_490 = vector.broadcast %parallel_loop3A_489 : i32 to vector<16xi32>
          %parallel_loop3A_491 = arith.addi %parallel_loop3A_490, %iota3A : vector<16xi32>
          %parallel_loop3A_492 = vector.broadcast %scan3A_457 : f32 to vector<16xf32>
          %parallel_loop3A_493 = arith.cmpf oge, %parallel_loop3A_487, %parallel_loop3A_492 : vector<16xf32>
          %parallel_loop3A_494 = arith.extui %parallel_loop3A_493 : vector<16xi1> to vector<16xi32>
          %parallel_loop3A_495 = arith.constant true
          %parallel_loop3A_496 = vector.broadcast %parallel_loop3A_495 : i1 to vector<16xi1>
          %parallel_loop3A_497 = tpu.scan <sum>, %parallel_loop3A_494 masked %parallel_loop3A_496 : vector<16xi32>, vector<16xi1> -> vector<16xi32>
          %parallel_loop3A_498 = arith.addi %parallel_loop3A_483, %parallel_loop3A_497 : vector<16xi32>
          %parallel_loop3A_499 = arith.constant 1 : i32
          %parallel_loop3A_500 = vector.broadcast %parallel_loop3A_499 : i32 to vector<16xi32>
          %parallel_loop3A_501 = arith.subi %parallel_loop3A_498, %parallel_loop3A_500 : vector<16xi32>
          tpu.vector_store_idx %arg8[%parallel_loop3A_501], %parallel_loop3A_491 masked %parallel_loop3A_493 : memref<12304xi32, #tpu.memory_space<vmem>>[vector<16xi32>], vector<16xi32>, vector<16xi1>
          %parallel_loop3A_502 = tpu.all_reduce %parallel_loop3A_493 {dim = 0 : i64, kind = #tpu.reduction_kind<sum>} : vector<16xi1> -> vector<16xi32>
          %parallel_loop3A_503 = arith.addi %parallel_loop3A_483, %parallel_loop3A_502 : vector<16xi32>
          scf.yield %parallel_loop3A_503 : vector<16xi32>
        } {sc.loop_unroll_factor = 4 : i64, sc.parallel_access}
        %reduce_max3A = arith.constant true
        %reduce_max3A_470 = vector.broadcast %reduce_max3A : i1 to vector<16xi1>
        %reduce_max3A_471 = arith.constant -2147483648 : i32
        %reduce_max3A_472 = vector.broadcast %reduce_max3A_471 : i32 to vector<16xi32>
        %reduce_max3A_473 = arith.xori %parallel_loop3A_469, %reduce_max3A_472 : vector<16xi32>
        %reduce_max3A_474 = tpu.scan <max>, %reduce_max3A_473 masked %reduce_max3A_470 : vector<16xi32>, vector<16xi1> -> vector<16xi32>
        %reduce_max3A_475 = arith.xori %reduce_max3A_474, %reduce_max3A_472 : vector<16xi32>
        %reduce_max3A_476 = vector.extract %reduce_max3A_475[15] : i32 from vector<16xi32>
        %gt3A = arith.constant 4096 : i32
        %gt3A_477 = arith.cmpi sgt, %reduce_max3A_476, %gt3A : i32
        %convert_element_type3A_478 = arith.extui %gt3A_477 : i1 to i32
        %cond3A_479 = arith.constant 0 : i32
        %cond3A_480 = arith.cmpi ne, %convert_element_type3A_478, %cond3A_479 : i32
        %cond3A_481:2 = scf.if %cond3A_480 -> (i32, f32) {
          %broadcast_in_dim3A_482 = arith.constant 0 : i32
          %broadcast_in_dim3A_483 = vector.broadcast %broadcast_in_dim3A_482 : i32 to vector<16xi32>
          %swap3A_484 = arith.index_cast %reduce_max3A_476 : i32 to index
          %swap3A_485 = tpu.vector_load %arg8[%swap3A_484] {strides = array<i32>} : memref<12304xi32, #tpu.memory_space<vmem>>, vector<16xi32>,
          tpu.vector_store %arg8[%swap3A_484], %broadcast_in_dim3A_483 {strides = array<i32>} : memref<12304xi32, #tpu.memory_space<vmem>>, vector<16xi32>,
          %add3A_486 = arith.constant 15 : i32
          %add3A_487 = arith.addi %reduce_max3A_476, %add3A_486 : i32
          %jit3A_488 = arith.constant 16 : i32
          %div3A_489 = arith.divsi %add3A_487, %jit3A_488 : i32
          %sign3A_490 = arith.constant 0 : i32
          %sign3A_491 = arith.cmpi sgt, %add3A_487, %sign3A_490 : i32
          %sign3A_492 = arith.extui %sign3A_491 : i1 to i32
          %sign3A_493 = arith.constant 0 : i32
          %sign3A_494 = arith.cmpi slt, %add3A_487, %sign3A_493 : i32
          %sign3A_495 = arith.extui %sign3A_494 : i1 to i32
          %sign3A_496 = arith.subi %sign3A_492, %sign3A_495 : i32
          %sign3A_497 = arith.constant 0 : i32
          %sign3A_498 = arith.cmpi sgt, %jit3A_488, %sign3A_497 : i32
          %sign3A_499 = arith.extui %sign3A_498 : i1 to i32
          %sign3A_500 = arith.constant 0 : i32
          %sign3A_501 = arith.cmpi slt, %jit3A_488, %sign3A_500 : i32
          %sign3A_502 = arith.extui %sign3A_501 : i1 to i32
          %sign3A_503 = arith.subi %sign3A_499, %sign3A_502 : i32
          %ne3A_504 = arith.cmpi ne, %sign3A_496, %sign3A_503 : i32
          %rem3A_505 = arith.remsi %add3A_487, %jit3A_488 : i32
          %ne3A_506 = arith.constant 0 : i32
          %ne3A_507 = arith.cmpi ne, %rem3A_505, %ne3A_506 : i32
          %and3A_508 = arith.andi %ne3A_504, %ne3A_507 : i1
          %sub3A_509 = arith.constant 1 : i32
          %sub3A_510 = arith.subi %div3A_489, %sub3A_509 : i32
          %select_n3A_511 = arith.select %and3A_508, %sub3A_510, %div3A_489 : i32
          %while3A_512 = arith.constant 0 : i32
          %while3A_513 = arith.constant 0 : i32
          %while3A_514 = arith.subi %select_n3A_511, %while3A_512 : i32
          %while3A_515 = arith.addi %while3A_512, %while3A_514 : i32
          %while3A_516 = arith.constant 1 : i32
          %while3A_517 = arith.divsi %while3A_514, %while3A_516 : i32
          %while3A_518 = arith.muli %while3A_517, %while3A_516 : i32
          %while3A_519 = arith.addi %while3A_512, %while3A_518 : i32
          %while3A_520 = arith.constant 1 : i32
          %while3A_521 = scf.for %while3A_582 = %while3A_512 to %while3A_519 step %while3A_520 iter_args(%while3A_583 = %while3A_513) -> (i32)  : i32 {
            %mul3A_584 = arith.constant 16 : i32
            %mul3A_585 = arith.muli %while3A_582, %mul3A_584 : i32
            %get3A_586 = arith.index_cast %mul3A_585 : i32 to index
            %get3A_587 = tpu.vector_load %arg8[%get3A_586] {strides = array<i32>} : memref<12304xi32, #tpu.memory_space<vmem>>, vector<16xi32>,
            %gather3A = tpu.vector_load_idx %arg6[%get3A_587] : memref<32768xf32, #tpu.memory_space<vmem>>[vector<16xi32>], vector<16xf32>,
            %mul3A_588 = arith.constant 16 : i32
            %mul3A_589 = arith.muli %while3A_582, %mul3A_588 : i32
            %swap3A_590 = arith.index_cast %mul3A_589 : i32 to index
            %swap3A_591 = tpu.vector_load %arg7[%swap3A_590] {strides = array<i32>} : memref<12304xf32, #tpu.memory_space<vmem>>, vector<16xf32>,
            tpu.vector_store %arg7[%swap3A_590], %gather3A {strides = array<i32>} : memref<12304xf32, #tpu.memory_space<vmem>>, vector<16xf32>,
            %while3A_592 = arith.constant 0 : i32
            scf.yield %while3A_592 : i32
          }
          %while3A_522 = arith.constant 1 : i32
          %while3A_523 = scf.for %while3A_582 = %while3A_519 to %while3A_515 step %while3A_522 iter_args(%while3A_583 = %while3A_521) -> (i32)  : i32 {
            %mul3A_584 = arith.constant 16 : i32
            %mul3A_585 = arith.muli %while3A_582, %mul3A_584 : i32
            %get3A_586 = arith.index_cast %mul3A_585 : i32 to index
            %get3A_587 = tpu.vector_load %arg8[%get3A_586] {strides = array<i32>} : memref<12304xi32, #tpu.memory_space<vmem>>, vector<16xi32>,
            %gather3A = tpu.vector_load_idx %arg6[%get3A_587] : memref<32768xf32, #tpu.memory_space<vmem>>[vector<16xi32>], vector<16xf32>,
            %mul3A_588 = arith.constant 16 : i32
            %mul3A_589 = arith.muli %while3A_582, %mul3A_588 : i32
            %swap3A_590 = arith.index_cast %mul3A_589 : i32 to index
            %swap3A_591 = tpu.vector_load %arg7[%swap3A_590] {strides = array<i32>} : memref<12304xf32, #tpu.memory_space<vmem>>, vector<16xf32>,
            tpu.vector_store %arg7[%swap3A_590], %gather3A {strides = array<i32>} : memref<12304xf32, #tpu.memory_space<vmem>>, vector<16xf32>,
            %while3A_592 = arith.constant 0 : i32
            scf.yield %while3A_592 : i32
          }
          %broadcast_in_dim3A_524 = arith.constant 0xFF800000 : f32
          %broadcast_in_dim3A_525 = vector.broadcast %broadcast_in_dim3A_524 : f32 to vector<16xf32>
          %swap3A_526 = arith.index_cast %reduce_max3A_476 : i32 to index
          %swap3A_527 = tpu.vector_load %arg7[%swap3A_526] {strides = array<i32>} : memref<12304xf32, #tpu.memory_space<vmem>>, vector<16xf32>,
          tpu.vector_store %arg7[%swap3A_526], %broadcast_in_dim3A_525 {strides = array<i32>} : memref<12304xf32, #tpu.memory_space<vmem>>, vector<16xf32>,
          %add3A_528 = arith.constant 15 : i32
          %add3A_529 = arith.addi %reduce_max3A_476, %add3A_528 : i32
          %jit3A_530 = arith.constant 16 : i32
          %div3A_531 = arith.divsi %add3A_529, %jit3A_530 : i32
          %sign3A_532 = arith.constant 0 : i32
          %sign3A_533 = arith.cmpi sgt, %add3A_529, %sign3A_532 : i32
          %sign3A_534 = arith.extui %sign3A_533 : i1 to i32
          %sign3A_535 = arith.constant 0 : i32
          %sign3A_536 = arith.cmpi slt, %add3A_529, %sign3A_535 : i32
          %sign3A_537 = arith.extui %sign3A_536 : i1 to i32
          %sign3A_538 = arith.subi %sign3A_534, %sign3A_537 : i32
          %sign3A_539 = arith.constant 0 : i32
          %sign3A_540 = arith.cmpi sgt, %jit3A_530, %sign3A_539 : i32
          %sign3A_541 = arith.extui %sign3A_540 : i1 to i32
          %sign3A_542 = arith.constant 0 : i32
          %sign3A_543 = arith.cmpi slt, %jit3A_530, %sign3A_542 : i32
          %sign3A_544 = arith.extui %sign3A_543 : i1 to i32
          %sign3A_545 = arith.subi %sign3A_541, %sign3A_544 : i32
          %ne3A_546 = arith.cmpi ne, %sign3A_538, %sign3A_545 : i32
          %rem3A_547 = arith.remsi %add3A_529, %jit3A_530 : i32
          %ne3A_548 = arith.constant 0 : i32
          %ne3A_549 = arith.cmpi ne, %rem3A_547, %ne3A_548 : i32
          %and3A_550 = arith.andi %ne3A_546, %ne3A_549 : i1
          %sub3A_551 = arith.constant 1 : i32
          %sub3A_552 = arith.subi %div3A_531, %sub3A_551 : i32
          %select_n3A_553 = arith.select %and3A_550, %sub3A_552, %div3A_531 : i32
          %broadcast_in_dim3A_554 = arith.constant 0xFF800000 : f32
          %broadcast_in_dim3A_555 = vector.broadcast %broadcast_in_dim3A_554 : f32 to vector<16xf32>
          %broadcast_in_dim3A_556 = arith.constant 1073741824 : i32
          %broadcast_in_dim3A_557 = vector.broadcast %broadcast_in_dim3A_556 : i32 to vector<16xi32>
          %scan3A_558 = arith.constant 0x7F800000 : f32
          %scan3A_559 = arith.constant -1 : i32
          %scan3A_560 = arith.constant 0 : i32
          %scan3A_561 = arith.constant 64 : i32
          %scan3A_562 = arith.addi %scan3A_560, %scan3A_561 : i32
          %scan3A_563 = arith.constant 1 : i32
          %scan3A_564:2 = scf.for %scan3A_582 = %scan3A_560 to %scan3A_562 step %scan3A_563 iter_args(%scan3A_583 = %scan3A_558, %scan3A_584 = %scan3A_559) -> (f32, i32)  : i32 {
            %parallel_loop3A_585 = arith.constant 0 : i32
            %parallel_loop3A_586 = arith.constant 1 : i32
            %parallel_loop3A_587:2 = scf.for %parallel_loop3A_615 = %parallel_loop3A_585 to %select_n3A_553 step %parallel_loop3A_586 iter_args(%parallel_loop3A_616 = %broadcast_in_dim3A_555, %parallel_loop3A_617 = %broadcast_in_dim3A_557) -> (vector<16xf32>, vector<16xi32>)  : i32 {
              %parallel_loop3A_618 = arith.constant 16 : i32
              %parallel_loop3A_619 = arith.muli %parallel_loop3A_615, %parallel_loop3A_618 : i32
              %parallel_loop3A_620 = arith.index_cast %parallel_loop3A_619 : i32 to index
              %parallel_loop3A_621 = tpu.vector_load %arg7[%parallel_loop3A_620] {strides = array<i32>} : memref<12304xf32, #tpu.memory_space<vmem>>, vector<16xf32>,
              %parallel_loop3A_622 = arith.constant 16 : i32
              %parallel_loop3A_623 = arith.muli %parallel_loop3A_615, %parallel_loop3A_622 : i32
              %parallel_loop3A_624 = arith.index_cast %parallel_loop3A_623 : i32 to index
              %parallel_loop3A_625 = tpu.vector_load %arg8[%parallel_loop3A_624] {strides = array<i32>} : memref<12304xi32, #tpu.memory_space<vmem>>, vector<16xi32>,
              %parallel_loop3A_626 = vector.broadcast %scan3A_583 : f32 to vector<16xf32>
              %parallel_loop3A_627 = arith.cmpf oeq, %parallel_loop3A_621, %parallel_loop3A_626 : vector<16xf32>
              %parallel_loop3A_628 = vector.broadcast %scan3A_584 : i32 to vector<16xi32>
              %parallel_loop3A_629 = arith.cmpi eq, %parallel_loop3A_625, %parallel_loop3A_628 : vector<16xi32>
              %parallel_loop3A_630 = arith.andi %parallel_loop3A_627, %parallel_loop3A_629 : vector<16xi1>
              %parallel_loop3A_631 = arith.constant 0xFF800000 : f32
              %parallel_loop3A_632 = vector.broadcast %parallel_loop3A_631 : f32 to vector<16xf32>
              %parallel_loop3A_633 = arith.select %parallel_loop3A_630, %parallel_loop3A_632, %parallel_loop3A_621 : vector<16xi1>, vector<16xf32>
              %parallel_loop3A_634 = arith.constant 16 : i32
              %parallel_loop3A_635 = arith.muli %parallel_loop3A_615, %parallel_loop3A_634 : i32
              %parallel_loop3A_636 = arith.index_cast %parallel_loop3A_635 : i32 to index
              %parallel_loop3A_637 = tpu.vector_load %arg7[%parallel_loop3A_636] {strides = array<i32>} : memref<12304xf32, #tpu.memory_space<vmem>>, vector<16xf32>,
              tpu.vector_store %arg7[%parallel_loop3A_636], %parallel_loop3A_633 {strides = array<i32>} : memref<12304xf32, #tpu.memory_space<vmem>>, vector<16xf32>,
              %parallel_loop3A_638 = arith.cmpf ogt, %parallel_loop3A_633, %parallel_loop3A_616 : vector<16xf32>
              %parallel_loop3A_639 = arith.cmpf oeq, %parallel_loop3A_633, %parallel_loop3A_616 : vector<16xf32>
              %parallel_loop3A_640 = arith.cmpi slt, %parallel_loop3A_625, %parallel_loop3A_617 : vector<16xi32>
              %parallel_loop3A_641 = arith.andi %parallel_loop3A_639, %parallel_loop3A_640 : vector<16xi1>
              %parallel_loop3A_642 = arith.ori %parallel_loop3A_638, %parallel_loop3A_641 : vector<16xi1>
              %parallel_loop3A_643 = arith.select %parallel_loop3A_642, %parallel_loop3A_633, %parallel_loop3A_616 : vector<16xi1>, vector<16xf32>
              %parallel_loop3A_644 = arith.select %parallel_loop3A_642, %parallel_loop3A_625, %parallel_loop3A_617 : vector<16xi1>, vector<16xi32>
              scf.yield %parallel_loop3A_643, %parallel_loop3A_644 : vector<16xf32>, vector<16xi32>
            } {sc.loop_unroll_factor = 2 : i64, sc.parallel_access}
            %reduce_max3A_588 = arith.constant true
            %reduce_max3A_589 = vector.broadcast %reduce_max3A_588 : i1 to vector<16xi1>
            %reduce_max3A_590 = tpu.scan <max>, %parallel_loop3A_587#0 masked %reduce_max3A_589 : vector<16xf32>, vector<16xi1> -> vector<16xf32>
            %reduce_max3A_591 = vector.extract %reduce_max3A_590[15] : f32 from vector<16xf32>
            %eq3A_592 = vector.broadcast %reduce_max3A_591 : f32 to vector<16xf32>
            %eq3A_593 = arith.cmpf oeq, %parallel_loop3A_587#0, %eq3A_592 : vector<16xf32>
            %jit3A_594 = arith.constant 1073741824 : i32
            %broadcast_in_dim3A_595 = vector.broadcast %jit3A_594 : i32 to vector<16xi32>
            %select_n3A_596 = arith.select %eq3A_593, %parallel_loop3A_587#1, %broadcast_in_dim3A_595 : vector<16xi1>, vector<16xi32>
            %reduce_min3A_597 = arith.constant true
            %reduce_min3A_598 = vector.broadcast %reduce_min3A_597 : i1 to vector<16xi1>
            %reduce_min3A_599 = arith.constant -2147483648 : i32
            %reduce_min3A_600 = vector.broadcast %reduce_min3A_599 : i32 to vector<16xi32>
            %reduce_min3A_601 = arith.xori %select_n3A_596, %reduce_min3A_600 : vector<16xi32>
            %reduce_min3A_602 = tpu.scan <min>, %reduce_min3A_601 masked %reduce_min3A_598 : vector<16xi32>, vector<16xi1> -> vector<16xi32>
            %reduce_min3A_603 = arith.xori %reduce_min3A_602, %reduce_min3A_600 : vector<16xi32>
            %reduce_min3A_604 = vector.extract %reduce_min3A_603[15] : i32 from vector<16xi32>
            %add3A_605 = arith.constant 256 : i32
            %add3A_606 = arith.addi %add3A_605, %scan3A_582 : i32
            %broadcast_in_dim3A_607 = vector.broadcast %reduce_max3A_591 : f32 to vector<16xf32>
            %swap3A_608 = arith.index_cast %add3A_606 : i32 to index
            %swap3A_609 = tpu.vector_load %arg11[%swap3A_608] masked %eq3A_1 {strides = array<i32>} : memref<336xf32, #tpu.memory_space<vmem>>, vector<16xf32>, vector<16xi1>
            tpu.vector_store %arg11[%swap3A_608], %broadcast_in_dim3A_607 masked %eq3A_1 {strides = array<i32>} : memref<336xf32, #tpu.memory_space<vmem>>, vector<16xf32>, vector<16xi1>
            %add3A_610 = arith.constant 256 : i32
            %add3A_611 = arith.addi %add3A_610, %scan3A_582 : i32
            %broadcast_in_dim3A_612 = vector.broadcast %reduce_min3A_604 : i32 to vector<16xi32>
            %swap3A_613 = arith.index_cast %add3A_611 : i32 to index
            %swap3A_614 = tpu.vector_load %arg12[%swap3A_613] masked %eq3A_1 {strides = array<i32>} : memref<336xi32, #tpu.memory_space<vmem>>, vector<16xi32>, vector<16xi1>
            tpu.vector_store %arg12[%swap3A_613], %broadcast_in_dim3A_612 masked %eq3A_1 {strides = array<i32>} : memref<336xi32, #tpu.memory_space<vmem>>, vector<16xi32>, vector<16xi1>
            scf.yield %reduce_max3A_591, %reduce_min3A_604 : f32, i32
          }
          %scan3A_565 = arith.constant 64 : i32
          %get3A = arith.constant 256 : index
          %get3A_566 = tpu.vector_load %arg12[%get3A] {strides = array<i32>} : memref<336xi32, #tpu.memory_space<vmem>>, vector<16xi32>,
          %swap3A_567 = arith.constant 0 : index
          %swap3A_568 = tpu.vector_load %arg8[%swap3A_567] {strides = array<i32>} : memref<12304xi32, #tpu.memory_space<vmem>>, vector<16xi32>,
          tpu.vector_store %arg8[%swap3A_567], %get3A_566 {strides = array<i32>} : memref<12304xi32, #tpu.memory_space<vmem>>, vector<16xi32>,
          %get3A_569 = arith.constant 272 : index
          %get3A_570 = tpu.vector_load %arg12[%get3A_569] {strides = array<i32>} : memref<336xi32, #tpu.memory_space<vmem>>, vector<16xi32>,
          %swap3A_571 = arith.constant 16 : index
          %swap3A_572 = tpu.vector_load %arg8[%swap3A_571] {strides = array<i32>} : memref<12304xi32, #tpu.memory_space<vmem>>, vector<16xi32>,
          tpu.vector_store %arg8[%swap3A_571], %get3A_570 {strides = array<i32>} : memref<12304xi32, #tpu.memory_space<vmem>>, vector<16xi32>,
          %get3A_573 = arith.constant 288 : index
          %get3A_574 = tpu.vector_load %arg12[%get3A_573] {strides = array<i32>} : memref<336xi32, #tpu.memory_space<vmem>>, vector<16xi32>,
          %swap3A_575 = arith.constant 32 : index
          %swap3A_576 = tpu.vector_load %arg8[%swap3A_575] {strides = array<i32>} : memref<12304xi32, #tpu.memory_space<vmem>>, vector<16xi32>,
          tpu.vector_store %arg8[%swap3A_575], %get3A_574 {strides = array<i32>} : memref<12304xi32, #tpu.memory_space<vmem>>, vector<16xi32>,
          %get3A_577 = arith.constant 304 : index
          %get3A_578 = tpu.vector_load %arg12[%get3A_577] {strides = array<i32>} : memref<336xi32, #tpu.memory_space<vmem>>, vector<16xi32>,
          %swap3A_579 = arith.constant 48 : index
          %swap3A_580 = tpu.vector_load %arg8[%swap3A_579] {strides = array<i32>} : memref<12304xi32, #tpu.memory_space<vmem>>, vector<16xi32>,
          tpu.vector_store %arg8[%swap3A_579], %get3A_578 {strides = array<i32>} : memref<12304xi32, #tpu.memory_space<vmem>>, vector<16xi32>,
          %cond3A_581 = arith.constant 64 : i32
          scf.yield %cond3A_581, %scan3A_564#0 : i32, f32
        } else {
          scf.yield %reduce_max3A_476, %scan3A_457 : i32, f32
        }
        scf.yield %cond3A_481#0, %cond3A_481#1 : i32, f32
      }
      %scan3A_269 = arith.constant 4 : i32
      %broadcast_in_dim3A_270 = arith.constant 0 : i32
      %broadcast_in_dim3A_271 = vector.broadcast %broadcast_in_dim3A_270 : i32 to vector<16xi32>
      %swap3A_272 = arith.index_cast %scan3A_268#0 : i32 to index
      %swap3A_273 = tpu.vector_load %arg8[%swap3A_272] {strides = array<i32>} : memref<12304xi32, #tpu.memory_space<vmem>>, vector<16xi32>,
      tpu.vector_store %arg8[%swap3A_272], %broadcast_in_dim3A_271 {strides = array<i32>} : memref<12304xi32, #tpu.memory_space<vmem>>, vector<16xi32>,
      %add3A_274 = arith.constant 15 : i32
      %add3A_275 = arith.addi %scan3A_268#0, %add3A_274 : i32
      %jit3A_276 = arith.constant 16 : i32
      %div3A_277 = arith.divsi %add3A_275, %jit3A_276 : i32
      %sign3A_278 = arith.constant 0 : i32
      %sign3A_279 = arith.cmpi sgt, %add3A_275, %sign3A_278 : i32
      %sign3A_280 = arith.extui %sign3A_279 : i1 to i32
      %sign3A_281 = arith.constant 0 : i32
      %sign3A_282 = arith.cmpi slt, %add3A_275, %sign3A_281 : i32
      %sign3A_283 = arith.extui %sign3A_282 : i1 to i32
      %sign3A_284 = arith.subi %sign3A_280, %sign3A_283 : i32
      %sign3A_285 = arith.constant 0 : i32
      %sign3A_286 = arith.cmpi sgt, %jit3A_276, %sign3A_285 : i32
      %sign3A_287 = arith.extui %sign3A_286 : i1 to i32
      %sign3A_288 = arith.constant 0 : i32
      %sign3A_289 = arith.cmpi slt, %jit3A_276, %sign3A_288 : i32
      %sign3A_290 = arith.extui %sign3A_289 : i1 to i32
      %sign3A_291 = arith.subi %sign3A_287, %sign3A_290 : i32
      %ne3A_292 = arith.cmpi ne, %sign3A_284, %sign3A_291 : i32
      %rem3A_293 = arith.remsi %add3A_275, %jit3A_276 : i32
      %ne3A_294 = arith.constant 0 : i32
      %ne3A_295 = arith.cmpi ne, %rem3A_293, %ne3A_294 : i32
      %and3A_296 = arith.andi %ne3A_292, %ne3A_295 : i1
      %sub3A_297 = arith.constant 1 : i32
      %sub3A_298 = arith.subi %div3A_277, %sub3A_297 : i32
      %select_n3A_299 = arith.select %and3A_296, %sub3A_298, %div3A_277 : i32
      %while3A_300 = arith.constant 0 : i32
      %while3A_301 = arith.constant 0 : i32
      %while3A_302 = arith.subi %select_n3A_299, %while3A_300 : i32
      %while3A_303 = arith.addi %while3A_300, %while3A_302 : i32
      %while3A_304 = arith.constant 1 : i32
      %while3A_305 = arith.divsi %while3A_302, %while3A_304 : i32
      %while3A_306 = arith.muli %while3A_305, %while3A_304 : i32
      %while3A_307 = arith.addi %while3A_300, %while3A_306 : i32
      %while3A_308 = arith.constant 1 : i32
      %while3A_309 = scf.for %while3A_455 = %while3A_300 to %while3A_307 step %while3A_308 iter_args(%while3A_456 = %while3A_301) -> (i32)  : i32 {
        %mul3A_457 = arith.constant 16 : i32
        %mul3A_458 = arith.muli %while3A_455, %mul3A_457 : i32
        %get3A = arith.index_cast %mul3A_458 : i32 to index
        %get3A_459 = tpu.vector_load %arg8[%get3A] {strides = array<i32>} : memref<12304xi32, #tpu.memory_space<vmem>>, vector<16xi32>,
        %gather3A = tpu.vector_load_idx %arg6[%get3A_459] : memref<32768xf32, #tpu.memory_space<vmem>>[vector<16xi32>], vector<16xf32>,
        %mul3A_460 = arith.constant 16 : i32
        %mul3A_461 = arith.muli %while3A_455, %mul3A_460 : i32
        %swap3A_462 = arith.index_cast %mul3A_461 : i32 to index
        %swap3A_463 = tpu.vector_load %arg7[%swap3A_462] {strides = array<i32>} : memref<12304xf32, #tpu.memory_space<vmem>>, vector<16xf32>,
        tpu.vector_store %arg7[%swap3A_462], %gather3A {strides = array<i32>} : memref<12304xf32, #tpu.memory_space<vmem>>, vector<16xf32>,
        %while3A_464 = arith.constant 0 : i32
        scf.yield %while3A_464 : i32
      }
      %while3A_310 = arith.constant 1 : i32
      %while3A_311 = scf.for %while3A_455 = %while3A_307 to %while3A_303 step %while3A_310 iter_args(%while3A_456 = %while3A_309) -> (i32)  : i32 {
        %mul3A_457 = arith.constant 16 : i32
        %mul3A_458 = arith.muli %while3A_455, %mul3A_457 : i32
        %get3A = arith.index_cast %mul3A_458 : i32 to index
        %get3A_459 = tpu.vector_load %arg8[%get3A] {strides = array<i32>} : memref<12304xi32, #tpu.memory_space<vmem>>, vector<16xi32>,
        %gather3A = tpu.vector_load_idx %arg6[%get3A_459] : memref<32768xf32, #tpu.memory_space<vmem>>[vector<16xi32>], vector<16xf32>,
        %mul3A_460 = arith.constant 16 : i32
        %mul3A_461 = arith.muli %while3A_455, %mul3A_460 : i32
        %swap3A_462 = arith.index_cast %mul3A_461 : i32 to index
        %swap3A_463 = tpu.vector_load %arg7[%swap3A_462] {strides = array<i32>} : memref<12304xf32, #tpu.memory_space<vmem>>, vector<16xf32>,
        tpu.vector_store %arg7[%swap3A_462], %gather3A {strides = array<i32>} : memref<12304xf32, #tpu.memory_space<vmem>>, vector<16xf32>,
        %while3A_464 = arith.constant 0 : i32
        scf.yield %while3A_464 : i32
      }
      %broadcast_in_dim3A_312 = arith.constant 0xFF800000 : f32
      %broadcast_in_dim3A_313 = vector.broadcast %broadcast_in_dim3A_312 : f32 to vector<16xf32>
      %swap3A_314 = arith.index_cast %scan3A_268#0 : i32 to index
      %swap3A_315 = tpu.vector_load %arg7[%swap3A_314] {strides = array<i32>} : memref<12304xf32, #tpu.memory_space<vmem>>, vector<16xf32>,
      tpu.vector_store %arg7[%swap3A_314], %broadcast_in_dim3A_313 {strides = array<i32>} : memref<12304xf32, #tpu.memory_space<vmem>>, vector<16xf32>,
      %add3A_316 = arith.constant 15 : i32
      %add3A_317 = arith.addi %scan3A_268#0, %add3A_316 : i32
      %jit3A_318 = arith.constant 16 : i32
      %div3A_319 = arith.divsi %add3A_317, %jit3A_318 : i32
      %sign3A_320 = arith.constant 0 : i32
      %sign3A_321 = arith.cmpi sgt, %add3A_317, %sign3A_320 : i32
      %sign3A_322 = arith.extui %sign3A_321 : i1 to i32
      %sign3A_323 = arith.constant 0 : i32
      %sign3A_324 = arith.cmpi slt, %add3A_317, %sign3A_323 : i32
      %sign3A_325 = arith.extui %sign3A_324 : i1 to i32
      %sign3A_326 = arith.subi %sign3A_322, %sign3A_325 : i32
      %sign3A_327 = arith.constant 0 : i32
      %sign3A_328 = arith.cmpi sgt, %jit3A_318, %sign3A_327 : i32
      %sign3A_329 = arith.extui %sign3A_328 : i1 to i32
      %sign3A_330 = arith.constant 0 : i32
      %sign3A_331 = arith.cmpi slt, %jit3A_318, %sign3A_330 : i32
      %sign3A_332 = arith.extui %sign3A_331 : i1 to i32
      %sign3A_333 = arith.subi %sign3A_329, %sign3A_332 : i32
      %ne3A_334 = arith.cmpi ne, %sign3A_326, %sign3A_333 : i32
      %rem3A_335 = arith.remsi %add3A_317, %jit3A_318 : i32
      %ne3A_336 = arith.constant 0 : i32
      %ne3A_337 = arith.cmpi ne, %rem3A_335, %ne3A_336 : i32
      %and3A_338 = arith.andi %ne3A_334, %ne3A_337 : i1
      %sub3A_339 = arith.constant 1 : i32
      %sub3A_340 = arith.subi %div3A_319, %sub3A_339 : i32
      %select_n3A_341 = arith.select %and3A_338, %sub3A_340, %div3A_319 : i32
      %broadcast_in_dim3A_342 = arith.constant 0xFF800000 : f32
      %broadcast_in_dim3A_343 = vector.broadcast %broadcast_in_dim3A_342 : f32 to vector<16xf32>
      %jit3A_344 = arith.constant 4 : i32
      %eq3A_345 = arith.constant 0 : i32
      %eq3A_346 = arith.cmpi eq, %jit3A_344, %eq3A_345 : i32
      %jit3A_347 = arith.constant 1 : i32
      %select_n3A_348 = arith.select %eq3A_346, %jit3A_347, %jit3A_344 : i32
      %rem3A_349 = arith.remsi %select_n3A_341, %select_n3A_348 : i32
      %ne3A_350 = arith.constant 0 : i32
      %ne3A_351 = arith.cmpi ne, %rem3A_349, %ne3A_350 : i32
      %lt3A_352 = arith.constant 0 : i32
      %lt3A_353 = arith.cmpi slt, %rem3A_349, %lt3A_352 : i32
      %lt3A_354 = arith.constant 0 : i32
      %lt3A_355 = arith.cmpi slt, %select_n3A_348, %lt3A_354 : i32
      %ne3A_356 = arith.xori %lt3A_353, %lt3A_355 : i1
      %and3A_357 = arith.andi %ne3A_356, %ne3A_351 : i1
      %add3A_358 = arith.addi %rem3A_349, %select_n3A_348 : i32
      %select_n3A_359 = arith.select %and3A_357, %add3A_358, %rem3A_349 : i32
      %sub3A_360 = arith.subi %select_n3A_341, %select_n3A_359 : i32
      %parallel_loop3A_361 = arith.constant 0 : i32
      %parallel_loop3A_362 = arith.constant 4 : i32
      %parallel_loop3A_363:4 = scf.for %parallel_loop3A_455 = %parallel_loop3A_361 to %sub3A_360 step %parallel_loop3A_362 iter_args(%parallel_loop3A_456 = %broadcast_in_dim3A_343, %parallel_loop3A_457 = %broadcast_in_dim3A_343, %parallel_loop3A_458 = %broadcast_in_dim3A_343, %parallel_loop3A_459 = %broadcast_in_dim3A_343) -> (vector<16xf32>, vector<16xf32>, vector<16xf32>, vector<16xf32>)  : i32 {
        %parallel_loop3A_460 = arith.constant 16 : i32
        %parallel_loop3A_461 = arith.muli %parallel_loop3A_455, %parallel_loop3A_460 : i32
        %parallel_loop3A_462 = arith.index_cast %parallel_loop3A_461 : i32 to index
        %parallel_loop3A_463 = tpu.vector_load %arg7[%parallel_loop3A_462] {strides = array<i32>} : memref<12304xf32, #tpu.memory_space<vmem>>, vector<16xf32>,
        %parallel_loop3A_464 = arith.maximumf %parallel_loop3A_456, %parallel_loop3A_463 : vector<16xf32>
        %parallel_loop3A_465 = arith.constant 1 : i32
        %parallel_loop3A_466 = arith.addi %parallel_loop3A_455, %parallel_loop3A_465 : i32
        %parallel_loop3A_467 = arith.constant 16 : i32
        %parallel_loop3A_468 = arith.muli %parallel_loop3A_466, %parallel_loop3A_467 : i32
        %parallel_loop3A_469 = arith.index_cast %parallel_loop3A_468 : i32 to index
        %parallel_loop3A_470 = tpu.vector_load %arg7[%parallel_loop3A_469] {strides = array<i32>} : memref<12304xf32, #tpu.memory_space<vmem>>, vector<16xf32>,
        %parallel_loop3A_471 = arith.maximumf %parallel_loop3A_457, %parallel_loop3A_470 : vector<16xf32>
        %parallel_loop3A_472 = arith.constant 2 : i32
        %parallel_loop3A_473 = arith.addi %parallel_loop3A_455, %parallel_loop3A_472 : i32
        %parallel_loop3A_474 = arith.constant 16 : i32
        %parallel_loop3A_475 = arith.muli %parallel_loop3A_473, %parallel_loop3A_474 : i32
        %parallel_loop3A_476 = arith.index_cast %parallel_loop3A_475 : i32 to index
        %parallel_loop3A_477 = tpu.vector_load %arg7[%parallel_loop3A_476] {strides = array<i32>} : memref<12304xf32, #tpu.memory_space<vmem>>, vector<16xf32>,
        %parallel_loop3A_478 = arith.maximumf %parallel_loop3A_458, %parallel_loop3A_477 : vector<16xf32>
        %parallel_loop3A_479 = arith.constant 3 : i32
        %parallel_loop3A_480 = arith.addi %parallel_loop3A_455, %parallel_loop3A_479 : i32
        %parallel_loop3A_481 = arith.constant 16 : i32
        %parallel_loop3A_482 = arith.muli %parallel_loop3A_480, %parallel_loop3A_481 : i32
        %parallel_loop3A_483 = arith.index_cast %parallel_loop3A_482 : i32 to index
        %parallel_loop3A_484 = tpu.vector_load %arg7[%parallel_loop3A_483] {strides = array<i32>} : memref<12304xf32, #tpu.memory_space<vmem>>, vector<16xf32>,
        %parallel_loop3A_485 = arith.maximumf %parallel_loop3A_459, %parallel_loop3A_484 : vector<16xf32>
        scf.yield %parallel_loop3A_464, %parallel_loop3A_471, %parallel_loop3A_478, %parallel_loop3A_485 : vector<16xf32>, vector<16xf32>, vector<16xf32>, vector<16xf32>
      } {sc.loop_unroll_factor = 4 : i64, sc.parallel_access}
      %jit3A_364 = arith.constant 4 : i32
      %eq3A_365 = arith.constant 0 : i32
      %eq3A_366 = arith.cmpi eq, %jit3A_364, %eq3A_365 : i32
      %jit3A_367 = arith.constant 1 : i32
      %select_n3A_368 = arith.select %eq3A_366, %jit3A_367, %jit3A_364 : i32
      %rem3A_369 = arith.remsi %select_n3A_341, %select_n3A_368 : i32
      %ne3A_370 = arith.constant 0 : i32
      %ne3A_371 = arith.cmpi ne, %rem3A_369, %ne3A_370 : i32
      %lt3A_372 = arith.constant 0 : i32
      %lt3A_373 = arith.cmpi slt, %rem3A_369, %lt3A_372 : i32
      %lt3A_374 = arith.constant 0 : i32
      %lt3A_375 = arith.cmpi slt, %select_n3A_368, %lt3A_374 : i32
      %ne3A_376 = arith.xori %lt3A_373, %lt3A_375 : i1
      %and3A_377 = arith.andi %ne3A_376, %ne3A_371 : i1
      %add3A_378 = arith.addi %rem3A_369, %select_n3A_368 : i32
      %select_n3A_379 = arith.select %and3A_377, %add3A_378, %rem3A_369 : i32
      %sub3A_380 = arith.subi %select_n3A_341, %select_n3A_379 : i32
      %while3A_381 = arith.subi %select_n3A_341, %sub3A_380 : i32
      %while3A_382 = arith.addi %sub3A_380, %while3A_381 : i32
      %while3A_383 = arith.constant 1 : i32
      %while3A_384 = arith.divsi %while3A_381, %while3A_383 : i32
      %while3A_385 = arith.muli %while3A_384, %while3A_383 : i32
      %while3A_386 = arith.addi %sub3A_380, %while3A_385 : i32
      %while3A_387 = arith.constant 1 : i32
      %while3A_388 = scf.for %while3A_455 = %sub3A_380 to %while3A_386 step %while3A_387 iter_args(%while3A_456 = %parallel_loop3A_363#0) -> (vector<16xf32>)  : i32 {
        %mul3A_457 = arith.constant 16 : i32
        %mul3A_458 = arith.muli %while3A_455, %mul3A_457 : i32
        %get3A = arith.index_cast %mul3A_458 : i32 to index
        %get3A_459 = tpu.vector_load %arg7[%get3A] {strides = array<i32>} : memref<12304xf32, #tpu.memory_space<vmem>>, vector<16xf32>,
        %max3A = arith.maximumf %while3A_456, %get3A_459 : vector<16xf32>
        scf.yield %max3A : vector<16xf32>
      }
      %while3A_389 = arith.constant 1 : i32
      %while3A_390 = scf.for %while3A_455 = %while3A_386 to %while3A_382 step %while3A_389 iter_args(%while3A_456 = %while3A_388) -> (vector<16xf32>)  : i32 {
        %mul3A_457 = arith.constant 16 : i32
        %mul3A_458 = arith.muli %while3A_455, %mul3A_457 : i32
        %get3A = arith.index_cast %mul3A_458 : i32 to index
        %get3A_459 = tpu.vector_load %arg7[%get3A] {strides = array<i32>} : memref<12304xf32, #tpu.memory_space<vmem>>, vector<16xf32>,
        %max3A = arith.maximumf %while3A_456, %get3A_459 : vector<16xf32>
        scf.yield %max3A : vector<16xf32>
      }
      %min3A_391 = arith.minimumf %while3A_390, %parallel_loop3A_363#1 : vector<16xf32>
      %min3A_392 = arith.minimumf %parallel_loop3A_363#2, %parallel_loop3A_363#3 : vector<16xf32>
      %min3A_393 = arith.minimumf %min3A_391, %min3A_392 : vector<16xf32>
      %reduce_min3A_394 = arith.constant true
      %reduce_min3A_395 = vector.broadcast %reduce_min3A_394 : i1 to vector<16xi1>
      %reduce_min3A_396 = tpu.scan <min>, %min3A_393 masked %reduce_min3A_395 : vector<16xf32>, vector<16xi1> -> vector<16xf32>
      %reduce_min3A_397 = vector.extract %reduce_min3A_396[15] : f32 from vector<16xf32>
      %while3A_398 = arith.constant 0 : i32
      %while3A_399 = arith.constant 0 : i32
      %while3A_400 = arith.subi %select_n3A_341, %while3A_398 : i32
      %while3A_401 = arith.addi %while3A_398, %while3A_400 : i32
      %while3A_402 = arith.constant 1 : i32
      %while3A_403 = arith.divsi %while3A_400, %while3A_402 : i32
      %while3A_404 = arith.muli %while3A_403, %while3A_402 : i32
      %while3A_405 = arith.addi %while3A_398, %while3A_404 : i32
      %while3A_406 = arith.constant 1 : i32
      %while3A_407 = scf.for %while3A_455 = %while3A_398 to %while3A_405 step %while3A_406 iter_args(%while3A_456 = %while3A_399) -> (i32)  : i32 {
        %mul3A_457 = arith.constant 16 : i32
        %mul3A_458 = arith.muli %while3A_455, %mul3A_457 : i32
        %get3A = arith.index_cast %mul3A_458 : i32 to index
        %get3A_459 = tpu.vector_load %arg7[%get3A] {strides = array<i32>} : memref<12304xf32, #tpu.memory_space<vmem>>, vector<16xf32>,
        %mul3A_460 = arith.constant 16 : i32
        %mul3A_461 = arith.muli %while3A_455, %mul3A_460 : i32
        %get3A_462 = arith.index_cast %mul3A_461 : i32 to index
        %get3A_463 = tpu.vector_load %arg8[%get3A_462] {strides = array<i32>} : memref<12304xi32, #tpu.memory_space<vmem>>, vector<16xi32>,
        %ge3A = vector.broadcast %reduce_min3A_397 : f32 to vector<16xf32>
        %ge3A_464 = arith.cmpf oge, %get3A_459, %ge3A : vector<16xf32>
        %swap3A_465 = arith.index_cast %while3A_456 : i32 to index
        %swap3A_466 = tpu.vector_load %arg9[%swap3A_465] masked %ge3A_464 {strides = array<i32>} : memref<12304xf32, #tpu.memory_space<vmem>>, vector<16xf32>, vector<16xi1>
        tpu.vector_store %arg9[%swap3A_465], %get3A_459 masked %ge3A_464 {strides = array<i32>} : memref<12304xf32, #tpu.memory_space<vmem>>, vector<16xf32>, vector<16xi1>
        %swap3A_467 = arith.index_cast %while3A_456 : i32 to index
        %swap3A_468 = tpu.vector_load %arg10[%swap3A_467] masked %ge3A_464 {strides = array<i32>} : memref<12304xi32, #tpu.memory_space<vmem>>, vector<16xi32>, vector<16xi1>
        tpu.vector_store %arg10[%swap3A_467], %get3A_463 masked %ge3A_464 {strides = array<i32>} : memref<12304xi32, #tpu.memory_space<vmem>>, vector<16xi32>, vector<16xi1>
        %convert_element_type3A_469 = arith.extui %ge3A_464 : vector<16xi1> to vector<16xi32>
        %reduce_sum3A = arith.constant true
        %reduce_sum3A_470 = vector.broadcast %reduce_sum3A : i1 to vector<16xi1>
        %reduce_sum3A_471 = tpu.scan <sum>, %convert_element_type3A_469 masked %reduce_sum3A_470 : vector<16xi32>, vector<16xi1> -> vector<16xi32>
        %reduce_sum3A_472 = vector.extract %reduce_sum3A_471[15] : i32 from vector<16xi32>
        %add3A_473 = arith.addi %while3A_456, %reduce_sum3A_472 : i32
        scf.yield %add3A_473 : i32
      }
      %while3A_408 = arith.constant 1 : i32
      %while3A_409 = scf.for %while3A_455 = %while3A_405 to %while3A_401 step %while3A_408 iter_args(%while3A_456 = %while3A_407) -> (i32)  : i32 {
        %mul3A_457 = arith.constant 16 : i32
        %mul3A_458 = arith.muli %while3A_455, %mul3A_457 : i32
        %get3A = arith.index_cast %mul3A_458 : i32 to index
        %get3A_459 = tpu.vector_load %arg7[%get3A] {strides = array<i32>} : memref<12304xf32, #tpu.memory_space<vmem>>, vector<16xf32>,
        %mul3A_460 = arith.constant 16 : i32
        %mul3A_461 = arith.muli %while3A_455, %mul3A_460 : i32
        %get3A_462 = arith.index_cast %mul3A_461 : i32 to index
        %get3A_463 = tpu.vector_load %arg8[%get3A_462] {strides = array<i32>} : memref<12304xi32, #tpu.memory_space<vmem>>, vector<16xi32>,
        %ge3A = vector.broadcast %reduce_min3A_397 : f32 to vector<16xf32>
        %ge3A_464 = arith.cmpf oge, %get3A_459, %ge3A : vector<16xf32>
        %swap3A_465 = arith.index_cast %while3A_456 : i32 to index
        %swap3A_466 = tpu.vector_load %arg9[%swap3A_465] masked %ge3A_464 {strides = array<i32>} : memref<12304xf32, #tpu.memory_space<vmem>>, vector<16xf32>, vector<16xi1>
        tpu.vector_store %arg9[%swap3A_465], %get3A_459 masked %ge3A_464 {strides = array<i32>} : memref<12304xf32, #tpu.memory_space<vmem>>, vector<16xf32>, vector<16xi1>
        %swap3A_467 = arith.index_cast %while3A_456 : i32 to index
        %swap3A_468 = tpu.vector_load %arg10[%swap3A_467] masked %ge3A_464 {strides = array<i32>} : memref<12304xi32, #tpu.memory_space<vmem>>, vector<16xi32>, vector<16xi1>
        tpu.vector_store %arg10[%swap3A_467], %get3A_463 masked %ge3A_464 {strides = array<i32>} : memref<12304xi32, #tpu.memory_space<vmem>>, vector<16xi32>, vector<16xi1>
        %convert_element_type3A_469 = arith.extui %ge3A_464 : vector<16xi1> to vector<16xi32>
        %reduce_sum3A = arith.constant true
        %reduce_sum3A_470 = vector.broadcast %reduce_sum3A : i1 to vector<16xi1>
        %reduce_sum3A_471 = tpu.scan <sum>, %convert_element_type3A_469 masked %reduce_sum3A_470 : vector<16xi32>, vector<16xi1> -> vector<16xi32>
        %reduce_sum3A_472 = vector.extract %reduce_sum3A_471[15] : i32 from vector<16xi32>
        %add3A_473 = arith.addi %while3A_456, %reduce_sum3A_472 : i32
        scf.yield %add3A_473 : i32
      }
      %mul3A_410 = arith.constant 64 : i32
      %mul3A_411 = arith.muli %add3A_245, %mul3A_410 : i32
      %broadcast_in_dim3A_412 = arith.constant 0xFF800000 : f32
      %broadcast_in_dim3A_413 = vector.broadcast %broadcast_in_dim3A_412 : f32 to vector<16xf32>
      %swap3A_414 = arith.index_cast %while3A_409 : i32 to index
      %swap3A_415 = tpu.vector_load %arg9[%swap3A_414] {strides = array<i32>} : memref<12304xf32, #tpu.memory_space<vmem>>, vector<16xf32>,
      tpu.vector_store %arg9[%swap3A_414], %broadcast_in_dim3A_413 {strides = array<i32>} : memref<12304xf32, #tpu.memory_space<vmem>>, vector<16xf32>,
      %add3A_416 = arith.constant 15 : i32
      %add3A_417 = arith.addi %while3A_409, %add3A_416 : i32
      %jit3A_418 = arith.constant 16 : i32
      %div3A_419 = arith.divsi %add3A_417, %jit3A_418 : i32
      %sign3A_420 = arith.constant 0 : i32
      %sign3A_421 = arith.cmpi sgt, %add3A_417, %sign3A_420 : i32
      %sign3A_422 = arith.extui %sign3A_421 : i1 to i32
      %sign3A_423 = arith.constant 0 : i32
      %sign3A_424 = arith.cmpi slt, %add3A_417, %sign3A_423 : i32
      %sign3A_425 = arith.extui %sign3A_424 : i1 to i32
      %sign3A_426 = arith.subi %sign3A_422, %sign3A_425 : i32
      %sign3A_427 = arith.constant 0 : i32
      %sign3A_428 = arith.cmpi sgt, %jit3A_418, %sign3A_427 : i32
      %sign3A_429 = arith.extui %sign3A_428 : i1 to i32
      %sign3A_430 = arith.constant 0 : i32
      %sign3A_431 = arith.cmpi slt, %jit3A_418, %sign3A_430 : i32
      %sign3A_432 = arith.extui %sign3A_431 : i1 to i32
      %sign3A_433 = arith.subi %sign3A_429, %sign3A_432 : i32
      %ne3A_434 = arith.cmpi ne, %sign3A_426, %sign3A_433 : i32
      %rem3A_435 = arith.remsi %add3A_417, %jit3A_418 : i32
      %ne3A_436 = arith.constant 0 : i32
      %ne3A_437 = arith.cmpi ne, %rem3A_435, %ne3A_436 : i32
      %and3A_438 = arith.andi %ne3A_434, %ne3A_437 : i1
      %sub3A_439 = arith.constant 1 : i32
      %sub3A_440 = arith.subi %div3A_419, %sub3A_439 : i32
      %select_n3A_441 = arith.select %and3A_438, %sub3A_440, %div3A_419 : i32
      %broadcast_in_dim3A_442 = arith.constant 0xFF800000 : f32
      %broadcast_in_dim3A_443 = vector.broadcast %broadcast_in_dim3A_442 : f32 to vector<16xf32>
      %broadcast_in_dim3A_444 = arith.constant 1073741824 : i32
      %broadcast_in_dim3A_445 = vector.broadcast %broadcast_in_dim3A_444 : i32 to vector<16xi32>
      %scan3A_446 = arith.constant 0x7F800000 : f32
      %scan3A_447 = arith.constant -1 : i32
      %scan3A_448 = arith.constant 0 : i32
      %scan3A_449 = arith.constant 64 : i32
      %scan3A_450 = arith.addi %scan3A_448, %scan3A_449 : i32
      %scan3A_451 = arith.constant 1 : i32
      %scan3A_452:2 = scf.for %scan3A_455 = %scan3A_448 to %scan3A_450 step %scan3A_451 iter_args(%scan3A_456 = %scan3A_446, %scan3A_457 = %scan3A_447) -> (f32, i32)  : i32 {
        %parallel_loop3A_458 = arith.constant 0 : i32
        %parallel_loop3A_459 = arith.constant 1 : i32
        %parallel_loop3A_460:2 = scf.for %parallel_loop3A_485 = %parallel_loop3A_458 to %select_n3A_441 step %parallel_loop3A_459 iter_args(%parallel_loop3A_486 = %broadcast_in_dim3A_443, %parallel_loop3A_487 = %broadcast_in_dim3A_445) -> (vector<16xf32>, vector<16xi32>)  : i32 {
          %parallel_loop3A_488 = arith.constant 16 : i32
          %parallel_loop3A_489 = arith.muli %parallel_loop3A_485, %parallel_loop3A_488 : i32
          %parallel_loop3A_490 = arith.index_cast %parallel_loop3A_489 : i32 to index
          %parallel_loop3A_491 = tpu.vector_load %arg9[%parallel_loop3A_490] {strides = array<i32>} : memref<12304xf32, #tpu.memory_space<vmem>>, vector<16xf32>,
          %parallel_loop3A_492 = arith.constant 16 : i32
          %parallel_loop3A_493 = arith.muli %parallel_loop3A_485, %parallel_loop3A_492 : i32
          %parallel_loop3A_494 = arith.index_cast %parallel_loop3A_493 : i32 to index
          %parallel_loop3A_495 = tpu.vector_load %arg10[%parallel_loop3A_494] {strides = array<i32>} : memref<12304xi32, #tpu.memory_space<vmem>>, vector<16xi32>,
          %parallel_loop3A_496 = vector.broadcast %scan3A_456 : f32 to vector<16xf32>
          %parallel_loop3A_497 = arith.cmpf oeq, %parallel_loop3A_491, %parallel_loop3A_496 : vector<16xf32>
          %parallel_loop3A_498 = vector.broadcast %scan3A_457 : i32 to vector<16xi32>
          %parallel_loop3A_499 = arith.cmpi eq, %parallel_loop3A_495, %parallel_loop3A_498 : vector<16xi32>
          %parallel_loop3A_500 = arith.andi %parallel_loop3A_497, %parallel_loop3A_499 : vector<16xi1>
          %parallel_loop3A_501 = arith.constant 0xFF800000 : f32
          %parallel_loop3A_502 = vector.broadcast %parallel_loop3A_501 : f32 to vector<16xf32>
          %parallel_loop3A_503 = arith.select %parallel_loop3A_500, %parallel_loop3A_502, %parallel_loop3A_491 : vector<16xi1>, vector<16xf32>
          %parallel_loop3A_504 = arith.constant 16 : i32
          %parallel_loop3A_505 = arith.muli %parallel_loop3A_485, %parallel_loop3A_504 : i32
          %parallel_loop3A_506 = arith.index_cast %parallel_loop3A_505 : i32 to index
          %parallel_loop3A_507 = tpu.vector_load %arg9[%parallel_loop3A_506] {strides = array<i32>} : memref<12304xf32, #tpu.memory_space<vmem>>, vector<16xf32>,
          tpu.vector_store %arg9[%parallel_loop3A_506], %parallel_loop3A_503 {strides = array<i32>} : memref<12304xf32, #tpu.memory_space<vmem>>, vector<16xf32>,
          %parallel_loop3A_508 = arith.cmpf ogt, %parallel_loop3A_503, %parallel_loop3A_486 : vector<16xf32>
          %parallel_loop3A_509 = arith.cmpf oeq, %parallel_loop3A_503, %parallel_loop3A_486 : vector<16xf32>
          %parallel_loop3A_510 = arith.cmpi slt, %parallel_loop3A_495, %parallel_loop3A_487 : vector<16xi32>
          %parallel_loop3A_511 = arith.andi %parallel_loop3A_509, %parallel_loop3A_510 : vector<16xi1>
          %parallel_loop3A_512 = arith.ori %parallel_loop3A_508, %parallel_loop3A_511 : vector<16xi1>
          %parallel_loop3A_513 = arith.select %parallel_loop3A_512, %parallel_loop3A_503, %parallel_loop3A_486 : vector<16xi1>, vector<16xf32>
          %parallel_loop3A_514 = arith.select %parallel_loop3A_512, %parallel_loop3A_495, %parallel_loop3A_487 : vector<16xi1>, vector<16xi32>
          scf.yield %parallel_loop3A_513, %parallel_loop3A_514 : vector<16xf32>, vector<16xi32>
        } {sc.loop_unroll_factor = 2 : i64, sc.parallel_access}
        %reduce_max3A = arith.constant true
        %reduce_max3A_461 = vector.broadcast %reduce_max3A : i1 to vector<16xi1>
        %reduce_max3A_462 = tpu.scan <max>, %parallel_loop3A_460#0 masked %reduce_max3A_461 : vector<16xf32>, vector<16xi1> -> vector<16xf32>
        %reduce_max3A_463 = vector.extract %reduce_max3A_462[15] : f32 from vector<16xf32>
        %eq3A_464 = vector.broadcast %reduce_max3A_463 : f32 to vector<16xf32>
        %eq3A_465 = arith.cmpf oeq, %parallel_loop3A_460#0, %eq3A_464 : vector<16xf32>
        %jit3A_466 = arith.constant 1073741824 : i32
        %broadcast_in_dim3A_467 = vector.broadcast %jit3A_466 : i32 to vector<16xi32>
        %select_n3A_468 = arith.select %eq3A_465, %parallel_loop3A_460#1, %broadcast_in_dim3A_467 : vector<16xi1>, vector<16xi32>
        %reduce_min3A_469 = arith.constant true
        %reduce_min3A_470 = vector.broadcast %reduce_min3A_469 : i1 to vector<16xi1>
        %reduce_min3A_471 = arith.constant -2147483648 : i32
        %reduce_min3A_472 = vector.broadcast %reduce_min3A_471 : i32 to vector<16xi32>
        %reduce_min3A_473 = arith.xori %select_n3A_468, %reduce_min3A_472 : vector<16xi32>
        %reduce_min3A_474 = tpu.scan <min>, %reduce_min3A_473 masked %reduce_min3A_470 : vector<16xi32>, vector<16xi1> -> vector<16xi32>
        %reduce_min3A_475 = arith.xori %reduce_min3A_474, %reduce_min3A_472 : vector<16xi32>
        %reduce_min3A_476 = vector.extract %reduce_min3A_475[15] : i32 from vector<16xi32>
        %add3A_477 = arith.addi %mul3A_411, %scan3A_455 : i32
        %broadcast_in_dim3A_478 = vector.broadcast %reduce_max3A_463 : f32 to vector<16xf32>
        %swap3A_479 = arith.index_cast %add3A_477 : i32 to index
        %swap3A_480 = tpu.vector_load %arg11[%swap3A_479] masked %eq3A_1 {strides = array<i32>} : memref<336xf32, #tpu.memory_space<vmem>>, vector<16xf32>, vector<16xi1>
        tpu.vector_store %arg11[%swap3A_479], %broadcast_in_dim3A_478 masked %eq3A_1 {strides = array<i32>} : memref<336xf32, #tpu.memory_space<vmem>>, vector<16xf32>, vector<16xi1>
        %add3A_481 = arith.addi %mul3A_411, %scan3A_455 : i32
        %broadcast_in_dim3A_482 = vector.broadcast %reduce_min3A_476 : i32 to vector<16xi32>
        %swap3A_483 = arith.index_cast %add3A_481 : i32 to index
        %swap3A_484 = tpu.vector_load %arg12[%swap3A_483] masked %eq3A_1 {strides = array<i32>} : memref<336xi32, #tpu.memory_space<vmem>>, vector<16xi32>, vector<16xi1>
        tpu.vector_store %arg12[%swap3A_483], %broadcast_in_dim3A_482 masked %eq3A_1 {strides = array<i32>} : memref<336xi32, #tpu.memory_space<vmem>>, vector<16xi32>, vector<16xi1>
        scf.yield %reduce_max3A_463, %reduce_min3A_476 : f32, i32
      }
      %scan3A_453 = arith.constant 64 : i32
      %scan3A_454 = arith.constant 0 : i32
      scf.yield %scan3A_454 : i32
    }
    %scan3A_15 = arith.constant 2 : i32
    %mul3A_16 = arith.constant 256 : i32
    %mul3A_17 = arith.muli %add3A, %mul3A_16 : i32
    "tpu.region"() ({
      %run_scoped3A = tpu.sem_alloc : memref<!tpu.dma_semaphore, #tpu.memory_space<semaphore_mem>>
      %dma_start3A_18 = arith.constant 0 : i32
      %dma_start3A_19 = tpu.memref_slice %arg11[%dma_start3A_18] : memref<336xf32, #tpu.memory_space<vmem>> -> memref<256xf32, #tpu.memory_space<vmem>>
      %dma_start3A_20 = tpu.memref_slice %arg3[%mul3A_17] : memref<8192xf32, #tpu.memory_space<hbm>> -> memref<256xf32, #tpu.memory_space<hbm>>
      %dma_start3A_21 = tpu.memref_slice %arg3[%mul3A_17] : memref<8192xf32, #tpu.memory_space<hbm>> -> memref<256xf32, #tpu.memory_space<hbm>>
      %dma_start3A_22 = arith.constant 0 : i32
      %dma_start3A_23 = tpu.memref_slice %arg11[%dma_start3A_22] : memref<336xf32, #tpu.memory_space<vmem>> -> memref<256xf32, #tpu.memory_space<vmem>>
      tpu.enqueue_dma source(%dma_start3A_23 : memref<256xf32, #tpu.memory_space<vmem>>) target(%dma_start3A_21 : memref<256xf32, #tpu.memory_space<hbm>>) target_semaphore(%run_scoped3A : memref<!tpu.dma_semaphore, #tpu.memory_space<semaphore_mem>>)
      %dma_wait3A = arith.constant 0 : i32
      %dma_wait3A_24 = tpu.memref_slice %arg11[%dma_wait3A] : memref<336xf32, #tpu.memory_space<vmem>> -> memref<256xf32, #tpu.memory_space<vmem>>
      %dma_wait3A_25 = tpu.memref_slice %arg3[%mul3A_17] : memref<8192xf32, #tpu.memory_space<hbm>> -> memref<256xf32, #tpu.memory_space<hbm>>
      %dma_wait3A_26 = tpu.memref_slice %arg3[%mul3A_17] : memref<8192xf32, #tpu.memory_space<hbm>> -> memref<256xf32, #tpu.memory_space<hbm>>
      %dma_wait3A_27 = arith.constant 0 : i32
      %dma_wait3A_28 = tpu.memref_slice %arg11[%dma_wait3A_27] : memref<336xf32, #tpu.memory_space<vmem>> -> memref<256xf32, #tpu.memory_space<vmem>>
      tpu.wait_dma2 semaphore(%run_scoped3A : memref<!tpu.dma_semaphore, #tpu.memory_space<semaphore_mem>>) src(%dma_wait3A_28 : memref<256xf32, #tpu.memory_space<vmem>>) dst(%dma_wait3A_26 : memref<256xf32, #tpu.memory_space<hbm>>)
      tpu.yield
    }) : () -> ()
    "tpu.region"() ({
      %run_scoped3A = tpu.sem_alloc : memref<!tpu.dma_semaphore, #tpu.memory_space<semaphore_mem>>
      %dma_start3A_18 = arith.constant 0 : i32
      %dma_start3A_19 = tpu.memref_slice %arg12[%dma_start3A_18] : memref<336xi32, #tpu.memory_space<vmem>> -> memref<256xi32, #tpu.memory_space<vmem>>
      %dma_start3A_20 = tpu.memref_slice %arg4[%mul3A_17] : memref<8192xi32, #tpu.memory_space<hbm>> -> memref<256xi32, #tpu.memory_space<hbm>>
      %dma_start3A_21 = tpu.memref_slice %arg4[%mul3A_17] : memref<8192xi32, #tpu.memory_space<hbm>> -> memref<256xi32, #tpu.memory_space<hbm>>
      %dma_start3A_22 = arith.constant 0 : i32
      %dma_start3A_23 = tpu.memref_slice %arg12[%dma_start3A_22] : memref<336xi32, #tpu.memory_space<vmem>> -> memref<256xi32, #tpu.memory_space<vmem>>
      tpu.enqueue_dma source(%dma_start3A_23 : memref<256xi32, #tpu.memory_space<vmem>>) target(%dma_start3A_21 : memref<256xi32, #tpu.memory_space<hbm>>) target_semaphore(%run_scoped3A : memref<!tpu.dma_semaphore, #tpu.memory_space<semaphore_mem>>)
      %dma_wait3A = arith.constant 0 : i32
      %dma_wait3A_24 = tpu.memref_slice %arg12[%dma_wait3A] : memref<336xi32, #tpu.memory_space<vmem>> -> memref<256xi32, #tpu.memory_space<vmem>>
      %dma_wait3A_25 = tpu.memref_slice %arg4[%mul3A_17] : memref<8192xi32, #tpu.memory_space<hbm>> -> memref<256xi32, #tpu.memory_space<hbm>>
      %dma_wait3A_26 = tpu.memref_slice %arg4[%mul3A_17] : memref<8192xi32, #tpu.memory_space<hbm>> -> memref<256xi32, #tpu.memory_space<hbm>>
      %dma_wait3A_27 = arith.constant 0 : i32
      %dma_wait3A_28 = tpu.memref_slice %arg12[%dma_wait3A_27] : memref<336xi32, #tpu.memory_space<vmem>> -> memref<256xi32, #tpu.memory_space<vmem>>
      tpu.wait_dma2 semaphore(%run_scoped3A : memref<!tpu.dma_semaphore, #tpu.memory_space<semaphore_mem>>) src(%dma_wait3A_28 : memref<256xi32, #tpu.memory_space<vmem>>) dst(%dma_wait3A_26 : memref<256xi32, #tpu.memory_space<hbm>>)
      tpu.yield
    }) : () -> ()
    return
  }
}

</mosaic_0001>

<sc_bundles>
// kernel: kernel.3.cloned.1.call-start
scs
__scs_entry_jumppad:
0x0: {  	(pc) =	sbr.rel $0x88, $3  }
0x1: {  	(tag) =	ssettag $0x0;
	lr =	simm.s32 $0x1  }
0x2: {  	[smem:$0x3FA0] =	sst lr;
	_ =	strace $0xD0000000  }
0x3: {  	_ = 	snop  }
0x4: {  	_ = 	snop  }
0x5: {  	_ = 	snop  }
0x6: {  	_ = 	snop  }
0x7: {  	_ = 	snop  }
__scs_overlays_trampoline_lowered:
0x8: {  	[smem:$0x3FAF] =	sst s0  }
0x9: {  	[smem:$0x3FB0] =	sst s1  }
0xa: {  	[smem:$0x3FB1] =	sst s2  }
0xb: {  	[smem:$0x3FB2] =	sst s3  }
0xc: {  	[smem:$0x3FB3] =	sst s4  }
0xd: {  	[smem:$0x3FB4] =	sst s5  }
0xe: {  	[smem:$0x3FB5] =	sst s6  }
0xf: {  	[smem:$0x3FB6] =	sst s7  }
0x10: {  	[smem:$0x3FB7] =	sst s8  }
0x11: {  	[smem:$0x3FB8] =	sst s9;
	s0 =	simm.s32 @!p0 $0x0  }
0x12: {  	s1 =	sld [smem:$0x3F9E];
	s0 =	simm.s32 @p0 $0x1  }
0x13: {  	[smem:$0x3FB9] =	sst s0;
	s0 =	simm.s32 @!p1 $0x0  }
0x14: {  	s2 =	sld [smem:$0x3F9D];
	s0 =	simm.s32 @p1 $0x1  }
0x15: {  	[smem:$0x3FBA] =	sst s0;
	s0 =	simm.s32 @!p2 $0x0  }
0x16: {  	s3 =	sld [smem:$0x3FDB];
	s0 =	simm.s32 @p2 $0x1  }
0x17: {  	s4 =	simm.s32 $0x1BF5;
	[smem:$0x3FBC] =	sst s0  }
0x18: {  	s0 =	sld [smem:$0x3F9F];
	_ =	swait.ge [sflag:s4], $0x0  }
0x19: {  	s7 =	sld [smem:$0x3FA0]  }
0x1a: {  	s8 =	sadd.s32 $0xFFFFE003, lr  }
0x1b: {  	s9 =	sadd.s32 $0xFFFFFEF7, lr;
	s5 =	simm.s32 $0xFFFFFFFF;
	p2 =	slt.u32 s8, $0xFFFFF086  }
0x1c: {  	p1 =	slt.u32 s9, $0xF7A;
	s5 =	simm.s32 @!p2 $0x0  }
0x1d: {  	s5 =	simm.s32 @p1 $0x1;
	p0 =	seq.s32 s7, s2  }
0x1e: {  	s7 =	smul.u32 @!p0 $0xF7A, s2;
	p2 =	seq.s32 @!p0 s5, $0x0  }
0x1f: {  	s9 =	smul.u32 $0xF7A, s1;
	s8 =	simm.s32 @!p0 $0x1BF5;
	p2 =	por !p2, p0  }
0x20: {  	[sflag:s8] =	ssyncset.s32 @!p0 $0xFFFFF086;
	s6 =	sadd.s32 @!p0 s3, s7;
	s7 =	simm.s32 @!p0 $0x108  }
0x21: {  	s3 =	sadd.s32 s3, s9;
	s6 =	sadd.s32 @!p0 $0x88, s6;
	s7 =	simm.s32 @p2 $0x1082  }
0x22: {  	[simem:s7], [sflag:s8] =	dma.local @!p0 [hbm:s6], $0xF7A  }
0x23: {  	s9 =	sor.u32 $0xD0000000, s2;
	s6 =	simm.s32 $0x108;
	_ =	swait.ge @!p0 [sflag:s8], $0x0  }
0x24: {  	s3 =	sadd.s32 $0x88, s3;
	s6 =	simm.s32 @!p1 $0x1082;
	[sflag:s4] =	ssyncset.s32 $0xFFFFF086  }
0x25: {  	[simem:s6], [sflag:s4] =	dma.local [hbm:s3], $0xF7A  }
0x26: {  	[smem:$0x3FA0] =	sst s1;
	(tag) =	ssettag s2;
	_ =	strace s9  }
0x27: {  	s1 =	sld [smem:$0x3FB0]  }
0x28: {  	s2 =	sld [smem:$0x3FB1]  }
0x29: {  	s4 =	sld [smem:$0x3FB3]  }
0x2a: {  	p0 =	seq.s32 s5, $0x0;
	s5 =	sld [smem:$0x3FB4]  }
0x2b: {  	s6 =	sld [smem:$0x3FB5]  }
0x2c: {  	s7 =	sld [smem:$0x3FB6]  }
0x2d: {  	s3 =	simm.s32 $0x108;
	s8 =	sld [smem:$0x3FB7]  }
0x2e: {  	s3 =	simm.s32 @!p0 $0x1082;
	s9 =	sld [smem:$0x3FB8]  }
0x2f: {  	lr =	sadd.s32 s0, s3;
	s0 =	sld [smem:$0x3FAF]  }
0x30: {  	s3 =	sld [smem:$0x3FB2]  }
0x31: {  	[smem:$0x3FBB] =	sst s10  }
0x32: {  	s10 =	sld [smem:$0x3FB9];
	_ =	sdelay $0x3  }
0x33: {  	p0 =	seq.s32 s10, $0x1;
	s10 =	sld [smem:$0x3FBB];
	_ =	sdelay $0x3  }
0x34: {  	[smem:$0x3FBB] =	sst s10  }
0x35: {  	s10 =	sld [smem:$0x3FBA];
	_ =	sdelay $0x3  }
0x36: {  	p1 =	seq.s32 s10, $0x1;
	s10 =	sld [smem:$0x3FBB];
	_ =	sdelay $0x3  }
0x37: {  	[smem:$0x3FBB] =	sst s10  }
0x38: {  	s10 =	sld [smem:$0x3FBC]  }
0x39: {  	_ = 	snop;
	(pc) =	sbr.ind lr, $3  }
0x3a: {  	_ = 	snop  }
0x3b: {  	_ = 	snop  }
0x3c: {  	p2 =	seq.s32 s10, $0x1;
	s10 =	sld [smem:$0x3FBB]  }
0x3d: {  	_ =	shalt  }
0x3e: {  	_ =	shalt  }
0x3f: {  	_ =	shalt  }
0x40: {  	_ =	shalt  }
0x41: {  	_ =	shalt  }
0x42: {  	_ =	shalt  }
0x43: {  	_ =	shalt  }
0x44: {  	_ =	shalt  }
0x45: {  	_ =	shalt  }
0x46: {  	_ =	shalt  }
0x47: {  	_ =	shalt  }
0x48: {  	_ =	shalt  }
0x49: {  	_ =	shalt  }
0x4a: {  	_ =	shalt  }
0x4b: {  	_ =	shalt  }
0x4c: {  	_ =	shalt  }
0x4d: {  	_ =	shalt  }
0x4e: {  	_ =	shalt  }
0x4f: {  	_ =	shalt  }
0x50: {  	_ =	shalt  }
0x51: {  	_ =	shalt  }
0x52: {  	_ =	shalt  }
0x53: {  	_ =	shalt  }
0x54: {  	_ =	shalt  }
0x55: {  	_ =	shalt  }
0x56: {  	_ =	shalt  }
0x57: {  	_ =	shalt  }
0x58: {  	_ =	shalt  }
0x59: {  	_ =	shalt  }
0x5a: {  	_ =	shalt  }
0x5b: {  	_ =	shalt  }
0x5c: {  	_ =	shalt  }
0x5d: {  	_ =	shalt  }
0x5e: {  	_ =	shalt  }
0x5f: {  	_ =	shalt  }
0x60: {  	_ =	shalt  }
0x61: {  	_ =	shalt  }
0x62: {  	_ =	shalt  }
0x63: {  	_ =	shalt  }
0x64: {  	_ =	shalt  }
0x65: {  	_ =	shalt  }
0x66: {  	_ =	shalt  }
0x67: {  	_ =	shalt  }
0x68: {  	_ =	shalt  }
0x69: {  	_ =	shalt  }
0x6a: {  	_ =	shalt  }
0x6b: {  	_ =	shalt  }
0x6c: {  	_ =	shalt  }
0x6d: {  	_ =	shalt  }
0x6e: {  	_ =	shalt  }
0x6f: {  	_ =	shalt  }
0x70: {  	_ =	shalt  }
0x71: {  	_ =	shalt  }
0x72: {  	_ =	shalt  }
0x73: {  	_ =	shalt  }
0x74: {  	_ =	shalt  }
0x75: {  	_ =	shalt  }
0x76: {  	_ =	shalt  }
0x77: {  	_ =	shalt  }
0x78: {  	_ =	shalt  }
0x79: {  	_ =	shalt  }
0x7a: {  	_ =	shalt  }
0x7b: {  	_ =	shalt  }
0x7c: {  	_ =	shalt  }
0x7d: {  	_ =	shalt  }
0x7e: {  	_ =	shalt  }
0x7f: {  	_ =	shalt  }
0x80: {  	_ =	shalt  }
0x81: {  	_ =	shalt  }
0x82: {  	_ =	shalt  }
0x83: {  	_ =	shalt  }
0x84: {  	_ =	shalt  }
0x85: {  	_ =	shalt  }
0x86: {  	_ =	shalt  }
0x87: {  	_ =	shalt  }
.Lfunc_end0:
.L_simem_size_0:
called_computation_lowered:
.L_overlay_start_0:
0x88: {  	s2 =	sld [smem:$0x3FD9]  }
0x89: {  	s3 =	sld [smem:$0x3FFE];
	_ =	sdelay $0x1  }
0x8a: {  	s1 =	srdreg.scid  }
0x8b: {  	s0 =	sand.u32 $0x1, s1  }
0x8c: {  	s14 =	sshll.u32 s0, $0xA;
	s2 =	sadd.s32 s3, s2  }
0x8d: {  	s2 =	sadd.s32 s2, s14  }
0x8e: {  	[smem:$0x3FC7] =	sst s2  }
0x8f: {  	_ = 	snop  }
0x90: {  	s2 =	sld [smem:$0x3FD0];
	_ =	sdelay $0x2  }
0x91: {  	s4 =	simm.s32 $0xA;
	s5 =	simm.s32 $0x10;
	s15 =	sld [smem:$0x3FC9]  }
0x92: {  	[smem:s5], [sflag:s4] =	dma.local [hbm:s2], $0x1  }
0x93: {  	_ =	swait.eq [sflag:s4], $0x1  }
0x94: {  	[sflag:s4] =	ssyncset.done $0x0  }
0x95: {  	[sflag:s4] =	ssyncadd.s32 $0xFFFFFFFF  }
0x96: {  	s16 =	sld [smem:$0x11];
	(tm) =	ssettm $0x1  }
0x97: {  	s17 =	sld [smem:$0x3FFB];
	_ =	sdelay $0x3  }
0x98: {  	_ =	strace s17  }
0x99: {  	s4 =	sld [smem:$0x3FFC];
	_ =	sdelay $0x3  }
0x9a: {  	_ =	strace s4  }
0x9b: {  	s4 =	sld [smem:$0x3FFD];
	_ =	sdelay $0x3  }
0x9c: {  	_ =	strace s4  }
0x9d: {  	_ =	strace $0x8FFFFFFF  }
0x9e: {  	s18 =	sld [smem:$0x3FDB];
	_ =	sdelay $0x1  }
0x9f: {  	s19 =	simm.s32 $_scs_section_size  }
0xa0: {  	s6 =	simm.s32 $_size__tile_overlayer_lowered;
	s7 =	simm.s32 $_tile_overlayer_lowered  }
0xa1: {  	s22 =	simm.s32 $0x1BFF;
	s21 =	sshll.u32 s7, $0x1;
	s4 =	sadd.s32 s19, s18  }
0xa2: {  	s8 =	simm.s32 $0x0;
	s20 =	sshll.u32 s6, $0x1;
	s6 =	sadd.s32 s21, s4  }
0xa3: {  	[timem:s8], [sflag:s22] =	dma.local [hbm:s6], s20  }
0xa4: {  	_ =	swait.ge [sflag:s22], s20  }
0xa5: {  	s5 =	ssub.s32 $0x0, s20;
	[sflag:s22] =	ssyncset.done $0x0  }
0xa6: {  	[sflag:s22] =	ssyncadd.s32 s5;
	_ =	sdelay $0x1  }
0xa7: {  	s23 =	simm.s32 $0x1B8B  }
0xa8: {  	_ =	swait.ge [sflag:s23], $0x1  }
0xa9: {  	[sflag:s23] =	ssyncset.done $0x0  }
0xaa: {  	s25 =	simm.s32 $0x1B8E;
	s24 =	sld [smem:$0x3FFE];
	[sflag:s23] =	ssyncadd.s32 $0xFFFFFFFF  }
0xab: {  	s26 =	simm.s32 $execute0_lowered;
	[smem:$0x3FD2] =	sst s25  }
0xac: {  	s6 =	sshll.u32 s26, $0x1;
	_ =	strace $0x80000046;
	[dreg:$0x1] =	wrdreg $0xFFFFFFFF  }
0xad: {  	s28 =	simm.s32 $_size_execute0_lowered;
	s4 =	sadd.s32 s4, s6;
	[dreg:$0x0] =	wrdreg $0x0  }
0xae: {  	s6 =	sshll.u32 s28, $0x1;
	[dreg:$0x2] =	wrdreg s4  }
0xaf: {  	[dreg:$0x3] =	wrdreg s6  }
0xb0: {  	[dreg:$0x4] =	wrdreg $0xC0  }
0xb1: {  	_ =	task [dreg:s8], $0x5FFFF  }
0xb2: {  	[dreg:$0x1] =	wrdreg $0xFFFFFFFF  }
0xb3: {  	[dreg:$0x0] =	wrdreg $0x60  }
0xb4: {  	[dreg:$0x2] =	wrdreg s15  }
0xb5: {  	[dreg:$0x3] =	wrdreg s16  }
0xb6: {  	[dreg:$0x4] =	wrdreg s24  }
0xb7: {  	[dreg:$0x5] =	wrdreg $0x9  }
0xb8: {  	_ =	task.clear_ibuf [dreg:s8], $0x6FFFF;
	_ =	strace $0x90000046  }
0xb9: {  	s29 =	simm.s32 $0x9;
	_ =	strace $0x80000048  }
0xba: {  	_ =	swait.ge [sflag:s29], $0x1  }
0xbb: {  	[sflag:s29] =	ssyncadd.s32 $0xFFFFFFFF  }
0xbc: {  	_ =	strace $0x90000048  }
0xbd: {  	_ =	sfence  }
0xbe: {  	s30 =	sld [smem:$0x0];
	_ =	sdelay $0x2  }
0xbf: {  	s31 =	sshll.u32 s1, $0xD;
	s1 =	sshrl.u32 s1, $0x2  }
0xc0: {  	s3 =	sand.u32 $0x4000, s31;
	s1 =	sadd.s32 s1, s30  }
0xc1: {  	s0 =	sor.u32 s3, s0;
	s1 =	sshll.u32 s1, $0x11  }
0xc2: {  	s0 =	sor.u32 s1, s0  }
0xc3: {  	s0 =	sadd.s32 $0x8F2B, s0  }
0xc4: {  	[sflag:s0] =	ssyncadd.remote.s32 $0x1  }
0xc5: {  	_ =	sfence.sel $0xFFFF  }
0xc6: {  	[dreg:$0x0] =	wrdreg $0xFFFFFFFF;
	(pc) =	sbr.abs _section_cstart, $3  }
0xc7: {  	[dreg:$0x1] =	wrdreg $0xFFFFFFFF  }
0xc8: {  	_ =	task.clear_ibuf [dreg:s8], $0x2FFFF;
	_ =	strace $0x9FFFFFFF  }
0xc9: {  	(tm) =	ssettm $0x7FFFFFFF  }
tec
execute0_lowered:
.L_overlay_start_1:
0x0: {  	(tag) =	ssettag $0x1  }
0x1: {  	s0 =	rddreg [dreg:$0x0]  }
0x2: {  	s1 =	rddreg [dreg:$0x1]  }
0x3: {  	s3 =	rddreg [dreg:$0x2]  }
0x4: {  	s2 =	srdreg.scid;
	s8 =	stileid.u32  }
0x5: {  	s10 =	simm.s32 $0x400;
	s11 =	simm.s32 $0x1;
	s12 =	simm.s32 $0x8000  }
0x6: {  	s13 =	simm.s32 $0x13080;
	s14 =	simm.s32 $0x2;
	s15 =	simm.s32 $0x1C200  }
0x7: {  	s16 =	simm.s32 $0x3;
	s17 =	simm.s32 $0x1C380;
	s18 =	simm.s32 $0x0  }
0x8: {  	s4 =	sand.u32 $0x1, s2;
	s2 =	simm.s32 $0x0;
	s5 =	sshll.u32 s8, $0x6  }
0x9: {  	s30 =	sshll.u32 s8, $0xF;
	s6 =	sshll.u32 s4, $0x5;
	[smem:$0x7FF] =	sst s2  }
0xa: {  	s29 =	ssub.s32 $0x2, s4;
	s4 =	sshll.u32 s4, $0x6;
	s6 =	sor.u32 s6, s5  }
.Ltmp0:
0xb: {  	_ =	strace $0x80000047;
	s31 =	sshrl.u32 s29, $0x1;
	(pc) =	sbr.rel .LBB2_1-.Ltmp0, $4  }
0xc: {  	s9 =	sadd.s32 s0, s4;
	s0 =	sadd.s32 s0, s30;
	s7 =	sadd.s32 s6, s3  }
0xd: {  	s8 =	ssub.s32 s29, s31;
	s3 =	sadd.s32 s30, s9;
	s0 =	sadd.s32 s4, s0  }
0xe: {  	s6 =	sadd.s32 s1, s6;
	s9 =	simm.s32 $0x80;
	s4 =	sadd.s32 $0x10, s3  }
0xf: {  	v0 =	vlaneseq.u32;
	v1 =	vimm.s32 $0x0;
	v2 =	vimm.f32 $-Inf;
	s5 =	sadd.s32 $0x20, s0;
	s7 =	sadd.s32 $0x800, s7;
	s8 =	smax.u32 s8, $0x1  }
.LBB2_135:
0x10: {  	[hbm4b:s6+s2] =	stream.linear.scatter [tilespmem:s15], [sflag:$0x3], $0x100, $0x38;
	[tilespmem:$0x1C500] =	vst v63  }
0x11: {  	s18 =	sadd.s32 $0x1, s18;
	_ =	swait.ge [sflag:s16], $0x100  }
0x12: {  	p0 =	sne.s32 s18, s8;
	[sflag:s16] =	ssyncset.done $0x0  }
.Ltmp1:
0x13: {  	[sflag:s16] =	ssyncadd.s32 $0xFFFFFF00;
	(pc) =	sbr.rel @!p0 .LBB2_136-.Ltmp1, $4  }
0x14: {  	[hbm4b:s7+s2] =	stream.linear.scatter [tilespmem:s17], [sflag:$0x3], $0x100, $0x38;
	[tilespmem:$0x1C500] =	vst v63  }
0x15: {  	_ =	swait.ge [sflag:s16], $0x100  }
0x16: {  	[sflag:s16] =	ssyncset.done $0x0  }
0x17: {  	[sflag:s16] =	ssyncadd.s32 $0xFFFFFF00  }
.LBB2_1:
.Ltmp2:
0x18: {  	(pc) =	sbr.rel .LBB2_3-.Ltmp2, $3  }
0x19: {  	_ =	sdelay $0x1  }
0x1a: {  	[tilespmem:s2], [sflag:$0x1] =	stream.strided.gather [hbm4b:s3+s9], $0x8000, s10, s9, $0x38;
	[tilespmem:$0x1C500] =	vst v63  }
0x1b: {  	p1 =	por $0x1, $0x1;
	s19 =	simm.s32 $0x0  }
.LBB2_2:
.Ltmp3:
0x1c: {  	(pc) =	sbr.rel @!p0 .LBB2_135-.Ltmp3, $2  }
0x1d: {  	_ =	sdelay $0x2  }
0x1e: {  	s19 =	simm.s32 $0x1;
	p1 =	por $0x0, $0x0  }
.LBB2_3:
0x1f: {  	_ =	swait.ge [sflag:s11], $0x8000  }
0x20: {  	s0 =	sshll.u32 s19, $0x5;
	[sflag:s11] =	ssyncset.done $0x0  }
0x21: {  	s1 =	simm.s32 $0x80;
	s0 =	sadd.s32 s0, s4;
	[sflag:s11] =	ssyncadd.s32 $0xFFFF8000  }
0x22: {  	[tilespmem:s12], [sflag:$0x2] =	stream.strided.gather [hbm4b:s0+s1], $0x8000, s10, s1, $0x38;
	[tilespmem:$0x1C500] =	vst v63  }
0x23: {  	v5 =	vld [tilespmem:s1+$0x40]  }
0x24: {  	v3 =	vld [tilespmem:s1+$0x50]  }
0x25: {  	v4 =	vld [tilespmem:s1+$0x60]  }
0x26: {  	v11 =	vld [tilespmem:s1+$0x0]  }
0x27: {  	v6 =	vld [tilespmem:s1+$0x10]  }
0x28: {  	v7 =	vld [tilespmem:s1+$0x20]  }
0x29: {  	v12 =	vld [tilespmem:s1+$0xFFFFFFC0]  }
0x2a: {  	v8 =	vld [tilespmem:s1+$0xFFFFFFD0]  }
0x2b: {  	v13 =	vld [tilespmem:s1+$0xFFFFFF80]  }
0x2c: {  	v10 =	vld [tilespmem:s1+$0xFFFFFFE0]  }
0x2d: {  	v15 =	vld [tilespmem:s1+$0xFFFFFF90]  }
0x2e: {  	v16 =	vld [tilespmem:s1+$0xFFFFFFA0]  }
0x2f: {  	v9 =	vimm.f32 $-Inf;
	v18 =	vld [tilespmem:s1+$0xFFFFFFB0]  }
0x30: {  	v17 =	vld [tilespmem:s1+$0xFFFFFFF0];
	v13 =	vmax.f32 v9, v13  }
0x31: {  	v14 =	vld [tilespmem:s1+$0x30];
	v12 =	vmax.f32 v13, v12  }
0x32: {  	p0 =	por p1, p1;
	s20 =	simm.s32 $0x180;
	s0 =	simm.s32 $0x0;
	v13 =	vld [tilespmem:s1+$0x70];
	v19 =	vmax.f32 v12, v11;
	v11 =	vimm.f32 $-Inf;
	v12 =	vimm.f32 $-Inf  }
.LBB2_4:
0x33: {  	v19 =	vmax.f32 v19, v5;
	v5 =	vld [tilespmem:s20+$0x40]  }
0x34: {  	v9 =	vmax.f32 v9, v15;
	v11 =	vmax.f32 v11, v16;
	v20 =	vld [tilespmem:s20+$0x50];
	v12 =	vmax.f32 v12, v18  }
0x35: {  	v8 =	vmax.f32 v9, v8;
	v9 =	vmax.f32 v11, v10;
	v15 =	vld [tilespmem:s20+$0x60];
	v10 =	vmax.f32 v12, v17  }
0x36: {  	v8 =	vmax.f32 v8, v6;
	v7 =	vmax.f32 v9, v7;
	v21 =	vld [tilespmem:s20+$0x0];
	v10 =	vmax.f32 v10, v14  }
0x37: {  	v9 =	vmax.f32 v8, v3;
	v11 =	vmax.f32 v7, v4;
	v6 =	vld [tilespmem:s20+$0x10];
	v12 =	vmax.f32 v10, v13  }
0x38: {  	v7 =	vld [tilespmem:s20+$0x20]  }
0x39: {  	v13 =	vld [tilespmem:s20+$0xFFFFFFC0];
	v3 =	vmov v20  }
0x3a: {  	v8 =	vld [tilespmem:s20+$0xFFFFFFD0];
	v4 =	vmov v15  }
0x3b: {  	v14 =	vld [tilespmem:s20+$0xFFFFFF80]  }
0x3c: {  	s0 =	sadd.s32 $0x10, s0;
	v10 =	vld [tilespmem:s20+$0xFFFFFFE0]  }
0x3d: {  	p1 =	slt.u32 s0, $0x7F0;
	v15 =	vld [tilespmem:s20+$0xFFFFFF90]  }
.Ltmp4:
0x3e: {  	v16 =	vld [tilespmem:s20+$0xFFFFFFA0];
	(pc) =	sbr.rel @p1 .LBB2_4-.Ltmp4, $4  }
0x3f: {  	v18 =	vld [tilespmem:s20+$0xFFFFFFB0]  }
0x40: {  	v14 =	vmax.f32 v19, v14;
	v17 =	vld [tilespmem:s20+$0xFFFFFFF0]  }
0x41: {  	v13 =	vmax.f32 v14, v13;
	v14 =	vld [tilespmem:s20+$0x30]  }
0x42: {  	v19 =	vmax.f32 v13, v21;
	v13 =	vld [tilespmem:s20+$0x70];
	s20 =	sadd.s32 $0x100, s20  }
0x43: {  	v5 =	vmax.f32 v19, v5  }
0x44: {  	v9 =	vmax.f32 v9, v15;
	v11 =	vmax.f32 v11, v16;
	v12 =	vmax.f32 v12, v18  }
0x45: {  	v8 =	vmax.f32 v9, v8;
	v60 =	vmax.f32 v11, v10;
	v61 =	vmax.f32 v12, v17  }
0x46: {  	v6 =	vmax.f32 v8, v6;
	v7 =	vmax.f32 v60, v7;
	v62 =	vmax.f32 v61, v14  }
0x47: {  	v3 =	vmax.f32 v6, v3;
	v4 =	vmax.f32 v7, v4;
	v63 =	vmax.f32 v62, v13  }
0x48: {  	v3 =	vmin.f32 v5, v3;
	v4 =	vmin.f32 v4, v63  }
0x49: {  	v3 =	vmin.f32 v3, v4  }
0x4a: {  	(xrf0) =	vmin.scan.msk.f32 $0xffff, v3;
	_ =	sdelay $0x5  }
0x4b: {  	v3, _, _ =	vpop (xrf0)  }
0x4c: {  	(v2sf) =	vpush v3, $0xF;
	_ =	sdelay $0xa  }
.Ltmp5:
0x4d: {  	_ = 	snop;
	(pc) =	sbr.rel .LBB2_6-.Ltmp5, $3  }
0x4e: {  	_ =	sdelay $0x1  }
0x4f: {  	s20 =	simm.s32 $0x0;
	s21 =	simm.s32 $0x20  }
0x50: {  	s24 =	simm.s32 $0x0;
	s22 =	simm.s32 $0x0;
	s23 =	spop (v2sf)  }
.LBB2_23:
0x51: {  	v3 =	vld [tilespmem:$0x1C480]  }
0x52: {  	v4 =	vld [tilespmem:$0x1C490]  }
0x53: {  	v5 =	vld [tilespmem:$0x1C4A0]  }
0x54: {  	v6 =	vld [tilespmem:$0x1C4B0];
	_ =	sdelay $0x1  }
0x55: {  	[tilespmem:$0x13080] =	vst v3  }
0x56: {  	[tilespmem:$0x13090] =	vst v4  }
0x57: {  	[tilespmem:$0x130A0] =	vst v5  }
0x58: {  	[tilespmem:$0x130B0] =	vst v6  }
.LBB2_24:
0x59: {  	s22 =	sadd.s32 $0x1, s22  }
0x5a: {  	p2 =	sne.s32 s22, $0x4  }
.Ltmp6:
0x5b: {  	_ = 	snop;
	(pc) =	sbr.rel @!p2 .LBB2_25-.Ltmp6, $3  }
0x5c: {  	_ =	sdelay $0x1  }
0x5d: {  	p1 =	sgt.s32 s24, $0x1000  }
0x5e: {  	s20 =	sadd.s32 $0x2000, s20;
	s21 =	sadd.s32 $0x2000, s21;
	s24 =	simm.s32 @p1 $0x40  }
.LBB2_6:
0x5f: {  	v3 =	vld [tilespmem:s21+$0xFFFFFFE0]  }
0x60: {  	v5 =	vld [tilespmem:s21+$0x10]  }
0x61: {  	v6 =	vld [tilespmem:s21+$0x0]  }
0x62: {  	v7 =	vld [tilespmem:s21+$0xFFFFFFF0];
	s0 =	sshll.u32 s22, $0x9  }
0x63: {  	v4 =	vmov s23;
	s25 =	sadd.s32 $0x200, s0;
	s0 =	sadd.s32 $0x4, s0  }
0x64: {  	p2 =	slt.u32 s0, s25;
	vm2 =	vge.f32 v3, v4  }
.Ltmp7:
0x65: {  	vm3 =	vge.f32 v5, v4;
	v3 =	vsel vm2, $0x1, v1;
	(pc) =	sbr.rel @!p2 .LBB2_7-.Ltmp7, $4  }
0x66: {  	vm5 =	vge.f32 v6, v4;
	v5 =	vsel vm3, $0x1, v1;
	(xrf0) =	vadd.scan.msk.s32 $0xffff, v3  }
0x67: {  	vm4 =	vge.f32 v7, v4;
	v3 =	vsel vm5, $0x1, v1;
	(xrf0) =	vadd.scan.msk.s32 $0xffff, v5  }
0x68: {  	v5 =	vsel vm4, $0x1, v1;
	(xrf0) =	vadd.scan.msk.s32 $0xffff, v3  }
0x69: {  	p1 =	por $0x0, $0x0;
	v7 =	vmpcnt.ones.xlane vm2;
	v8 =	vmpcnt.ones.xlane vm4;
	v3 =	vmov s24;
	(xrf0) =	vadd.scan.msk.s32 $0xffff, v5  }
0x6a: {  	vm6 =	vmmov vm5  }
0x6b: {  	v7 =	vadd.s32 v3, v7;
	v5 =	vmpcnt.ones.xlane vm6  }
0x6c: {  	s24 =	sadd.s32 $0x40, s21;
	v8 =	vadd.s32 v7, v8;
	v11, _, _ =	vpop (xrf0)  }
0x6d: {  	vm0 =	vmmov vm3;
	v6 =	vld [tilespmem:s24+$0xFFFFFFE0];
	v3 =	vadd.s32 v11, v3;
	v5 =	vadd.s32 v8, v5;
	v11, _, _ =	vpop (xrf0)  }
0x6e: {  	v9 =	vld [tilespmem:s24+$0x10];
	v10 =	vmpcnt.ones.xlane vm0;
	v11 =	vadd.s32 v11, v5  }
0x6f: {  	vm7 =	vmmov vm2;
	v12 =	vld [tilespmem:s24+$0x0]  }
0x70: {  	vm1 =	vmmov vm4;
	s31 =	sadd.s32 $0x20, s20;
	v13 =	vld [tilespmem:s24+$0xFFFFFFF0];
	v14 =	vadd.s32 $0xFFFFFFFF, v3;
	v3 =	vadd.s32 v5, v10;
	v5, _, _ =	vpop (xrf0)  }
0x71: {  	s28 =	sadd.s32 $0x4, s0;
	v63 =	vor.u32 s31, v0;
	v8 =	vadd.s32 v5, v8;
	v5 =	vadd.s32 $0xFFFFFFFF, v11;
	v11, _, _ =	vpop (xrf0)  }
0x72: {  	p2 =	slt.u32 s28, s25;
	vm2 =	vge.f32 v6, v4;
	v6 =	vadd.s32 v11, v7;
	v11 =	vadd.s32 $0xFFFFFFFF, v8  }
.Ltmp8:
0x73: {  	vm3 =	vge.f32 v9, v4;
	v8 =	vsel vm2, $0x1, v1;
	v6 =	vadd.s32 $0xFFFFFFFF, v6;
	(pc) =	sbr.rel @!p2 .LBB2_9-.Ltmp8, $4  }
0x74: {  	v10 =	vor.u32 s20, v0;
	vm5 =	vge.f32 v12, v4;
	v9 =	vsel vm3, $0x1, v1;
	(xrf0) =	vadd.scan.msk.s32 $0xffff, v8  }
0x75: {  	vm4 =	vge.f32 v13, v4;
	v12 =	vsel vm5, $0x1, v1;
	v7 =	vmpcnt.ones.xlane vm2;
	(xrf0) =	vadd.scan.msk.s32 $0xffff, v9  }
0x76: {  	s1 =	sadd.s32 $0x30, s20;
	s26 =	sadd.s32 $0x10, s20;
	[tilespmem:v14+s13+$0x0] =	vst.idx.msk vm7, v10;
	v8 =	vmpcnt.ones.xlane vm4;
	v9 =	vsel vm4, $0x1, v1;
	(xrf0) =	vadd.scan.msk.s32 $0xffff, v12  }
0x77: {  	p1 =	por $0x1, $0x1;
	v10 =	vor.u32 s26, v0;
	s26 =	smov.u32 s20;
	(xrf0) =	vadd.scan.msk.s32 $0xffff, v9;
	v9 =	vor.u32 s1, v0;
	[tilespmem:v11+s13+$0x0] =	vst.idx.msk vm6, v63  }
.LBB2_10:
0x78: {  	s28 =	sadd.s32 $0x4, s28;
	s24 =	sadd.s32 $0x40, s24;
	[tilespmem:v6+s13+$0x0] =	vst.idx.msk vm1, v10;
	s26 =	sadd.s32 $0x40, s26;
	vm7 =	vmmov vm2;
	vm6 =	vmmov vm5;
	vm1 =	vmmov vm4  }
0x79: {  	v7 =	vadd.s32 v3, v7;
	v6 =	vld [tilespmem:s24+$0xFFFFFFE0];
	p2 =	slt.u32 s28, s25;
	v10 =	vmpcnt.ones.xlane vm6;
	[tilespmem:v5+s13+$0x0] =	vst.idx.msk vm0, v9;
	vm0 =	vmmov vm3  }
0x7a: {  	v5 =	vadd.s32 v7, v8;
	v9 =	vld [tilespmem:s24+$0x10];
	v15 =	vmpcnt.ones.xlane vm0;
	v11, _, _ =	vpop (xrf0)  }
0x7b: {  	v12 =	vld [tilespmem:s24+$0x0];
	v3 =	vadd.s32 v11, v3;
	v10 =	vadd.s32 v5, v10;
	v11, _, _ =	vpop (xrf0)  }
0x7c: {  	v13 =	vld [tilespmem:s24+$0xFFFFFFF0];
	v14 =	vadd.s32 $0xFFFFFFFF, v3;
	v16 =	vadd.s32 v11, v10;
	v3 =	vadd.s32 v10, v15;
	v8, _, _ =	vpop (xrf0)  }
0x7d: {  	v10 =	vor.u32 s26, v0;
	v8 =	vadd.s32 v8, v5;
	v5 =	vadd.s32 $0xFFFFFFFF, v16;
	v11, _, _ =	vpop (xrf0)  }
0x7e: {  	vm2 =	vge.f32 v6, v4;
	v6 =	vadd.s32 v11, v7;
	v11 =	vadd.s32 $0xFFFFFFFF, v8  }
.Ltmp9:
0x7f: {  	v8 =	vsel vm2, $0x1, v1;
	vm3 =	vge.f32 v9, v4;
	v6 =	vadd.s32 $0xFFFFFFFF, v6;
	(pc) =	sbr.rel @p2 .LBB2_10-.Ltmp9, $4  }
0x80: {  	s0 =	sadd.s32 $0x30, s26;
	v7 =	vmpcnt.ones.xlane vm2;
	vm5 =	vge.f32 v12, v4;
	v9 =	vsel vm3, $0x1, v1;
	(xrf0) =	vadd.scan.msk.s32 $0xffff, v8  }
0x81: {  	s1 =	sadd.s32 $0x20, s26;
	vm4 =	vge.f32 v13, v4;
	v12 =	vsel vm5, $0x1, v1;
	(xrf0) =	vadd.scan.msk.s32 $0xffff, v9;
	[tilespmem:v14+s13+$0x0] =	vst.idx.msk vm7, v10  }
0x82: {  	s29 =	sadd.s32 $0x10, s26;
	v9 =	vsel vm4, $0x1, v1;
	v8 =	vmpcnt.ones.xlane vm4;
	(xrf0) =	vadd.scan.msk.s32 $0xffff, v12;
	v12 =	vor.u32 s1, v0  }
0x83: {  	v10 =	vor.u32 s29, v0;
	(xrf0) =	vadd.scan.msk.s32 $0xffff, v9;
	[tilespmem:v11+s13+$0x0] =	vst.idx.msk vm6, v12;
	v9 =	vor.u32 s0, v0  }
.LBB2_11:
0x84: {  	vm5 =	vmmov vm5  }
0x85: {  	v4 =	vadd.s32 v3, v7;
	vm3 =	vmmov vm3;
	v59 =	vmpcnt.ones.xlane vm5  }
0x86: {  	v8 =	vadd.s32 v4, v8;
	v11 =	vmpcnt.ones.xlane vm3  }
0x87: {  	v7 =	vadd.s32 v8, v59  }
0x88: {  	v11 =	vadd.s32 v7, v11  }
0x89: {  	v11 =	vxor.u32 $0x80000000, v11  }
0x8a: {  	(xrf0) =	vmax.scan.msk.u32 $0xffff, v11;
	_ =	sdelay $0x1  }
0x8b: {  	v60, _, _ =	vpop (xrf0)  }
0x8c: {  	v12, _, _ =	vpop (xrf0)  }
0x8d: {  	v13, _, _ =	vpop (xrf0)  }
0x8e: {  	v14, _, _ =	vpop (xrf0)  }
0x8f: {  	v15, _, _ =	vpop (xrf0)  }
0x90: {  	(v2sf) =	vpush v15, $0xF;
	_ =	sdelay $0x8  }
0x91: {  	vm2 =	vmmov vm2;
	v3 =	vadd.s32 v60, v3  }
0x92: {  	v3 =	vadd.s32 $0xFFFFFFFF, v3;
	_ =	sdelay $0x1  }
0x93: {  	s0 =	sadd.s32 @p1 $0x40, s26;
	s1 =	smov.u32 s20  }
0x94: {  	s1 =	smov.u32 @p1 s0  }
0x95: {  	vm4 =	vmmov vm4;
	v62 =	vor.u32 s1, v0;
	s0 =	sadd.s32 $0x20, s1;
	v8 =	vadd.s32 v13, v8  }
0x96: {  	s24 =	sadd.s32 $0x10, s1;
	v4 =	vadd.s32 v14, v4;
	v8 =	vadd.s32 $0xFFFFFFFF, v8;
	[tilespmem:v3+s13+$0x0] =	vst.idx.msk vm2, v62;
	v3 =	vor.u32 s0, v0;
	s0 =	spop (v2sf)  }
0x97: {  	[tilespmem:v6+s13+$0x0] =	vst.idx.msk @p1 vm1, v10;
	v63 =	vor.u32 s24, v0;
	v7 =	vadd.s32 v12, v7;
	v4 =	vadd.s32 $0xFFFFFFFF, v4;
	s24 =	sxor.u32 $0x80000000, s0  }
0x98: {  	[tilespmem:v5+s13+$0x0] =	vst.idx.msk @p1 vm0, v9;
	v61 =	vadd.s32 $0xFFFFFFFF, v7;
	p1 =	slt.s32 s24, $0x1001  }
.Ltmp10:
0x99: {  	_ = 	snop;
	(pc) =	sbr.rel @p1 .LBB2_24-.Ltmp10, $4  }
0x9a: {  	_ = 	snop  }
0x9b: {  	s1 =	sadd.s32 $0x30, s1;
	[tilespmem:v8+s13+$0x0] =	vst.idx.msk vm5, v3  }
0x9c: {  	v3 =	vor.u32 s1, v0;
	[tilespmem:v4+s13+$0x0] =	vst.idx.msk vm4, v63  }
0x9d: {  	[tilespmem:v61+s13+$0x0] =	vst.idx.msk vm3, v3  }
0x9e: {  	s1 =	sadd.s32 $0x8000000F, s0  }
0x9f: {  	s23 =	sand.u32 $0xF, s1  }
0xa0: {  	s31 =	sshra.s32 s1, $0x1F;
	p2 =	slt.s32 s1, $0x1;
	p1 =	sne.s32 s23, $0x0  }
0xa1: {  	s23 =	sshrl.u32 s31, $0x1C;
	p1 =	por !p2, !p1  }
0xa2: {  	s1 =	sadd.s32 s23, s1;
	s23 =	simm.s32 $0x1;
	p1 =	por !p1, !p1  }
0xa3: {  	s1 =	sshra.s32 s1, $0x4;
	s23 =	simm.s32 @!p1 $0x0  }
0xa4: {  	s23 =	ssub.s32 s1, s23  }
0xa5: {  	p1 =	slt.s32 s23, $0x1  }
.Ltmp11:
0xa6: {  	_ = 	snop;
	(pc) =	sbr.rel @p1 .LBB2_19-.Ltmp11, $3  }
0xa7: {  	_ =	sdelay $0x1  }
0xa8: {  	s0 =	sand.u32 $0x7FFFFFFF, s0  }
0xa9: {  	[tilespmem:s0+$0x13080] =	vst v1  }
0xaa: {  	p2 =	sne.s32 s23, $0x1  }
.Ltmp12:
0xab: {  	_ = 	snop;
	(pc) =	sbr.rel @!p2 .LBB2_14-.Ltmp12, $3  }
0xac: {  	_ =	sdelay $0x1  }
0xad: {  	s25 =	simm.s32 $0x13080  }
0xae: {  	s1 =	simm.s32 $0x10000;
	p1 =	por $0x0, $0x0;
	v3 =	vld [tilespmem:s25+$0x0];
	s25 =	sadd.s32 $0xFFFFFFFF, s23  }
0xaf: {  	_ =	sdelay $0x7  }
0xb0: {  	v3 =	vld.idx.msk [tilespmem:v3+s2+$0x0], $0xffff  }
0xb1: {  	p2 =	sne.s32 s25, $0x1  }
.Ltmp13:
0xb2: {  	_ = 	snop;
	(pc) =	sbr.rel @!p2 .LBB2_16-.Ltmp13, $3  }
0xb3: {  	_ =	sdelay $0x1  }
0xb4: {  	s26 =	simm.s32 $0x13090;
	[tilespmem:s1+$0x0] =	vst v3  }
0xb5: {  	s28 =	sadd.s32 $0xFFFFFFFF, s25;
	p1 =	por $0x1, $0x1;
	s25 =	simm.s32 $0x10000;
	v3 =	vld [tilespmem:s26+$0x0]  }
.LBB2_17:
0xb6: {  	p2 =	sne.s32 s28, $0x1;
	_ =	sdelay $0x6  }
0xb7: {  	v3 =	vld.idx.msk [tilespmem:v3+s2+$0x0], $0xffff;
	_ =	sdelay $0x2  }
.Ltmp14:
0xb8: {  	(pc) =	sbr.rel @p2 .LBB2_17-.Ltmp14, $4  }
0xb9: {  	_ = 	snop  }
0xba: {  	s25 =	sadd.s32 $0x10, s25  }
0xbb: {  	s26 =	sadd.s32 $0x10, s26;
	[tilespmem:s25+$0x0] =	vst v3  }
0xbc: {  	s28 =	sadd.s32 $0xFFFFFFFF, s28;
	v3 =	vld [tilespmem:s26+$0x0]  }
.LBB2_18:
0xbd: {  	_ =	sdelay $0x7  }
0xbe: {  	v3 =	vld.idx.msk [tilespmem:v3+s2+$0x0], $0xffff;
	_ =	sdelay $0x2  }
0xbf: {  	s25 =	sadd.s32 @p1 $0x10, s25  }
0xc0: {  	s1 =	smov.u32 @p1 s25  }
0xc1: {  	[tilespmem:s1+$0x0] =	vst v3  }
.LBB2_19:
.Ltmp15:
0xc2: {  	s1 =	sshrl.u32 s23, $0x1F;
	(pc) =	sbr.rel .LBB2_20-.Ltmp15, $4  }
0xc3: {  	s1 =	sadd.s32 s1, s23  }
0xc4: {  	s28 =	simm.s32 $0x0;
	s25 =	sand.u32 $0xFFFFFFFE, s1;
	s1 =	sshll.u32 s1, $0x4  }
0xc5: {  	s29 =	simm.s32 $0xFFFFFFFF;
	s30 =	ssub.s32 s23, s25;
	s26 =	sand.u32 $0xFFFFFFE0, s1  }
0xc6: {  	[tilespmem:s0+$0x10000] =	vst v2;
	s23 =	simm.f32 $+Inf;
	p1 =	slt.s32 s25, $0x1;
	p2 =	slt.s32 s30, $0x1  }
.LBB2_21:
0xc7: {  	v3 =	vimm.s32 $0x40000000;
	v4 =	vimm.f32 $-Inf  }
.LBB2_22:
0xc8: {  	v5 =	vld @!p2 [tilespmem:s26+$0x10000]  }
0xc9: {  	v6 =	vld @!p2 [tilespmem:s26+$0x13080];
	_ =	sdelay $0x4  }
0xca: {  	vm0 =	veq.f32 @!p2 v5, s23;
	vm1 =	veq.s32 @!p2 v6, s29  }
0xcb: {  	vm0 =	vmand @!p2 vm0, vm1  }
0xcc: {  	v5 =	vsel @!p2 vm0, $0xFF800000, v5  }
0xcd: {  	vm0 =	vlt.s32 @!p2 v6, v3;
	vm1 =	veq.f32 @!p2 v5, v4  }
0xce: {  	vm2 =	vgt.f32 @!p2 v5, v4;
	vm0 =	vmand @!p2 vm0, vm1  }
0xcf: {  	vm0 =	vmor @!p2 vm2, vm0  }
0xd0: {  	v7 =	vsel @!p2 vm0, v5, v4  }
0xd1: {  	v4 =	vpsel p2, v4, v7  }
0xd2: {  	(xrf0) =	vmax.scan.msk.f32 $0xffff, v4;
	_ =	sdelay $0x5  }
0xd3: {  	v62, _, _ =	vpop (xrf0)  }
0xd4: {  	v6 =	vsel @!p2 vm0, v6, v3;
	v63 =	vbroadcast v62, $0xF  }
0xd5: {  	v3 =	vpsel p2, v3, v6  }
0xd6: {  	v3 =	vxor.u32 $0x80000000, v3;
	vm15 =	veq.f32 v4, v63  }
0xd7: {  	v3 =	vnsel vm15, $0xC0000000, v3  }
0xd8: {  	(xrf0) =	vmin.scan.msk.u32 $0xffff, v3;
	_ =	sdelay $0x5  }
0xd9: {  	(v2sf) =	vpush v62, $0xF;
	v3, _, _ =	vpop (xrf0)  }
0xda: {  	(v2sf) =	vpush v3, $0xF;
	_ =	sdelay $0xd  }
0xdb: {  	s23 =	spop (v2sf)  }
0xdc: {  	s0 =	spop (v2sf)  }
0xdd: {  	[tilespmem:s26+$0x10000] =	vst @!p2 v5;
	s29 =	sxor.u32 $0x80000000, s0  }
0xde: {  	[tilespmem:s28+$0x1C300] =	vst.msk $0x1, v63;
	v3 =	vmov s29  }
0xdf: {  	[tilespmem:s28+$0x1C480] =	vst.msk $0x1, v3;
	s28 =	sadd.s32 $0x1, s28  }
0xe0: {  	p3 =	sne.s32 s28, $0x40  }
.Ltmp16:
0xe1: {  	_ = 	snop;
	(pc) =	sbr.rel @!p3 .LBB2_23-.Ltmp16, $1  }
0xe2: {  	_ =	sdelay $0x3  }
.LBB2_20:
.Ltmp17:
0xe3: {  	(pc) =	sbr.rel @p1 .LBB2_21-.Ltmp17, $1  }
0xe4: {  	_ =	sdelay $0x3  }
0xe5: {  	s31 =	simm.s32 $0x10010  }
0xe6: {  	s0 =	simm.s32 $0x13090;
	v16 =	vld [tilespmem:s31+$0xFFFFFFF0]  }
0xe7: {  	v15 =	vld [tilespmem:s0+$0xFFFFFFF0]  }
0xe8: {  	p4 =	sgt.s32 s25, $0x2  }
.Ltmp18:
0xe9: {  	v7 =	vld [tilespmem:s0+$0x0];
	(pc) =	sbr.rel @!p4 .LBB2_29-.Ltmp18, $4  }
0xea: {  	_ = 	snop  }
0xeb: {  	v4 =	vmov s23;
	v3 =	vmov s29  }
0xec: {  	vm0 =	veq.f32 v16, v4;
	vm1 =	veq.s32 v15, v3  }
0xed: {  	v6 =	vimm.f32 $-Inf;
	v5 =	vimm.s32 $0x40000000;
	s30 =	simm.s32 $0x10030;
	p3 =	por $0x0, $0x0;
	v10 =	vld [tilespmem:s31+$0x0];
	vm0 =	vmand vm0, vm1  }
0xee: {  	_ =	sdelay $0x1  }
0xef: {  	v8 =	vld [tilespmem:s30+$0xFFFFFFF0];
	v14 =	vsel vm0, $0xFF800000, v16;
	s0 =	simm.s32 $0x130B0  }
0xf0: {  	vm1 =	vlt.s32 v15, v5;
	v9 =	vld [tilespmem:s0+$0xFFFFFFF0];
	vm0 =	veq.f32 v14, v6;
	vm3 =	vgt.f32 v14, v6  }
0xf1: {  	p4 =	sgt.s32 s25, $0x4;
	vm0 =	vmand vm1, vm0;
	vm1 =	veq.s32 v7, v3;
	vm2 =	veq.f32 v10, v4  }
.Ltmp19:
0xf2: {  	vm0 =	vmor vm3, vm0;
	vm1 =	vmand vm2, vm1;
	(pc) =	sbr.rel @!p4 .LBB2_31-.Ltmp19, $4  }
0xf3: {  	v11 =	vsel vm0, v14, v6;
	v12 =	vsel vm0, v15, v5;
	v13 =	vsel vm1, $0xFF800000, v10;
	v10 =	vld [tilespmem:s30+$0x0]  }
0xf4: {  	[tilespmem:s31+$0xFFFFFFF0] =	vst v14;
	v14 =	vld [tilespmem:s0+$0x0];
	vm0 =	veq.f32 v8, v4;
	vm2 =	vlt.s32 v7, v12;
	vm1 =	veq.f32 v13, v11  }
0xf5: {  	vm3 =	veq.s32 v9, v3;
	vm4 =	vgt.f32 v13, v11;
	vm1 =	vmand vm1, vm2  }
0xf6: {  	s1 =	simm.s32 $0x4;
	p3 =	por $0x1, $0x1;
	[tilespmem:s31+$0x0] =	vst v13;
	vm0 =	vmand vm0, vm3;
	s31 =	simm.s32 $0x10050;
	vm1 =	vmor vm4, vm1  }
.LBB2_32:
0xf7: {  	v15 =	vsel vm0, $0xFF800000, v8;
	v8 =	vld [tilespmem:s31+$0xFFFFFFF0];
	s0 =	sadd.s32 $0x20, s0;
	v11 =	vsel vm1, v13, v11;
	v12 =	vsel vm1, v7, v12  }
0xf8: {  	s1 =	sadd.s32 $0x2, s1;
	v16 =	vld [tilespmem:s0+$0xFFFFFFF0];
	[tilespmem:s30+$0xFFFFFFF0] =	vst v15;
	vm0 =	veq.f32 v15, v11;
	vm1 =	vlt.s32 v9, v12;
	vm2 =	veq.f32 v10, v4  }
0xf9: {  	p4 =	slt.s32 s1, s25;
	vm3 =	vgt.f32 v15, v11;
	vm0 =	vmand vm1, vm0;
	vm1 =	veq.s32 v14, v3;
	v7 =	vmovc v14  }
.Ltmp20:
0xfa: {  	vm0 =	vmor vm3, vm0;
	vm1 =	vmand vm2, vm1;
	(pc) =	sbr.rel @p4 .LBB2_32-.Ltmp20, $4  }
0xfb: {  	v11 =	vsel vm0, v15, v11;
	v12 =	vsel vm0, v9, v12;
	v13 =	vsel vm1, $0xFF800000, v10;
	v10 =	vld [tilespmem:s31+$0x0]  }
0xfc: {  	vm0 =	veq.f32 v8, v4;
	v14 =	vld [tilespmem:s0+$0x0];
	[tilespmem:s30+$0x0] =	vst v13;
	vm1 =	veq.f32 v13, v11;
	vm2 =	vlt.s32 v7, v12;
	s30 =	smov.u32 s31  }
0xfd: {  	vm4 =	vgt.f32 v13, v11;
	vm3 =	veq.s32 v16, v3;
	vm1 =	vmand vm1, vm2;
	v9 =	vmovc v16  }
0xfe: {  	s31 =	sadd.s32 $0x20, s31;
	vm0 =	vmand vm0, vm3;
	vm1 =	vmor vm4, vm1  }
0xff: {  	_ =	sdelay $0x1  }
0x100: {  	v17 =	vmovc v7;
	v16 =	vmov v8;
	s31 =	smov.u32 s30;
	v15 =	vmov v9;
	v7 =	vmov v14  }
.LBB2_34:
0x101: {  	v8 =	vsel @p3 vm1, v13, v11;
	v9 =	vsel @p3 vm1, v17, v12  }
0x102: {  	v63 =	vsel vm0, $0xFF800000, v16;
	v6 =	vpsel p3, v8, v6;
	v5 =	vpsel p3, v9, v5  }
0x103: {  	vm2 =	veq.f32 v10, v4;
	vm0 =	veq.f32 v63, v6;
	vm11 =	vlt.s32 v15, v5  }
0x104: {  	vm12 =	veq.s32 v7, v3;
	vm3 =	vgt.f32 v63, v6;
	vm0 =	vmand vm11, vm0  }
0x105: {  	vm1 =	vmand vm2, vm12;
	vm0 =	vmor vm3, vm0  }
.Ltmp21:
0x106: {  	v4 =	vsel vm1, $0xFF800000, v10;
	v3 =	vsel vm0, v63, v6;
	v5 =	vsel vm0, v15, v5;
	(pc) =	sbr.rel .LBB2_22-.Ltmp21, $4  }
0x107: {  	vm13 =	veq.f32 v4, v3;
	vm14 =	vlt.s32 v7, v5  }
0x108: {  	vm15 =	vgt.f32 v4, v3;
	vm0 =	vmand vm13, vm14  }
0x109: {  	[tilespmem:s31+$0xFFFFFFF0] =	vst v63;
	vm0 =	vmor vm15, vm0  }
0x10a: {  	[tilespmem:s31+$0x0] =	vst v4;
	v4 =	vsel vm0, v4, v3;
	v3 =	vsel vm0, v7, v5  }
.LBB2_29:
.Ltmp22:
0x10b: {  	(pc) =	sbr.rel .LBB2_34-.Ltmp22, $2  }
0x10c: {  	_ =	sdelay $0x2  }
0x10d: {  	_ = 	snop  }
.LBB2_31:
.Ltmp23:
0x10e: {  	(pc) =	sbr.rel .LBB2_34-.Ltmp23, $2  }
0x10f: {  	_ =	sdelay $0x2  }
0x110: {  	v17 =	vmovc v7;
	v16 =	vmov v8;
	s31 =	simm.s32 $0x10030;
	v15 =	vmov v9;
	v7 =	vmov v14  }
.LBB2_7:
.Ltmp24:
0x111: {  	(pc) =	sbr.rel .LBB2_11-.Ltmp24, $2  }
0x112: {  	_ =	sdelay $0x2  }
0x113: {  	s26 =	smov.u32 s20  }
.LBB2_9:
.Ltmp25:
0x114: {  	(pc) =	sbr.rel .LBB2_11-.Ltmp25, $2  }
0x115: {  	_ =	sdelay $0x2  }
0x116: {  	s26 =	smov.u32 s20  }
.LBB2_14:
.Ltmp26:
0x117: {  	(pc) =	sbr.rel .LBB2_18-.Ltmp26, $2  }
0x118: {  	_ =	sdelay $0x2  }
0x119: {  	s25 =	simm.s32 $0x10000  }
.LBB2_16:
.Ltmp27:
0x11a: {  	(pc) =	sbr.rel .LBB2_18-.Ltmp27, $2  }
0x11b: {  	_ =	sdelay $0x2  }
0x11c: {  	s25 =	simm.s32 $0x10000  }
.LBB2_25:
0x11d: {  	s0 =	sadd.s32 $0xF, s24  }
0x11e: {  	s1 =	sand.u32 $0xF, s0  }
0x11f: {  	s20 =	sshra.s32 s0, $0x1F;
	p1 =	slt.s32 s0, $0x1;
	p2 =	sne.s32 s1, $0x0  }
0x120: {  	s31 =	sshrl.u32 s20, $0x1C;
	p1 =	por !p1, !p2  }
0x121: {  	s1 =	simm.s32 $0x1;
	s0 =	sadd.s32 s31, s0;
	p1 =	por !p1, !p1  }
0x122: {  	s0 =	sshra.s32 s0, $0x4;
	s1 =	simm.s32 @!p1 $0x0  }
0x123: {  	s21 =	ssub.s32 s0, s1  }
0x124: {  	p1 =	sgt.s32 s21, $0x0  }
.Ltmp28:
0x125: {  	_ = 	snop;
	(pc) =	sbr.rel @!p1 .LBB2_40-.Ltmp28, $2  }
0x126: {  	_ =	sdelay $0x2  }
0x127: {  	[tilespmem:s24+$0x13080] =	vst v1  }
0x128: {  	p2 =	sne.s32 s21, $0x1  }
.Ltmp29:
0x129: {  	_ = 	snop;
	(pc) =	sbr.rel @!p2 .LBB2_27-.Ltmp29, $3  }
0x12a: {  	_ =	sdelay $0x1  }
0x12b: {  	s1 =	simm.s32 $0x13080  }
0x12c: {  	s0 =	simm.s32 $0x10000;
	p1 =	por $0x0, $0x0;
	v3 =	vld [tilespmem:s1+$0x0];
	s1 =	sadd.s32 $0xFFFFFFFF, s21  }
0x12d: {  	_ =	sdelay $0x7  }
0x12e: {  	v3 =	vld.idx.msk [tilespmem:v3+s2+$0x0], $0xffff  }
0x12f: {  	p2 =	sne.s32 s1, $0x1  }
.Ltmp30:
0x130: {  	_ = 	snop;
	(pc) =	sbr.rel @!p2 .LBB2_36-.Ltmp30, $3  }
0x131: {  	_ =	sdelay $0x1  }
0x132: {  	s20 =	simm.s32 $0x13090;
	[tilespmem:s0+$0x0] =	vst v3  }
0x133: {  	s22 =	sadd.s32 $0xFFFFFFFF, s1;
	p1 =	por $0x1, $0x1;
	s1 =	simm.s32 $0x10000;
	v3 =	vld [tilespmem:s20+$0x0]  }
.LBB2_37:
0x134: {  	p2 =	sne.s32 s22, $0x1;
	_ =	sdelay $0x6  }
0x135: {  	v3 =	vld.idx.msk [tilespmem:v3+s2+$0x0], $0xffff;
	_ =	sdelay $0x2  }
.Ltmp31:
0x136: {  	(pc) =	sbr.rel @p2 .LBB2_37-.Ltmp31, $4  }
0x137: {  	_ = 	snop  }
0x138: {  	s1 =	sadd.s32 $0x10, s1  }
0x139: {  	s20 =	sadd.s32 $0x10, s20;
	[tilespmem:s1+$0x0] =	vst v3  }
0x13a: {  	s22 =	sadd.s32 $0xFFFFFFFF, s22;
	v3 =	vld [tilespmem:s20+$0x0]  }
.LBB2_38:
0x13b: {  	_ =	sdelay $0x7  }
0x13c: {  	s1 =	sadd.s32 @p1 $0x10, s1;
	v3 =	vld.idx.msk [tilespmem:v3+s2+$0x0], $0xffff  }
0x13d: {  	s0 =	smov.u32 @p1 s1;
	p1 =	slt.u32 s21, $0x10  }
.Ltmp32:
0x13e: {  	_ = 	snop;
	(pc) =	sbr.rel @p1 .LBB2_39-.Ltmp32, $3  }
0x13f: {  	_ =	sdelay $0x1  }
0x140: {  	[tilespmem:s0+$0x0] =	vst v3;
	v3 =	vimm.f32 $-Inf  }
0x141: {  	s20 =	sand.u32 $0x7FFFFFFC, s21;
	s22 =	sand.u32 $0x7FFFFFF0, s21;
	[tilespmem:s24+$0x10000] =	vst v3  }
0x142: {  	s1 =	simm.s32 $0x10080  }
0x143: {  	v3 =	vld [tilespmem:s1+$0x40]  }
0x144: {  	v4 =	vld [tilespmem:s1+$0x50]  }
0x145: {  	v5 =	vld [tilespmem:s1+$0x60]  }
0x146: {  	v11 =	vld [tilespmem:s1+$0x0]  }
0x147: {  	v6 =	vld [tilespmem:s1+$0x10]  }
0x148: {  	v7 =	vld [tilespmem:s1+$0x20]  }
0x149: {  	v12 =	vld [tilespmem:s1+$0xFFFFFFC0]  }
0x14a: {  	v9 =	vld [tilespmem:s1+$0xFFFFFFD0]  }
0x14b: {  	v13 =	vld [tilespmem:s1+$0xFFFFFF80]  }
0x14c: {  	v10 =	vld [tilespmem:s1+$0xFFFFFFE0]  }
0x14d: {  	p1 =	sgt.u32 s22, $0x10;
	v15 =	vld [tilespmem:s1+$0xFFFFFF90]  }
.Ltmp33:
0x14e: {  	v17 =	vld [tilespmem:s1+$0xFFFFFFA0];
	(pc) =	sbr.rel @!p1 .LBB2_53-.Ltmp33, $4  }
0x14f: {  	v8 =	vimm.f32 $-Inf;
	v18 =	vld [tilespmem:s1+$0xFFFFFFB0]  }
0x150: {  	v16 =	vld [tilespmem:s1+$0xFFFFFFF0];
	v13 =	vmax.f32 v8, v13  }
0x151: {  	v14 =	vld [tilespmem:s1+$0x30];
	v12 =	vmax.f32 v13, v12  }
0x152: {  	s0 =	simm.s32 $0x10;
	s23 =	simm.s32 $0x10180;
	v13 =	vld [tilespmem:s1+$0x70];
	v19 =	vmax.f32 v12, v11;
	v11 =	vimm.f32 $-Inf;
	v12 =	vimm.f32 $-Inf  }
.LBB2_52:
0x153: {  	v19 =	vmax.f32 v19, v3;
	v3 =	vld [tilespmem:s23+$0x40]  }
0x154: {  	v8 =	vmax.f32 v8, v15;
	v11 =	vmax.f32 v11, v17;
	v20 =	vld [tilespmem:s23+$0x50];
	v12 =	vmax.f32 v12, v18  }
0x155: {  	v8 =	vmax.f32 v8, v9;
	v9 =	vmax.f32 v11, v10;
	v15 =	vld [tilespmem:s23+$0x60];
	v10 =	vmax.f32 v12, v16  }
0x156: {  	v8 =	vmax.f32 v8, v6;
	v7 =	vmax.f32 v9, v7;
	v21 =	vld [tilespmem:s23+$0x0];
	v9 =	vmax.f32 v10, v14  }
0x157: {  	v8 =	vmax.f32 v8, v4;
	v11 =	vmax.f32 v7, v5;
	v6 =	vld [tilespmem:s23+$0x10];
	v12 =	vmax.f32 v9, v13  }
0x158: {  	v7 =	vld [tilespmem:s23+$0x20]  }
0x159: {  	v13 =	vld [tilespmem:s23+$0xFFFFFFC0];
	v4 =	vmov v20  }
0x15a: {  	v9 =	vld [tilespmem:s23+$0xFFFFFFD0];
	v5 =	vmov v15  }
0x15b: {  	v14 =	vld [tilespmem:s23+$0xFFFFFF80]  }
0x15c: {  	s0 =	sadd.s32 $0x10, s0;
	v10 =	vld [tilespmem:s23+$0xFFFFFFE0]  }
0x15d: {  	p1 =	slt.u32 s0, s22;
	v15 =	vld [tilespmem:s23+$0xFFFFFF90]  }
.Ltmp34:
0x15e: {  	v17 =	vld [tilespmem:s23+$0xFFFFFFA0];
	(pc) =	sbr.rel @p1 .LBB2_52-.Ltmp34, $4  }
0x15f: {  	v18 =	vld [tilespmem:s23+$0xFFFFFFB0]  }
0x160: {  	v14 =	vmax.f32 v19, v14;
	v16 =	vld [tilespmem:s23+$0xFFFFFFF0]  }
0x161: {  	v13 =	vmax.f32 v14, v13;
	v14 =	vld [tilespmem:s23+$0x30]  }
0x162: {  	v19 =	vmax.f32 v13, v21;
	v13 =	vld [tilespmem:s23+$0x70];
	s23 =	sadd.s32 $0x100, s23  }
.LBB2_53:
.Ltmp35:
0x163: {  	v3 =	vmax.f32 v19, v3;
	(pc) =	sbr.rel .LBB2_41-.Ltmp35, $4  }
0x164: {  	v8 =	vmax.f32 v8, v15;
	v11 =	vmax.f32 v11, v17;
	v12 =	vmax.f32 v12, v18  }
0x165: {  	v8 =	vmax.f32 v8, v9;
	v62 =	vmax.f32 v11, v10;
	v63 =	vmax.f32 v12, v16  }
0x166: {  	v6 =	vmax.f32 v8, v6;
	v7 =	vmax.f32 v62, v7;
	v8 =	vmax.f32 v63, v14  }
0x167: {  	v4 =	vmax.f32 v6, v4;
	v5 =	vmax.f32 v7, v5;
	v6 =	vmax.f32 v8, v13  }
.LBB2_40:
.Ltmp36:
0x168: {  	(pc) =	sbr.rel .LBB2_41-.Ltmp36, $3  }
0x169: {  	_ =	sdelay $0x1  }
0x16a: {  	v3 =	vimm.f32 $-Inf  }
0x16b: {  	s20 =	sand.u32 $0xFFFFFFFC, s21;
	s22 =	sand.u32 $0xFFFFFFF0, s21;
	v4 =	vimm.f32 $-Inf;
	v5 =	vimm.f32 $-Inf;
	v6 =	vimm.f32 $-Inf;
	[tilespmem:s24+$0x10000] =	vst v3  }
.LBB2_39:
0x16c: {  	v4 =	vimm.f32 $-Inf;
	v5 =	vimm.f32 $-Inf;
	v6 =	vimm.f32 $-Inf  }
.LBB2_41:
0x16d: {  	p1 =	sge.s32 s22, s20  }
.Ltmp37:
0x16e: {  	_ = 	snop;
	(pc) =	sbr.rel @p1 .LBB2_44-.Ltmp37, $1  }
0x16f: {  	_ =	sdelay $0x3  }
0x170: {  	s0 =	sshll.u32 s22, $0x6  }
0x171: {  	s0 =	sshra.s32 s0, $0x2  }
0x172: {  	s0 =	sadd.s32 $0x10020, s0  }
.LBB2_43:
0x173: {  	v7 =	vld [tilespmem:s0+$0xFFFFFFE0]  }
0x174: {  	v8 =	vld [tilespmem:s0+$0xFFFFFFF0]  }
0x175: {  	v9 =	vld [tilespmem:s0+$0x0];
	s22 =	sadd.s32 $0x4, s22  }
0x176: {  	v10 =	vld [tilespmem:s0+$0x10];
	p1 =	slt.s32 s22, s20  }
.Ltmp38:
0x177: {  	_ = 	snop;
	(pc) =	sbr.rel @p1 .LBB2_43-.Ltmp38, $3  }
0x178: {  	_ =	sdelay $0x1  }
0x179: {  	v3 =	vmax.f32 v3, v7  }
0x17a: {  	s0 =	sadd.s32 $0x40, s0;
	v4 =	vmax.f32 v4, v8;
	v5 =	vmax.f32 v5, v9;
	v6 =	vmax.f32 v6, v10  }
.LBB2_44:
0x17b: {  	p1 =	seq.s32 s20, s21  }
.Ltmp39:
0x17c: {  	_ = 	snop;
	(pc) =	sbr.rel @p1 .LBB2_48-.Ltmp39, $1  }
0x17d: {  	_ =	sdelay $0x3  }
0x17e: {  	s1 =	sadd.s32 $0x1, s20  }
0x17f: {  	p1 =	slt.s32 s1, s21  }
.Ltmp40:
0x180: {  	_ = 	snop;
	(pc) =	sbr.rel @!p1 .LBB2_47-.Ltmp40, $4  }
0x181: {  	s0 =	sshll.u32 s20, $0x6  }
0x182: {  	s0 =	sshra.s32 s0, $0x2  }
0x183: {  	s0 =	sadd.s32 $0x10000, s0  }
0x184: {  	v7 =	vld [tilespmem:s0+$0x0]  }
.LBB2_46:
0x185: {  	s1 =	sadd.s32 $0x1, s1  }
0x186: {  	p1 =	slt.s32 s1, s21  }
.Ltmp41:
0x187: {  	_ = 	snop;
	(pc) =	sbr.rel @p1 .LBB2_46-.Ltmp41, $3  }
0x188: {  	_ =	sdelay $0x1  }
0x189: {  	s0 =	sadd.s32 $0x10, s0;
	v3 =	vmax.f32 v3, v7  }
0x18a: {  	v7 =	vld [tilespmem:s0+$0x0]  }
.LBB2_47:
0x18b: {  	_ =	sdelay $0x3  }
0x18c: {  	v3 =	vmax.f32 v3, v7  }
.LBB2_48:
0x18d: {  	p1 =	slt.s32 s21, $0x1  }
.Ltmp42:
0x18e: {  	_ = 	snop;
	(pc) =	sbr.rel @p1 .LBB2_58-.Ltmp42, $2  }
0x18f: {  	_ =	sdelay $0x2  }
0x190: {  	s20 =	simm.s32 $0x0;
	s0 =	simm.s32 $0x0  }
0x191: {  	v3 =	vmin.f32 v3, v4;
	v4 =	vmin.f32 v5, v6  }
0x192: {  	v3 =	vmin.f32 v3, v4  }
0x193: {  	(xrf0) =	vmin.scan.msk.f32 $0xffff, v3;
	_ =	sdelay $0x1  }
0x194: {  	p2 =	sne.s32 s21, $0x1  }
.Ltmp43:
0x195: {  	_ = 	snop;
	(pc) =	sbr.rel @!p2 .LBB2_50-.Ltmp43, $3  }
0x196: {  	_ =	sdelay $0x1  }
0x197: {  	s22 =	simm.s32 $0x0;
	s1 =	simm.s32 $0x10000;
	v3, _, _ =	vpop (xrf0)  }
0x198: {  	s0 =	simm.s32 $0x13080;
	p1 =	por $0x0, $0x0;
	v4 =	vld [tilespmem:s1+$0x0];
	s1 =	sadd.s32 $0xFFFFFFFF, s21;
	v3 =	vbroadcast v3, $0xF  }
0x199: {  	_ =	sdelay $0x3  }
0x19a: {  	vm0 =	vge.f32 v4, v3  }
0x19b: {  	v5 =	vsel vm0, $0x1, v1  }
0x19c: {  	(xrf0) =	vadd.scan.msk.s32 $0xffff, v5;
	_ =	sdelay $0x3  }
0x19d: {  	v5 =	vld [tilespmem:s0+$0x0]  }
0x19e: {  	p2 =	sne.s32 s1, $0x1  }
.Ltmp44:
0x19f: {  	[tilespmem:s22+$0x16100] =	vst.msk vm0, v4;
	v4, _, _ =	vpop (xrf0);
	(pc) =	sbr.rel @!p2 .LBB2_55-.Ltmp44, $3  }
0x1a0: {  	(v2sf) =	vpush v4, $0xF;
	_ =	sdelay $0x1  }
0x1a1: {  	s23 =	simm.s32 $0x10010;
	s24 =	sadd.s32 $0xFFFFFFFF, s1;
	[tilespmem:s22+$0x19180] =	vst.msk vm0, v5  }
0x1a2: {  	p1 =	por $0x1, $0x1;
	s1 =	simm.s32 $0x13080;
	s21 =	simm.s32 $0x0;
	v4 =	vld [tilespmem:s23+$0x0]  }
.LBB2_56:
0x1a3: {  	p2 =	sne.s32 s24, $0x1;
	_ =	sdelay $0x3  }
0x1a4: {  	vm0 =	vge.f32 v4, v3  }
0x1a5: {  	v5 =	vsel vm0, $0x1, v1  }
0x1a6: {  	(xrf0) =	vadd.scan.msk.s32 $0xffff, v5;
	_ =	sdelay $0x1  }
0x1a7: {  	s1 =	sadd.s32 $0x10, s1  }
0x1a8: {  	v5 =	vld [tilespmem:s1+$0x0];
	_ =	sdelay $0x1  }
0x1a9: {  	s25 =	spop (v2sf)  }
.Ltmp45:
0x1aa: {  	v6, _, _ =	vpop (xrf0);
	s21 =	sadd.s32 s21, s25;
	(pc) =	sbr.rel @p2 .LBB2_56-.Ltmp45, $4  }
0x1ab: {  	[tilespmem:s21+$0x16100] =	vst.msk vm0, v4;
	(v2sf) =	vpush v6, $0xF  }
0x1ac: {  	[tilespmem:s21+$0x19180] =	vst.msk vm0, v5  }
0x1ad: {  	s23 =	sadd.s32 $0x10, s23  }
0x1ae: {  	s24 =	sadd.s32 $0xFFFFFFFF, s24;
	v4 =	vld [tilespmem:s23+$0x0]  }
.LBB2_57:
0x1af: {  	_ =	sdelay $0x3  }
0x1b0: {  	vm0 =	vge.f32 v4, v3  }
0x1b1: {  	v3 =	vsel vm0, $0x1, v1  }
0x1b2: {  	(xrf0) =	vadd.scan.msk.s32 $0xffff, v3;
	_ =	sdelay $0x5  }
0x1b3: {  	v3, _, _ =	vpop (xrf0)  }
0x1b4: {  	(v2sf) =	vpush v3, $0xF;
	_ =	sdelay $0x8  }
0x1b5: {  	s1 =	sadd.s32 @p1 $0x10, s1  }
0x1b6: {  	s0 =	smov.u32 @p1 s1  }
0x1b7: {  	v3 =	vld [tilespmem:s0+$0x0]  }
0x1b8: {  	s0 =	spop @p1 (v2sf)  }
0x1b9: {  	s0 =	sadd.s32 @p1 s21, s0  }
0x1ba: {  	s22 =	smov.u32 @p1 s0  }
0x1bb: {  	[tilespmem:s22+$0x16100] =	vst.msk vm0, v4;
	s31 =	spop (v2sf)  }
0x1bc: {  	[tilespmem:s22+$0x19180] =	vst.msk vm0, v3;
	s0 =	sadd.s32 s22, s31  }
.LBB2_58:
0x1bd: {  	s1 =	sadd.s32 $0xF, s0  }
0x1be: {  	s21 =	sand.u32 $0xF, s1  }
0x1bf: {  	s22 =	sshra.s32 s1, $0x1F;
	p1 =	slt.s32 s1, $0x1;
	p2 =	sne.s32 s21, $0x0  }
0x1c0: {  	s31 =	sshrl.u32 s22, $0x1C;
	p1 =	por !p1, !p2  }
0x1c1: {  	s21 =	simm.s32 $0x1;
	s1 =	sadd.s32 s31, s1;
	p1 =	por !p1, !p1  }
0x1c2: {  	s1 =	sshra.s32 s1, $0x4;
	s21 =	simm.s32 @!p1 $0x0  }
0x1c3: {  	s1 =	ssub.s32 s1, s21  }
.Ltmp46:
0x1c4: {  	s21 =	sshrl.u32 s1, $0x1F;
	(pc) =	sbr.rel .LBB2_59-.Ltmp46, $4  }
0x1c5: {  	s21 =	sadd.s32 s21, s1  }
0x1c6: {  	s19 =	sshll.u32 s19, $0x7;
	s21 =	sand.u32 $0xFFFFFFFE, s21  }
0x1c7: {  	s23 =	simm.f32 $+Inf;
	s24 =	simm.s32 $0xFFFFFFFF;
	s1 =	ssub.s32 s1, s21  }
0x1c8: {  	[tilespmem:s0+$0x16100] =	vst v2;
	v3 =	vmov s19;
	s22 =	sshll.u32 s21, $0x4;
	p1 =	slt.s32 s21, $0x1;
	p2 =	slt.s32 s1, $0x1  }
.LBB2_60:
0x1c9: {  	v4 =	vimm.s32 $0x40000000;
	v5 =	vimm.f32 $-Inf  }
.LBB2_61:
0x1ca: {  	v6 =	vld @!p2 [tilespmem:s22+$0x16100]  }
0x1cb: {  	v7 =	vld @!p2 [tilespmem:s22+$0x19180];
	_ =	sdelay $0x4  }
0x1cc: {  	vm0 =	veq.f32 @!p2 v6, s23;
	vm1 =	veq.s32 @!p2 v7, s24  }
0x1cd: {  	vm0 =	vmand @!p2 vm0, vm1  }
0x1ce: {  	v6 =	vsel @!p2 vm0, $0xFF800000, v6  }
0x1cf: {  	vm0 =	vlt.s32 @!p2 v7, v4;
	vm1 =	veq.f32 @!p2 v6, v5  }
0x1d0: {  	vm2 =	vgt.f32 @!p2 v6, v5;
	vm0 =	vmand @!p2 vm0, vm1  }
0x1d1: {  	vm0 =	vmor @!p2 vm2, vm0  }
0x1d2: {  	v8 =	vsel @!p2 vm0, v6, v5  }
0x1d3: {  	v5 =	vpsel p2, v5, v8  }
0x1d4: {  	(xrf0) =	vmax.scan.msk.f32 $0xffff, v5;
	_ =	sdelay $0x5  }
0x1d5: {  	v62, _, _ =	vpop (xrf0)  }
0x1d6: {  	v7 =	vsel @!p2 vm0, v7, v4;
	v63 =	vbroadcast v62, $0xF  }
0x1d7: {  	v4 =	vpsel p2, v4, v7  }
0x1d8: {  	v4 =	vxor.u32 $0x80000000, v4;
	vm15 =	veq.f32 v5, v63  }
0x1d9: {  	v4 =	vnsel vm15, $0xC0000000, v4  }
0x1da: {  	(xrf0) =	vmin.scan.msk.u32 $0xffff, v4;
	_ =	sdelay $0x5  }
0x1db: {  	(v2sf) =	vpush v62, $0xF;
	v4, _, _ =	vpop (xrf0)  }
0x1dc: {  	(v2sf) =	vpush v4, $0xF;
	_ =	sdelay $0xd  }
0x1dd: {  	s23 =	spop (v2sf)  }
0x1de: {  	s0 =	spop (v2sf)  }
0x1df: {  	[tilespmem:s22+$0x16100] =	vst @!p2 v6;
	s24 =	sxor.u32 $0x80000000, s0  }
0x1e0: {  	[tilespmem:v3+s20+$0x1C200 ss:$0x1] =	vst.idx.msk $0x1, v63;
	v4 =	vmov s24  }
0x1e1: {  	[tilespmem:v3+s20+$0x1C380 ss:$0x1] =	vst.idx.msk $0x1, v4;
	s20 =	sadd.s32 $0x1, s20  }
0x1e2: {  	p3 =	sne.s32 s20, $0x40  }
.Ltmp47:
0x1e3: {  	_ = 	snop;
	(pc) =	sbr.rel @!p3 .LBB2_62-.Ltmp47, $1  }
0x1e4: {  	_ =	sdelay $0x3  }
.LBB2_59:
.Ltmp48:
0x1e5: {  	(pc) =	sbr.rel @p1 .LBB2_60-.Ltmp48, $1  }
0x1e6: {  	_ =	sdelay $0x3  }
0x1e7: {  	s26 =	simm.s32 $0x16110  }
0x1e8: {  	s0 =	simm.s32 $0x19190;
	v17 =	vld [tilespmem:s26+$0xFFFFFFF0]  }
0x1e9: {  	v16 =	vld [tilespmem:s0+$0xFFFFFFF0]  }
0x1ea: {  	p4 =	sgt.s32 s21, $0x2  }
.Ltmp49:
0x1eb: {  	v8 =	vld [tilespmem:s0+$0x0];
	(pc) =	sbr.rel @!p4 .LBB2_68-.Ltmp49, $4  }
0x1ec: {  	_ = 	snop  }
0x1ed: {  	v5 =	vmov s23;
	v4 =	vmov s24  }
0x1ee: {  	vm0 =	veq.f32 v17, v5;
	vm1 =	veq.s32 v16, v4  }
0x1ef: {  	v7 =	vimm.f32 $-Inf;
	v6 =	vimm.s32 $0x40000000;
	s25 =	simm.s32 $0x16130;
	p3 =	por $0x0, $0x0;
	v11 =	vld [tilespmem:s26+$0x0];
	vm0 =	vmand vm0, vm1  }
0x1f0: {  	_ =	sdelay $0x1  }
0x1f1: {  	v9 =	vld [tilespmem:s25+$0xFFFFFFF0];
	v15 =	vsel vm0, $0xFF800000, v17;
	s0 =	simm.s32 $0x191B0  }
0x1f2: {  	vm1 =	vlt.s32 v16, v6;
	v10 =	vld [tilespmem:s0+$0xFFFFFFF0];
	vm0 =	veq.f32 v15, v7;
	vm3 =	vgt.f32 v15, v7  }
0x1f3: {  	p4 =	sgt.s32 s21, $0x4;
	vm0 =	vmand vm1, vm0;
	vm1 =	veq.s32 v8, v4;
	vm2 =	veq.f32 v11, v5  }
.Ltmp50:
0x1f4: {  	vm0 =	vmor vm3, vm0;
	vm1 =	vmand vm2, vm1;
	(pc) =	sbr.rel @!p4 .LBB2_70-.Ltmp50, $4  }
0x1f5: {  	v12 =	vsel vm0, v15, v7;
	v13 =	vsel vm0, v16, v6;
	v14 =	vsel vm1, $0xFF800000, v11;
	v11 =	vld [tilespmem:s25+$0x0]  }
0x1f6: {  	[tilespmem:s26+$0xFFFFFFF0] =	vst v15;
	v15 =	vld [tilespmem:s0+$0x0];
	vm0 =	veq.f32 v9, v5;
	vm2 =	vlt.s32 v8, v13;
	vm1 =	veq.f32 v14, v12  }
0x1f7: {  	vm3 =	veq.s32 v10, v4;
	vm4 =	vgt.f32 v14, v12;
	vm1 =	vmand vm1, vm2  }
0x1f8: {  	s1 =	simm.s32 $0x4;
	p3 =	por $0x1, $0x1;
	[tilespmem:s26+$0x0] =	vst v14;
	vm0 =	vmand vm0, vm3;
	s26 =	simm.s32 $0x16150;
	vm1 =	vmor vm4, vm1  }
.LBB2_71:
0x1f9: {  	v16 =	vsel vm0, $0xFF800000, v9;
	v9 =	vld [tilespmem:s26+$0xFFFFFFF0];
	s0 =	sadd.s32 $0x20, s0;
	v12 =	vsel vm1, v14, v12;
	v13 =	vsel vm1, v8, v13  }
0x1fa: {  	s1 =	sadd.s32 $0x2, s1;
	v17 =	vld [tilespmem:s0+$0xFFFFFFF0];
	[tilespmem:s25+$0xFFFFFFF0] =	vst v16;
	vm0 =	veq.f32 v16, v12;
	vm1 =	vlt.s32 v10, v13;
	vm2 =	veq.f32 v11, v5  }
0x1fb: {  	p4 =	slt.s32 s1, s21;
	vm3 =	vgt.f32 v16, v12;
	vm0 =	vmand vm1, vm0;
	vm1 =	veq.s32 v15, v4;
	v8 =	vmovc v15  }
.Ltmp51:
0x1fc: {  	vm0 =	vmor vm3, vm0;
	vm1 =	vmand vm2, vm1;
	(pc) =	sbr.rel @p4 .LBB2_71-.Ltmp51, $4  }
0x1fd: {  	v12 =	vsel vm0, v16, v12;
	v13 =	vsel vm0, v10, v13;
	v14 =	vsel vm1, $0xFF800000, v11;
	v11 =	vld [tilespmem:s26+$0x0]  }
0x1fe: {  	vm0 =	veq.f32 v9, v5;
	v15 =	vld [tilespmem:s0+$0x0];
	[tilespmem:s25+$0x0] =	vst v14;
	vm1 =	veq.f32 v14, v12;
	vm2 =	vlt.s32 v8, v13;
	s25 =	smov.u32 s26  }
0x1ff: {  	vm4 =	vgt.f32 v14, v12;
	vm3 =	veq.s32 v17, v4;
	vm1 =	vmand vm1, vm2;
	v10 =	vmovc v17  }
0x200: {  	s26 =	sadd.s32 $0x20, s26;
	vm0 =	vmand vm0, vm3;
	vm1 =	vmor vm4, vm1  }
0x201: {  	_ =	sdelay $0x1  }
0x202: {  	v18 =	vmovc v8;
	v17 =	vmov v9;
	s26 =	smov.u32 s25;
	v16 =	vmov v10;
	v8 =	vmov v15  }
.LBB2_73:
0x203: {  	v9 =	vsel @p3 vm1, v14, v12;
	v10 =	vsel @p3 vm1, v18, v13  }
0x204: {  	v63 =	vsel vm0, $0xFF800000, v17;
	v7 =	vpsel p3, v9, v7;
	v6 =	vpsel p3, v10, v6  }
0x205: {  	vm2 =	veq.f32 v11, v5;
	vm0 =	veq.f32 v63, v7;
	vm11 =	vlt.s32 v16, v6  }
0x206: {  	vm12 =	veq.s32 v8, v4;
	vm3 =	vgt.f32 v63, v7;
	vm0 =	vmand vm11, vm0  }
0x207: {  	vm1 =	vmand vm2, vm12;
	vm0 =	vmor vm3, vm0  }
.Ltmp52:
0x208: {  	v5 =	vsel vm1, $0xFF800000, v11;
	v4 =	vsel vm0, v63, v7;
	v6 =	vsel vm0, v16, v6;
	(pc) =	sbr.rel .LBB2_61-.Ltmp52, $4  }
0x209: {  	vm13 =	veq.f32 v5, v4;
	vm14 =	vlt.s32 v8, v6  }
0x20a: {  	vm15 =	vgt.f32 v5, v4;
	vm0 =	vmand vm13, vm14  }
0x20b: {  	[tilespmem:s26+$0xFFFFFFF0] =	vst v63;
	vm0 =	vmor vm15, vm0  }
0x20c: {  	[tilespmem:s26+$0x0] =	vst v5;
	v5 =	vsel vm0, v5, v4;
	v4 =	vsel vm0, v8, v6  }
.LBB2_68:
.Ltmp53:
0x20d: {  	(pc) =	sbr.rel .LBB2_73-.Ltmp53, $2  }
0x20e: {  	_ =	sdelay $0x2  }
0x20f: {  	_ = 	snop  }
.LBB2_70:
.Ltmp54:
0x210: {  	(pc) =	sbr.rel .LBB2_73-.Ltmp54, $2  }
0x211: {  	_ =	sdelay $0x2  }
0x212: {  	v18 =	vmovc v8;
	v17 =	vmov v9;
	s26 =	simm.s32 $0x16130;
	v16 =	vmov v10;
	v8 =	vmov v15  }
.LBB2_62:
0x213: {  	_ =	swait.ge [sflag:s14], $0x8000  }
0x214: {  	s0 =	simm.s32 @p0 $0x80;
	s1 =	simm.s32 @p0 $0x400;
	[sflag:s14] =	ssyncset.done $0x0  }
0x215: {  	s20 =	simm.s32 @p0 $0x0;
	s31 =	simm.s32 $0x8080;
	[sflag:s14] =	ssyncadd.s32 $0xFFFF8000  }
0x216: {  	[tilespmem:s20], [sflag:$0x1] =	stream.strided.gather @p0 [hbm4b:s5+s0], $0x8000, s1, s0, $0x38;
	[tilespmem:$0x1C500] =	vst v63  }
0x217: {  	v5 =	vld [tilespmem:s31+$0x40]  }
0x218: {  	v3 =	vld [tilespmem:s31+$0x50]  }
0x219: {  	v4 =	vld [tilespmem:s31+$0x60]  }
0x21a: {  	v11 =	vld [tilespmem:s31+$0x0]  }
0x21b: {  	v6 =	vld [tilespmem:s31+$0x10]  }
0x21c: {  	v7 =	vld [tilespmem:s31+$0x20]  }
0x21d: {  	v12 =	vld [tilespmem:s31+$0xFFFFFFC0]  }
0x21e: {  	v8 =	vld [tilespmem:s31+$0xFFFFFFD0]  }
0x21f: {  	v13 =	vld [tilespmem:s31+$0xFFFFFF80]  }
0x220: {  	v10 =	vld [tilespmem:s31+$0xFFFFFFE0]  }
0x221: {  	v15 =	vld [tilespmem:s31+$0xFFFFFF90]  }
0x222: {  	v16 =	vld [tilespmem:s31+$0xFFFFFFA0]  }
0x223: {  	v9 =	vimm.f32 $-Inf;
	v18 =	vld [tilespmem:s31+$0xFFFFFFB0]  }
0x224: {  	v17 =	vld [tilespmem:s31+$0xFFFFFFF0];
	v13 =	vmax.f32 v9, v13  }
0x225: {  	v14 =	vld [tilespmem:s31+$0x30];
	v12 =	vmax.f32 v13, v12  }
0x226: {  	s0 =	simm.s32 $0x0;
	s20 =	simm.s32 $0x8180;
	v13 =	vld [tilespmem:s31+$0x70];
	v19 =	vmax.f32 v12, v11;
	v11 =	vimm.f32 $-Inf;
	v12 =	vimm.f32 $-Inf  }
.LBB2_63:
0x227: {  	v19 =	vmax.f32 v19, v5;
	v5 =	vld [tilespmem:s20+$0x40]  }
0x228: {  	v9 =	vmax.f32 v9, v15;
	v11 =	vmax.f32 v11, v16;
	v20 =	vld [tilespmem:s20+$0x50];
	v12 =	vmax.f32 v12, v18  }
0x229: {  	v8 =	vmax.f32 v9, v8;
	v9 =	vmax.f32 v11, v10;
	v15 =	vld [tilespmem:s20+$0x60];
	v10 =	vmax.f32 v12, v17  }
0x22a: {  	v8 =	vmax.f32 v8, v6;
	v7 =	vmax.f32 v9, v7;
	v21 =	vld [tilespmem:s20+$0x0];
	v10 =	vmax.f32 v10, v14  }
0x22b: {  	v9 =	vmax.f32 v8, v3;
	v11 =	vmax.f32 v7, v4;
	v6 =	vld [tilespmem:s20+$0x10];
	v12 =	vmax.f32 v10, v13  }
0x22c: {  	v7 =	vld [tilespmem:s20+$0x20]  }
0x22d: {  	v13 =	vld [tilespmem:s20+$0xFFFFFFC0];
	v3 =	vmov v20  }
0x22e: {  	v8 =	vld [tilespmem:s20+$0xFFFFFFD0];
	v4 =	vmov v15  }
0x22f: {  	v14 =	vld [tilespmem:s20+$0xFFFFFF80]  }
0x230: {  	s0 =	sadd.s32 $0x10, s0;
	v10 =	vld [tilespmem:s20+$0xFFFFFFE0]  }
0x231: {  	p1 =	slt.u32 s0, $0x7F0;
	v15 =	vld [tilespmem:s20+$0xFFFFFF90]  }
.Ltmp55:
0x232: {  	v16 =	vld [tilespmem:s20+$0xFFFFFFA0];
	(pc) =	sbr.rel @p1 .LBB2_63-.Ltmp55, $4  }
0x233: {  	v18 =	vld [tilespmem:s20+$0xFFFFFFB0]  }
0x234: {  	v14 =	vmax.f32 v19, v14;
	v17 =	vld [tilespmem:s20+$0xFFFFFFF0]  }
0x235: {  	v13 =	vmax.f32 v14, v13;
	v14 =	vld [tilespmem:s20+$0x30]  }
0x236: {  	v19 =	vmax.f32 v13, v21;
	v13 =	vld [tilespmem:s20+$0x70];
	s20 =	sadd.s32 $0x100, s20  }
0x237: {  	v5 =	vmax.f32 v19, v5  }
0x238: {  	v9 =	vmax.f32 v9, v15;
	v11 =	vmax.f32 v11, v16;
	v12 =	vmax.f32 v12, v18  }
0x239: {  	v8 =	vmax.f32 v9, v8;
	v60 =	vmax.f32 v11, v10;
	v61 =	vmax.f32 v12, v17  }
0x23a: {  	v6 =	vmax.f32 v8, v6;
	v7 =	vmax.f32 v60, v7;
	v62 =	vmax.f32 v61, v14  }
0x23b: {  	v3 =	vmax.f32 v6, v3;
	v4 =	vmax.f32 v7, v4;
	v63 =	vmax.f32 v62, v13  }
0x23c: {  	v3 =	vmin.f32 v5, v3;
	v4 =	vmin.f32 v4, v63  }
0x23d: {  	v3 =	vmin.f32 v3, v4  }
0x23e: {  	(xrf0) =	vmin.scan.msk.f32 $0xffff, v3;
	_ =	sdelay $0x5  }
0x23f: {  	v3, _, _ =	vpop (xrf0)  }
0x240: {  	(v2sf) =	vpush v3, $0xF;
	_ =	sdelay $0xa  }
.Ltmp56:
0x241: {  	_ = 	snop;
	(pc) =	sbr.rel .LBB2_65-.Ltmp56, $3  }
0x242: {  	_ =	sdelay $0x1  }
0x243: {  	s20 =	simm.s32 $0x0;
	s21 =	simm.s32 $0x8020  }
0x244: {  	s24 =	simm.s32 $0x0;
	s22 =	simm.s32 $0x0;
	s23 =	spop (v2sf)  }
.LBB2_89:
0x245: {  	v3 =	vld [tilespmem:$0x1C480]  }
0x246: {  	v4 =	vld [tilespmem:$0x1C490]  }
0x247: {  	v5 =	vld [tilespmem:$0x1C4A0]  }
0x248: {  	v6 =	vld [tilespmem:$0x1C4B0];
	_ =	sdelay $0x1  }
0x249: {  	[tilespmem:$0x13080] =	vst v3  }
0x24a: {  	[tilespmem:$0x13090] =	vst v4  }
0x24b: {  	[tilespmem:$0x130A0] =	vst v5  }
0x24c: {  	[tilespmem:$0x130B0] =	vst v6  }
.LBB2_90:
0x24d: {  	s22 =	sadd.s32 $0x1, s22  }
0x24e: {  	p2 =	sne.s32 s22, $0x4  }
.Ltmp57:
0x24f: {  	_ = 	snop;
	(pc) =	sbr.rel @!p2 .LBB2_91-.Ltmp57, $3  }
0x250: {  	_ =	sdelay $0x1  }
0x251: {  	p1 =	sgt.s32 s24, $0x1000  }
0x252: {  	s20 =	sadd.s32 $0x2000, s20;
	s21 =	sadd.s32 $0x2000, s21;
	s24 =	simm.s32 @p1 $0x40  }
.LBB2_65:
0x253: {  	v3 =	vld [tilespmem:s21+$0xFFFFFFE0]  }
0x254: {  	v5 =	vld [tilespmem:s21+$0x10]  }
0x255: {  	v6 =	vld [tilespmem:s21+$0x0]  }
0x256: {  	v7 =	vld [tilespmem:s21+$0xFFFFFFF0];
	s0 =	sshll.u32 s22, $0x9  }
0x257: {  	v4 =	vmov s23;
	s25 =	sadd.s32 $0x200, s0;
	s0 =	sadd.s32 $0x4, s0  }
0x258: {  	p2 =	slt.u32 s0, s25;
	vm2 =	vge.f32 v3, v4  }
.Ltmp58:
0x259: {  	vm3 =	vge.f32 v5, v4;
	v3 =	vsel vm2, $0x1, v1;
	(pc) =	sbr.rel @!p2 .LBB2_66-.Ltmp58, $4  }
0x25a: {  	vm5 =	vge.f32 v6, v4;
	v5 =	vsel vm3, $0x1, v1;
	(xrf0) =	vadd.scan.msk.s32 $0xffff, v3  }
0x25b: {  	vm4 =	vge.f32 v7, v4;
	v3 =	vsel vm5, $0x1, v1;
	(xrf0) =	vadd.scan.msk.s32 $0xffff, v5  }
0x25c: {  	v5 =	vsel vm4, $0x1, v1;
	(xrf0) =	vadd.scan.msk.s32 $0xffff, v3  }
0x25d: {  	p1 =	por $0x0, $0x0;
	v7 =	vmpcnt.ones.xlane vm2;
	v8 =	vmpcnt.ones.xlane vm4;
	v3 =	vmov s24;
	(xrf0) =	vadd.scan.msk.s32 $0xffff, v5  }
0x25e: {  	vm6 =	vmmov vm5  }
0x25f: {  	v7 =	vadd.s32 v3, v7;
	v5 =	vmpcnt.ones.xlane vm6  }
0x260: {  	s24 =	sadd.s32 $0x40, s21;
	v8 =	vadd.s32 v7, v8;
	v11, _, _ =	vpop (xrf0)  }
0x261: {  	vm0 =	vmmov vm3;
	v6 =	vld [tilespmem:s24+$0xFFFFFFE0];
	v3 =	vadd.s32 v11, v3;
	v5 =	vadd.s32 v8, v5;
	v11, _, _ =	vpop (xrf0)  }
0x262: {  	v9 =	vld [tilespmem:s24+$0x10];
	v10 =	vmpcnt.ones.xlane vm0;
	v11 =	vadd.s32 v11, v5  }
0x263: {  	vm7 =	vmmov vm2;
	v12 =	vld [tilespmem:s24+$0x0]  }
0x264: {  	vm1 =	vmmov vm4;
	s31 =	sadd.s32 $0x20, s20;
	v13 =	vld [tilespmem:s24+$0xFFFFFFF0];
	v14 =	vadd.s32 $0xFFFFFFFF, v3;
	v3 =	vadd.s32 v5, v10;
	v5, _, _ =	vpop (xrf0)  }
0x265: {  	s28 =	sadd.s32 $0x4, s0;
	v63 =	vor.u32 s31, v0;
	v8 =	vadd.s32 v5, v8;
	v5 =	vadd.s32 $0xFFFFFFFF, v11;
	v11, _, _ =	vpop (xrf0)  }
0x266: {  	p2 =	slt.u32 s28, s25;
	vm2 =	vge.f32 v6, v4;
	v6 =	vadd.s32 v11, v7;
	v11 =	vadd.s32 $0xFFFFFFFF, v8  }
.Ltmp59:
0x267: {  	vm3 =	vge.f32 v9, v4;
	v8 =	vsel vm2, $0x1, v1;
	v6 =	vadd.s32 $0xFFFFFFFF, v6;
	(pc) =	sbr.rel @!p2 .LBB2_75-.Ltmp59, $4  }
0x268: {  	v10 =	vor.u32 s20, v0;
	vm5 =	vge.f32 v12, v4;
	v9 =	vsel vm3, $0x1, v1;
	(xrf0) =	vadd.scan.msk.s32 $0xffff, v8  }
0x269: {  	vm4 =	vge.f32 v13, v4;
	v12 =	vsel vm5, $0x1, v1;
	v7 =	vmpcnt.ones.xlane vm2;
	(xrf0) =	vadd.scan.msk.s32 $0xffff, v9  }
0x26a: {  	s1 =	sadd.s32 $0x30, s20;
	s26 =	sadd.s32 $0x10, s20;
	[tilespmem:v14+s13+$0x0] =	vst.idx.msk vm7, v10;
	v8 =	vmpcnt.ones.xlane vm4;
	v9 =	vsel vm4, $0x1, v1;
	(xrf0) =	vadd.scan.msk.s32 $0xffff, v12  }
0x26b: {  	p1 =	por $0x1, $0x1;
	v10 =	vor.u32 s26, v0;
	s26 =	smov.u32 s20;
	(xrf0) =	vadd.scan.msk.s32 $0xffff, v9;
	v9 =	vor.u32 s1, v0;
	[tilespmem:v11+s13+$0x0] =	vst.idx.msk vm6, v63  }
.LBB2_76:
0x26c: {  	s28 =	sadd.s32 $0x4, s28;
	s24 =	sadd.s32 $0x40, s24;
	[tilespmem:v6+s13+$0x0] =	vst.idx.msk vm1, v10;
	s26 =	sadd.s32 $0x40, s26;
	vm7 =	vmmov vm2;
	vm6 =	vmmov vm5;
	vm1 =	vmmov vm4  }
0x26d: {  	v7 =	vadd.s32 v3, v7;
	v6 =	vld [tilespmem:s24+$0xFFFFFFE0];
	p2 =	slt.u32 s28, s25;
	v10 =	vmpcnt.ones.xlane vm6;
	[tilespmem:v5+s13+$0x0] =	vst.idx.msk vm0, v9;
	vm0 =	vmmov vm3  }
0x26e: {  	v5 =	vadd.s32 v7, v8;
	v9 =	vld [tilespmem:s24+$0x10];
	v15 =	vmpcnt.ones.xlane vm0;
	v11, _, _ =	vpop (xrf0)  }
0x26f: {  	v12 =	vld [tilespmem:s24+$0x0];
	v3 =	vadd.s32 v11, v3;
	v10 =	vadd.s32 v5, v10;
	v11, _, _ =	vpop (xrf0)  }
0x270: {  	v13 =	vld [tilespmem:s24+$0xFFFFFFF0];
	v14 =	vadd.s32 $0xFFFFFFFF, v3;
	v16 =	vadd.s32 v11, v10;
	v3 =	vadd.s32 v10, v15;
	v8, _, _ =	vpop (xrf0)  }
0x271: {  	v10 =	vor.u32 s26, v0;
	v8 =	vadd.s32 v8, v5;
	v5 =	vadd.s32 $0xFFFFFFFF, v16;
	v11, _, _ =	vpop (xrf0)  }
0x272: {  	vm2 =	vge.f32 v6, v4;
	v6 =	vadd.s32 v11, v7;
	v11 =	vadd.s32 $0xFFFFFFFF, v8  }
.Ltmp60:
0x273: {  	v8 =	vsel vm2, $0x1, v1;
	vm3 =	vge.f32 v9, v4;
	v6 =	vadd.s32 $0xFFFFFFFF, v6;
	(pc) =	sbr.rel @p2 .LBB2_76-.Ltmp60, $4  }
0x274: {  	s0 =	sadd.s32 $0x30, s26;
	v7 =	vmpcnt.ones.xlane vm2;
	vm5 =	vge.f32 v12, v4;
	v9 =	vsel vm3, $0x1, v1;
	(xrf0) =	vadd.scan.msk.s32 $0xffff, v8  }
0x275: {  	s1 =	sadd.s32 $0x20, s26;
	vm4 =	vge.f32 v13, v4;
	v12 =	vsel vm5, $0x1, v1;
	(xrf0) =	vadd.scan.msk.s32 $0xffff, v9;
	[tilespmem:v14+s13+$0x0] =	vst.idx.msk vm7, v10  }
0x276: {  	s29 =	sadd.s32 $0x10, s26;
	v9 =	vsel vm4, $0x1, v1;
	v8 =	vmpcnt.ones.xlane vm4;
	(xrf0) =	vadd.scan.msk.s32 $0xffff, v12;
	v12 =	vor.u32 s1, v0  }
0x277: {  	v10 =	vor.u32 s29, v0;
	(xrf0) =	vadd.scan.msk.s32 $0xffff, v9;
	[tilespmem:v11+s13+$0x0] =	vst.idx.msk vm6, v12;
	v9 =	vor.u32 s0, v0  }
.LBB2_77:
0x278: {  	vm5 =	vmmov vm5  }
0x279: {  	v4 =	vadd.s32 v3, v7;
	vm3 =	vmmov vm3;
	v59 =	vmpcnt.ones.xlane vm5  }
0x27a: {  	v8 =	vadd.s32 v4, v8;
	v11 =	vmpcnt.ones.xlane vm3  }
0x27b: {  	v7 =	vadd.s32 v8, v59  }
0x27c: {  	v11 =	vadd.s32 v7, v11  }
0x27d: {  	v11 =	vxor.u32 $0x80000000, v11  }
0x27e: {  	(xrf0) =	vmax.scan.msk.u32 $0xffff, v11;
	_ =	sdelay $0x1  }
0x27f: {  	v60, _, _ =	vpop (xrf0)  }
0x280: {  	v12, _, _ =	vpop (xrf0)  }
0x281: {  	v13, _, _ =	vpop (xrf0)  }
0x282: {  	v14, _, _ =	vpop (xrf0)  }
0x283: {  	v15, _, _ =	vpop (xrf0)  }
0x284: {  	(v2sf) =	vpush v15, $0xF;
	_ =	sdelay $0x8  }
0x285: {  	vm2 =	vmmov vm2;
	v3 =	vadd.s32 v60, v3  }
0x286: {  	v3 =	vadd.s32 $0xFFFFFFFF, v3;
	_ =	sdelay $0x1  }
0x287: {  	s0 =	sadd.s32 @p1 $0x40, s26;
	s1 =	smov.u32 s20  }
0x288: {  	s1 =	smov.u32 @p1 s0  }
0x289: {  	vm4 =	vmmov vm4;
	v62 =	vor.u32 s1, v0;
	s0 =	sadd.s32 $0x20, s1;
	v8 =	vadd.s32 v13, v8  }
0x28a: {  	s24 =	sadd.s32 $0x10, s1;
	v4 =	vadd.s32 v14, v4;
	v8 =	vadd.s32 $0xFFFFFFFF, v8;
	[tilespmem:v3+s13+$0x0] =	vst.idx.msk vm2, v62;
	v3 =	vor.u32 s0, v0;
	s0 =	spop (v2sf)  }
0x28b: {  	[tilespmem:v6+s13+$0x0] =	vst.idx.msk @p1 vm1, v10;
	v63 =	vor.u32 s24, v0;
	v7 =	vadd.s32 v12, v7;
	v4 =	vadd.s32 $0xFFFFFFFF, v4;
	s24 =	sxor.u32 $0x80000000, s0  }
0x28c: {  	[tilespmem:v5+s13+$0x0] =	vst.idx.msk @p1 vm0, v9;
	v61 =	vadd.s32 $0xFFFFFFFF, v7;
	p1 =	slt.s32 s24, $0x1001  }
.Ltmp61:
0x28d: {  	_ = 	snop;
	(pc) =	sbr.rel @p1 .LBB2_90-.Ltmp61, $4  }
0x28e: {  	_ = 	snop  }
0x28f: {  	s1 =	sadd.s32 $0x30, s1;
	[tilespmem:v8+s13+$0x0] =	vst.idx.msk vm5, v3  }
0x290: {  	v3 =	vor.u32 s1, v0;
	[tilespmem:v4+s13+$0x0] =	vst.idx.msk vm4, v63  }
0x291: {  	[tilespmem:v61+s13+$0x0] =	vst.idx.msk vm3, v3  }
0x292: {  	s1 =	sadd.s32 $0x8000000F, s0  }
0x293: {  	s23 =	sand.u32 $0xF, s1  }
0x294: {  	s31 =	sshra.s32 s1, $0x1F;
	p2 =	slt.s32 s1, $0x1;
	p1 =	sne.s32 s23, $0x0  }
0x295: {  	s23 =	sshrl.u32 s31, $0x1C;
	p1 =	por !p2, !p1  }
0x296: {  	s1 =	sadd.s32 s23, s1;
	s23 =	simm.s32 $0x1;
	p1 =	por !p1, !p1  }
0x297: {  	s1 =	sshra.s32 s1, $0x4;
	s23 =	simm.s32 @!p1 $0x0  }
0x298: {  	s23 =	ssub.s32 s1, s23  }
0x299: {  	p1 =	slt.s32 s23, $0x1  }
.Ltmp62:
0x29a: {  	_ = 	snop;
	(pc) =	sbr.rel @p1 .LBB2_85-.Ltmp62, $3  }
0x29b: {  	_ =	sdelay $0x1  }
0x29c: {  	s0 =	sand.u32 $0x7FFFFFFF, s0  }
0x29d: {  	[tilespmem:s0+$0x13080] =	vst v1  }
0x29e: {  	p2 =	sne.s32 s23, $0x1  }
.Ltmp63:
0x29f: {  	_ = 	snop;
	(pc) =	sbr.rel @!p2 .LBB2_80-.Ltmp63, $3  }
0x2a0: {  	_ =	sdelay $0x1  }
0x2a1: {  	s25 =	simm.s32 $0x13080  }
0x2a2: {  	s1 =	simm.s32 $0x10000;
	p1 =	por $0x0, $0x0;
	v3 =	vld [tilespmem:s25+$0x0];
	s25 =	sadd.s32 $0xFFFFFFFF, s23  }
0x2a3: {  	_ =	sdelay $0x7  }
0x2a4: {  	v3 =	vld.idx.msk [tilespmem:v3+s12+$0x0], $0xffff  }
0x2a5: {  	p2 =	sne.s32 s25, $0x1  }
.Ltmp64:
0x2a6: {  	_ = 	snop;
	(pc) =	sbr.rel @!p2 .LBB2_82-.Ltmp64, $3  }
0x2a7: {  	_ =	sdelay $0x1  }
0x2a8: {  	s26 =	simm.s32 $0x13090;
	[tilespmem:s1+$0x0] =	vst v3  }
0x2a9: {  	s28 =	sadd.s32 $0xFFFFFFFF, s25;
	p1 =	por $0x1, $0x1;
	s25 =	simm.s32 $0x10000;
	v3 =	vld [tilespmem:s26+$0x0]  }
.LBB2_83:
0x2aa: {  	p2 =	sne.s32 s28, $0x1;
	_ =	sdelay $0x6  }
0x2ab: {  	v3 =	vld.idx.msk [tilespmem:v3+s12+$0x0], $0xffff;
	_ =	sdelay $0x2  }
.Ltmp65:
0x2ac: {  	(pc) =	sbr.rel @p2 .LBB2_83-.Ltmp65, $4  }
0x2ad: {  	_ = 	snop  }
0x2ae: {  	s25 =	sadd.s32 $0x10, s25  }
0x2af: {  	s26 =	sadd.s32 $0x10, s26;
	[tilespmem:s25+$0x0] =	vst v3  }
0x2b0: {  	s28 =	sadd.s32 $0xFFFFFFFF, s28;
	v3 =	vld [tilespmem:s26+$0x0]  }
.LBB2_84:
0x2b1: {  	_ =	sdelay $0x7  }
0x2b2: {  	v3 =	vld.idx.msk [tilespmem:v3+s12+$0x0], $0xffff;
	_ =	sdelay $0x2  }
0x2b3: {  	s25 =	sadd.s32 @p1 $0x10, s25  }
0x2b4: {  	s1 =	smov.u32 @p1 s25  }
0x2b5: {  	[tilespmem:s1+$0x0] =	vst v3  }
.LBB2_85:
.Ltmp66:
0x2b6: {  	s1 =	sshrl.u32 s23, $0x1F;
	(pc) =	sbr.rel .LBB2_86-.Ltmp66, $4  }
0x2b7: {  	s1 =	sadd.s32 s1, s23  }
0x2b8: {  	s28 =	simm.s32 $0x0;
	s25 =	sand.u32 $0xFFFFFFFE, s1;
	s1 =	sshll.u32 s1, $0x4  }
0x2b9: {  	s29 =	simm.s32 $0xFFFFFFFF;
	s30 =	ssub.s32 s23, s25;
	s26 =	sand.u32 $0xFFFFFFE0, s1  }
0x2ba: {  	[tilespmem:s0+$0x10000] =	vst v2;
	s23 =	simm.f32 $+Inf;
	p1 =	slt.s32 s25, $0x1;
	p2 =	slt.s32 s30, $0x1  }
.LBB2_87:
0x2bb: {  	v3 =	vimm.s32 $0x40000000;
	v4 =	vimm.f32 $-Inf  }
.LBB2_88:
0x2bc: {  	v5 =	vld @!p2 [tilespmem:s26+$0x10000]  }
0x2bd: {  	v6 =	vld @!p2 [tilespmem:s26+$0x13080];
	_ =	sdelay $0x4  }
0x2be: {  	vm0 =	veq.f32 @!p2 v5, s23;
	vm1 =	veq.s32 @!p2 v6, s29  }
0x2bf: {  	vm0 =	vmand @!p2 vm0, vm1  }
0x2c0: {  	v5 =	vsel @!p2 vm0, $0xFF800000, v5  }
0x2c1: {  	vm0 =	vlt.s32 @!p2 v6, v3;
	vm1 =	veq.f32 @!p2 v5, v4  }
0x2c2: {  	vm2 =	vgt.f32 @!p2 v5, v4;
	vm0 =	vmand @!p2 vm0, vm1  }
0x2c3: {  	vm0 =	vmor @!p2 vm2, vm0  }
0x2c4: {  	v7 =	vsel @!p2 vm0, v5, v4  }
0x2c5: {  	v4 =	vpsel p2, v4, v7  }
0x2c6: {  	(xrf0) =	vmax.scan.msk.f32 $0xffff, v4;
	_ =	sdelay $0x5  }
0x2c7: {  	v62, _, _ =	vpop (xrf0)  }
0x2c8: {  	v6 =	vsel @!p2 vm0, v6, v3;
	v63 =	vbroadcast v62, $0xF  }
0x2c9: {  	v3 =	vpsel p2, v3, v6  }
0x2ca: {  	v3 =	vxor.u32 $0x80000000, v3;
	vm15 =	veq.f32 v4, v63  }
0x2cb: {  	v3 =	vnsel vm15, $0xC0000000, v3  }
0x2cc: {  	(xrf0) =	vmin.scan.msk.u32 $0xffff, v3;
	_ =	sdelay $0x5  }
0x2cd: {  	(v2sf) =	vpush v62, $0xF;
	v3, _, _ =	vpop (xrf0)  }
0x2ce: {  	(v2sf) =	vpush v3, $0xF;
	_ =	sdelay $0xd  }
0x2cf: {  	s23 =	spop (v2sf)  }
0x2d0: {  	s0 =	spop (v2sf)  }
0x2d1: {  	[tilespmem:s26+$0x10000] =	vst @!p2 v5;
	s29 =	sxor.u32 $0x80000000, s0  }
0x2d2: {  	[tilespmem:s28+$0x1C300] =	vst.msk $0x1, v63;
	v3 =	vmov s29  }
0x2d3: {  	[tilespmem:s28+$0x1C480] =	vst.msk $0x1, v3;
	s28 =	sadd.s32 $0x1, s28  }
0x2d4: {  	p3 =	sne.s32 s28, $0x40  }
.Ltmp67:
0x2d5: {  	_ = 	snop;
	(pc) =	sbr.rel @!p3 .LBB2_89-.Ltmp67, $1  }
0x2d6: {  	_ =	sdelay $0x3  }
.LBB2_86:
.Ltmp68:
0x2d7: {  	(pc) =	sbr.rel @p1 .LBB2_87-.Ltmp68, $1  }
0x2d8: {  	_ =	sdelay $0x3  }
0x2d9: {  	s31 =	simm.s32 $0x10010  }
0x2da: {  	s0 =	simm.s32 $0x13090;
	v16 =	vld [tilespmem:s31+$0xFFFFFFF0]  }
0x2db: {  	v15 =	vld [tilespmem:s0+$0xFFFFFFF0]  }
0x2dc: {  	p4 =	sgt.s32 s25, $0x2  }
.Ltmp69:
0x2dd: {  	v7 =	vld [tilespmem:s0+$0x0];
	(pc) =	sbr.rel @!p4 .LBB2_95-.Ltmp69, $4  }
0x2de: {  	_ = 	snop  }
0x2df: {  	v4 =	vmov s23;
	v3 =	vmov s29  }
0x2e0: {  	vm0 =	veq.f32 v16, v4;
	vm1 =	veq.s32 v15, v3  }
0x2e1: {  	v6 =	vimm.f32 $-Inf;
	v5 =	vimm.s32 $0x40000000;
	s30 =	simm.s32 $0x10030;
	p3 =	por $0x0, $0x0;
	v10 =	vld [tilespmem:s31+$0x0];
	vm0 =	vmand vm0, vm1  }
0x2e2: {  	_ =	sdelay $0x1  }
0x2e3: {  	v8 =	vld [tilespmem:s30+$0xFFFFFFF0];
	v14 =	vsel vm0, $0xFF800000, v16;
	s0 =	simm.s32 $0x130B0  }
0x2e4: {  	vm1 =	vlt.s32 v15, v5;
	v9 =	vld [tilespmem:s0+$0xFFFFFFF0];
	vm0 =	veq.f32 v14, v6;
	vm3 =	vgt.f32 v14, v6  }
0x2e5: {  	p4 =	sgt.s32 s25, $0x4;
	vm0 =	vmand vm1, vm0;
	vm1 =	veq.s32 v7, v3;
	vm2 =	veq.f32 v10, v4  }
.Ltmp70:
0x2e6: {  	vm0 =	vmor vm3, vm0;
	vm1 =	vmand vm2, vm1;
	(pc) =	sbr.rel @!p4 .LBB2_97-.Ltmp70, $4  }
0x2e7: {  	v11 =	vsel vm0, v14, v6;
	v12 =	vsel vm0, v15, v5;
	v13 =	vsel vm1, $0xFF800000, v10;
	v10 =	vld [tilespmem:s30+$0x0]  }
0x2e8: {  	[tilespmem:s31+$0xFFFFFFF0] =	vst v14;
	v14 =	vld [tilespmem:s0+$0x0];
	vm0 =	veq.f32 v8, v4;
	vm2 =	vlt.s32 v7, v12;
	vm1 =	veq.f32 v13, v11  }
0x2e9: {  	vm3 =	veq.s32 v9, v3;
	vm4 =	vgt.f32 v13, v11;
	vm1 =	vmand vm1, vm2  }
0x2ea: {  	s1 =	simm.s32 $0x4;
	p3 =	por $0x1, $0x1;
	[tilespmem:s31+$0x0] =	vst v13;
	vm0 =	vmand vm0, vm3;
	s31 =	simm.s32 $0x10050;
	vm1 =	vmor vm4, vm1  }
.LBB2_98:
0x2eb: {  	v15 =	vsel vm0, $0xFF800000, v8;
	v8 =	vld [tilespmem:s31+$0xFFFFFFF0];
	s0 =	sadd.s32 $0x20, s0;
	v11 =	vsel vm1, v13, v11;
	v12 =	vsel vm1, v7, v12  }
0x2ec: {  	s1 =	sadd.s32 $0x2, s1;
	v16 =	vld [tilespmem:s0+$0xFFFFFFF0];
	[tilespmem:s30+$0xFFFFFFF0] =	vst v15;
	vm0 =	veq.f32 v15, v11;
	vm1 =	vlt.s32 v9, v12;
	vm2 =	veq.f32 v10, v4  }
0x2ed: {  	p4 =	slt.s32 s1, s25;
	vm3 =	vgt.f32 v15, v11;
	vm0 =	vmand vm1, vm0;
	vm1 =	veq.s32 v14, v3;
	v7 =	vmovc v14  }
.Ltmp71:
0x2ee: {  	vm0 =	vmor vm3, vm0;
	vm1 =	vmand vm2, vm1;
	(pc) =	sbr.rel @p4 .LBB2_98-.Ltmp71, $4  }
0x2ef: {  	v11 =	vsel vm0, v15, v11;
	v12 =	vsel vm0, v9, v12;
	v13 =	vsel vm1, $0xFF800000, v10;
	v10 =	vld [tilespmem:s31+$0x0]  }
0x2f0: {  	vm0 =	veq.f32 v8, v4;
	v14 =	vld [tilespmem:s0+$0x0];
	[tilespmem:s30+$0x0] =	vst v13;
	vm1 =	veq.f32 v13, v11;
	vm2 =	vlt.s32 v7, v12;
	s30 =	smov.u32 s31  }
0x2f1: {  	vm4 =	vgt.f32 v13, v11;
	vm3 =	veq.s32 v16, v3;
	vm1 =	vmand vm1, vm2;
	v9 =	vmovc v16  }
0x2f2: {  	s31 =	sadd.s32 $0x20, s31;
	vm0 =	vmand vm0, vm3;
	vm1 =	vmor vm4, vm1  }
0x2f3: {  	_ =	sdelay $0x1  }
0x2f4: {  	v17 =	vmovc v7;
	v16 =	vmov v8;
	s31 =	smov.u32 s30;
	v15 =	vmov v9;
	v7 =	vmov v14  }
.LBB2_100:
0x2f5: {  	v8 =	vsel @p3 vm1, v13, v11;
	v9 =	vsel @p3 vm1, v17, v12  }
0x2f6: {  	v63 =	vsel vm0, $0xFF800000, v16;
	v6 =	vpsel p3, v8, v6;
	v5 =	vpsel p3, v9, v5  }
0x2f7: {  	vm2 =	veq.f32 v10, v4;
	vm0 =	veq.f32 v63, v6;
	vm11 =	vlt.s32 v15, v5  }
0x2f8: {  	vm12 =	veq.s32 v7, v3;
	vm3 =	vgt.f32 v63, v6;
	vm0 =	vmand vm11, vm0  }
0x2f9: {  	vm1 =	vmand vm2, vm12;
	vm0 =	vmor vm3, vm0  }
.Ltmp72:
0x2fa: {  	v4 =	vsel vm1, $0xFF800000, v10;
	v3 =	vsel vm0, v63, v6;
	v5 =	vsel vm0, v15, v5;
	(pc) =	sbr.rel .LBB2_88-.Ltmp72, $4  }
0x2fb: {  	vm13 =	veq.f32 v4, v3;
	vm14 =	vlt.s32 v7, v5  }
0x2fc: {  	vm15 =	vgt.f32 v4, v3;
	vm0 =	vmand vm13, vm14  }
0x2fd: {  	[tilespmem:s31+$0xFFFFFFF0] =	vst v63;
	vm0 =	vmor vm15, vm0  }
0x2fe: {  	[tilespmem:s31+$0x0] =	vst v4;
	v4 =	vsel vm0, v4, v3;
	v3 =	vsel vm0, v7, v5  }
.LBB2_95:
.Ltmp73:
0x2ff: {  	(pc) =	sbr.rel .LBB2_100-.Ltmp73, $2  }
0x300: {  	_ =	sdelay $0x2  }
0x301: {  	_ = 	snop  }
.LBB2_97:
.Ltmp74:
0x302: {  	(pc) =	sbr.rel .LBB2_100-.Ltmp74, $2  }
0x303: {  	_ =	sdelay $0x2  }
0x304: {  	v17 =	vmovc v7;
	v16 =	vmov v8;
	s31 =	simm.s32 $0x10030;
	v15 =	vmov v9;
	v7 =	vmov v14  }
.LBB2_66:
.Ltmp75:
0x305: {  	(pc) =	sbr.rel .LBB2_77-.Ltmp75, $2  }
0x306: {  	_ =	sdelay $0x2  }
0x307: {  	s26 =	smov.u32 s20  }
.LBB2_75:
.Ltmp76:
0x308: {  	(pc) =	sbr.rel .LBB2_77-.Ltmp76, $2  }
0x309: {  	_ =	sdelay $0x2  }
0x30a: {  	s26 =	smov.u32 s20  }
.LBB2_80:
.Ltmp77:
0x30b: {  	(pc) =	sbr.rel .LBB2_84-.Ltmp77, $2  }
0x30c: {  	_ =	sdelay $0x2  }
0x30d: {  	s25 =	simm.s32 $0x10000  }
.LBB2_82:
.Ltmp78:
0x30e: {  	(pc) =	sbr.rel .LBB2_84-.Ltmp78, $2  }
0x30f: {  	_ =	sdelay $0x2  }
0x310: {  	s25 =	simm.s32 $0x10000  }
.LBB2_91:
0x311: {  	s0 =	sadd.s32 $0xF, s24  }
0x312: {  	s1 =	sand.u32 $0xF, s0  }
0x313: {  	s20 =	sshra.s32 s0, $0x1F;
	p1 =	slt.s32 s0, $0x1;
	p2 =	sne.s32 s1, $0x0  }
0x314: {  	s31 =	sshrl.u32 s20, $0x1C;
	p1 =	por !p1, !p2  }
0x315: {  	s1 =	simm.s32 $0x1;
	s0 =	sadd.s32 s31, s0;
	p1 =	por !p1, !p1  }
0x316: {  	s0 =	sshra.s32 s0, $0x4;
	s1 =	simm.s32 @!p1 $0x0  }
0x317: {  	s21 =	ssub.s32 s0, s1  }
0x318: {  	p1 =	sgt.s32 s21, $0x0  }
.Ltmp79:
0x319: {  	_ = 	snop;
	(pc) =	sbr.rel @!p1 .LBB2_106-.Ltmp79, $2  }
0x31a: {  	_ =	sdelay $0x2  }
0x31b: {  	[tilespmem:s24+$0x13080] =	vst v1  }
0x31c: {  	p2 =	sne.s32 s21, $0x1  }
.Ltmp80:
0x31d: {  	_ = 	snop;
	(pc) =	sbr.rel @!p2 .LBB2_93-.Ltmp80, $3  }
0x31e: {  	_ =	sdelay $0x1  }
0x31f: {  	s1 =	simm.s32 $0x13080  }
0x320: {  	s0 =	simm.s32 $0x10000;
	p1 =	por $0x0, $0x0;
	v3 =	vld [tilespmem:s1+$0x0];
	s1 =	sadd.s32 $0xFFFFFFFF, s21  }
0x321: {  	_ =	sdelay $0x7  }
0x322: {  	v3 =	vld.idx.msk [tilespmem:v3+s12+$0x0], $0xffff  }
0x323: {  	p2 =	sne.s32 s1, $0x1  }
.Ltmp81:
0x324: {  	_ = 	snop;
	(pc) =	sbr.rel @!p2 .LBB2_102-.Ltmp81, $3  }
0x325: {  	_ =	sdelay $0x1  }
0x326: {  	s20 =	simm.s32 $0x13090;
	[tilespmem:s0+$0x0] =	vst v3  }
0x327: {  	s22 =	sadd.s32 $0xFFFFFFFF, s1;
	p1 =	por $0x1, $0x1;
	s1 =	simm.s32 $0x10000;
	v3 =	vld [tilespmem:s20+$0x0]  }
.LBB2_103:
0x328: {  	p2 =	sne.s32 s22, $0x1;
	_ =	sdelay $0x6  }
0x329: {  	v3 =	vld.idx.msk [tilespmem:v3+s12+$0x0], $0xffff;
	_ =	sdelay $0x2  }
.Ltmp82:
0x32a: {  	(pc) =	sbr.rel @p2 .LBB2_103-.Ltmp82, $4  }
0x32b: {  	_ = 	snop  }
0x32c: {  	s1 =	sadd.s32 $0x10, s1  }
0x32d: {  	s20 =	sadd.s32 $0x10, s20;
	[tilespmem:s1+$0x0] =	vst v3  }
0x32e: {  	s22 =	sadd.s32 $0xFFFFFFFF, s22;
	v3 =	vld [tilespmem:s20+$0x0]  }
.LBB2_104:
0x32f: {  	_ =	sdelay $0x7  }
0x330: {  	s1 =	sadd.s32 @p1 $0x10, s1;
	v3 =	vld.idx.msk [tilespmem:v3+s12+$0x0], $0xffff  }
0x331: {  	s0 =	smov.u32 @p1 s1;
	p1 =	slt.u32 s21, $0x10  }
.Ltmp83:
0x332: {  	_ = 	snop;
	(pc) =	sbr.rel @p1 .LBB2_105-.Ltmp83, $3  }
0x333: {  	_ =	sdelay $0x1  }
0x334: {  	[tilespmem:s0+$0x0] =	vst v3;
	v3 =	vimm.f32 $-Inf  }
0x335: {  	s20 =	sand.u32 $0x7FFFFFFC, s21;
	s22 =	sand.u32 $0x7FFFFFF0, s21;
	[tilespmem:s24+$0x10000] =	vst v3  }
0x336: {  	s1 =	simm.s32 $0x10080  }
0x337: {  	v3 =	vld [tilespmem:s1+$0x40]  }
0x338: {  	v4 =	vld [tilespmem:s1+$0x50]  }
0x339: {  	v5 =	vld [tilespmem:s1+$0x60]  }
0x33a: {  	v11 =	vld [tilespmem:s1+$0x0]  }
0x33b: {  	v6 =	vld [tilespmem:s1+$0x10]  }
0x33c: {  	v7 =	vld [tilespmem:s1+$0x20]  }
0x33d: {  	v12 =	vld [tilespmem:s1+$0xFFFFFFC0]  }
0x33e: {  	v9 =	vld [tilespmem:s1+$0xFFFFFFD0]  }
0x33f: {  	v13 =	vld [tilespmem:s1+$0xFFFFFF80]  }
0x340: {  	v10 =	vld [tilespmem:s1+$0xFFFFFFE0]  }
0x341: {  	p1 =	sgt.u32 s22, $0x10;
	v15 =	vld [tilespmem:s1+$0xFFFFFF90]  }
.Ltmp84:
0x342: {  	v17 =	vld [tilespmem:s1+$0xFFFFFFA0];
	(pc) =	sbr.rel @!p1 .LBB2_119-.Ltmp84, $4  }
0x343: {  	v8 =	vimm.f32 $-Inf;
	v18 =	vld [tilespmem:s1+$0xFFFFFFB0]  }
0x344: {  	v16 =	vld [tilespmem:s1+$0xFFFFFFF0];
	v13 =	vmax.f32 v8, v13  }
0x345: {  	v14 =	vld [tilespmem:s1+$0x30];
	v12 =	vmax.f32 v13, v12  }
0x346: {  	s0 =	simm.s32 $0x10;
	s23 =	simm.s32 $0x10180;
	v13 =	vld [tilespmem:s1+$0x70];
	v19 =	vmax.f32 v12, v11;
	v11 =	vimm.f32 $-Inf;
	v12 =	vimm.f32 $-Inf  }
.LBB2_118:
0x347: {  	v19 =	vmax.f32 v19, v3;
	v3 =	vld [tilespmem:s23+$0x40]  }
0x348: {  	v8 =	vmax.f32 v8, v15;
	v11 =	vmax.f32 v11, v17;
	v20 =	vld [tilespmem:s23+$0x50];
	v12 =	vmax.f32 v12, v18  }
0x349: {  	v8 =	vmax.f32 v8, v9;
	v9 =	vmax.f32 v11, v10;
	v15 =	vld [tilespmem:s23+$0x60];
	v10 =	vmax.f32 v12, v16  }
0x34a: {  	v8 =	vmax.f32 v8, v6;
	v7 =	vmax.f32 v9, v7;
	v21 =	vld [tilespmem:s23+$0x0];
	v9 =	vmax.f32 v10, v14  }
0x34b: {  	v8 =	vmax.f32 v8, v4;
	v11 =	vmax.f32 v7, v5;
	v6 =	vld [tilespmem:s23+$0x10];
	v12 =	vmax.f32 v9, v13  }
0x34c: {  	v7 =	vld [tilespmem:s23+$0x20]  }
0x34d: {  	v13 =	vld [tilespmem:s23+$0xFFFFFFC0];
	v4 =	vmov v20  }
0x34e: {  	v9 =	vld [tilespmem:s23+$0xFFFFFFD0];
	v5 =	vmov v15  }
0x34f: {  	v14 =	vld [tilespmem:s23+$0xFFFFFF80]  }
0x350: {  	s0 =	sadd.s32 $0x10, s0;
	v10 =	vld [tilespmem:s23+$0xFFFFFFE0]  }
0x351: {  	p1 =	slt.u32 s0, s22;
	v15 =	vld [tilespmem:s23+$0xFFFFFF90]  }
.Ltmp85:
0x352: {  	v17 =	vld [tilespmem:s23+$0xFFFFFFA0];
	(pc) =	sbr.rel @p1 .LBB2_118-.Ltmp85, $4  }
0x353: {  	v18 =	vld [tilespmem:s23+$0xFFFFFFB0]  }
0x354: {  	v14 =	vmax.f32 v19, v14;
	v16 =	vld [tilespmem:s23+$0xFFFFFFF0]  }
0x355: {  	v13 =	vmax.f32 v14, v13;
	v14 =	vld [tilespmem:s23+$0x30]  }
0x356: {  	v19 =	vmax.f32 v13, v21;
	v13 =	vld [tilespmem:s23+$0x70];
	s23 =	sadd.s32 $0x100, s23  }
.LBB2_119:
.Ltmp86:
0x357: {  	v3 =	vmax.f32 v19, v3;
	(pc) =	sbr.rel .LBB2_107-.Ltmp86, $4  }
0x358: {  	v8 =	vmax.f32 v8, v15;
	v11 =	vmax.f32 v11, v17;
	v12 =	vmax.f32 v12, v18  }
0x359: {  	v8 =	vmax.f32 v8, v9;
	v62 =	vmax.f32 v11, v10;
	v63 =	vmax.f32 v12, v16  }
0x35a: {  	v6 =	vmax.f32 v8, v6;
	v7 =	vmax.f32 v62, v7;
	v8 =	vmax.f32 v63, v14  }
0x35b: {  	v4 =	vmax.f32 v6, v4;
	v5 =	vmax.f32 v7, v5;
	v6 =	vmax.f32 v8, v13  }
.LBB2_106:
.Ltmp87:
0x35c: {  	(pc) =	sbr.rel .LBB2_107-.Ltmp87, $3  }
0x35d: {  	_ =	sdelay $0x1  }
0x35e: {  	v3 =	vimm.f32 $-Inf  }
0x35f: {  	s20 =	sand.u32 $0xFFFFFFFC, s21;
	s22 =	sand.u32 $0xFFFFFFF0, s21;
	v4 =	vimm.f32 $-Inf;
	v5 =	vimm.f32 $-Inf;
	v6 =	vimm.f32 $-Inf;
	[tilespmem:s24+$0x10000] =	vst v3  }
.LBB2_105:
0x360: {  	v4 =	vimm.f32 $-Inf;
	v5 =	vimm.f32 $-Inf;
	v6 =	vimm.f32 $-Inf  }
.LBB2_107:
0x361: {  	p1 =	sge.s32 s22, s20  }
.Ltmp88:
0x362: {  	_ = 	snop;
	(pc) =	sbr.rel @p1 .LBB2_110-.Ltmp88, $1  }
0x363: {  	_ =	sdelay $0x3  }
0x364: {  	s0 =	sshll.u32 s22, $0x6  }
0x365: {  	s0 =	sshra.s32 s0, $0x2  }
0x366: {  	s0 =	sadd.s32 $0x10020, s0  }
.LBB2_109:
0x367: {  	v7 =	vld [tilespmem:s0+$0xFFFFFFE0]  }
0x368: {  	v8 =	vld [tilespmem:s0+$0xFFFFFFF0]  }
0x369: {  	v9 =	vld [tilespmem:s0+$0x0];
	s22 =	sadd.s32 $0x4, s22  }
0x36a: {  	v10 =	vld [tilespmem:s0+$0x10];
	p1 =	slt.s32 s22, s20  }
.Ltmp89:
0x36b: {  	_ = 	snop;
	(pc) =	sbr.rel @p1 .LBB2_109-.Ltmp89, $3  }
0x36c: {  	_ =	sdelay $0x1  }
0x36d: {  	v3 =	vmax.f32 v3, v7  }
0x36e: {  	s0 =	sadd.s32 $0x40, s0;
	v4 =	vmax.f32 v4, v8;
	v5 =	vmax.f32 v5, v9;
	v6 =	vmax.f32 v6, v10  }
.LBB2_110:
0x36f: {  	p1 =	seq.s32 s20, s21  }
.Ltmp90:
0x370: {  	_ = 	snop;
	(pc) =	sbr.rel @p1 .LBB2_114-.Ltmp90, $1  }
0x371: {  	_ =	sdelay $0x3  }
0x372: {  	s1 =	sadd.s32 $0x1, s20  }
0x373: {  	p1 =	slt.s32 s1, s21  }
.Ltmp91:
0x374: {  	_ = 	snop;
	(pc) =	sbr.rel @!p1 .LBB2_113-.Ltmp91, $4  }
0x375: {  	s0 =	sshll.u32 s20, $0x6  }
0x376: {  	s0 =	sshra.s32 s0, $0x2  }
0x377: {  	s0 =	sadd.s32 $0x10000, s0  }
0x378: {  	v7 =	vld [tilespmem:s0+$0x0]  }
.LBB2_112:
0x379: {  	s1 =	sadd.s32 $0x1, s1  }
0x37a: {  	p1 =	slt.s32 s1, s21  }
.Ltmp92:
0x37b: {  	_ = 	snop;
	(pc) =	sbr.rel @p1 .LBB2_112-.Ltmp92, $3  }
0x37c: {  	_ =	sdelay $0x1  }
0x37d: {  	s0 =	sadd.s32 $0x10, s0;
	v3 =	vmax.f32 v3, v7  }
0x37e: {  	v7 =	vld [tilespmem:s0+$0x0]  }
.LBB2_113:
0x37f: {  	_ =	sdelay $0x3  }
0x380: {  	v3 =	vmax.f32 v3, v7  }
.LBB2_114:
0x381: {  	p1 =	slt.s32 s21, $0x1  }
.Ltmp93:
0x382: {  	_ = 	snop;
	(pc) =	sbr.rel @p1 .LBB2_124-.Ltmp93, $2  }
0x383: {  	_ =	sdelay $0x2  }
0x384: {  	s20 =	simm.s32 $0x0;
	s0 =	simm.s32 $0x0  }
0x385: {  	v3 =	vmin.f32 v3, v4;
	v4 =	vmin.f32 v5, v6  }
0x386: {  	v3 =	vmin.f32 v3, v4  }
0x387: {  	(xrf0) =	vmin.scan.msk.f32 $0xffff, v3;
	_ =	sdelay $0x1  }
0x388: {  	p2 =	sne.s32 s21, $0x1  }
.Ltmp94:
0x389: {  	_ = 	snop;
	(pc) =	sbr.rel @!p2 .LBB2_116-.Ltmp94, $3  }
0x38a: {  	_ =	sdelay $0x1  }
0x38b: {  	s22 =	simm.s32 $0x0;
	s1 =	simm.s32 $0x10000;
	v3, _, _ =	vpop (xrf0)  }
0x38c: {  	s0 =	simm.s32 $0x13080;
	p1 =	por $0x0, $0x0;
	v4 =	vld [tilespmem:s1+$0x0];
	s1 =	sadd.s32 $0xFFFFFFFF, s21;
	v3 =	vbroadcast v3, $0xF  }
0x38d: {  	_ =	sdelay $0x3  }
0x38e: {  	vm0 =	vge.f32 v4, v3  }
0x38f: {  	v5 =	vsel vm0, $0x1, v1  }
0x390: {  	(xrf0) =	vadd.scan.msk.s32 $0xffff, v5;
	_ =	sdelay $0x3  }
0x391: {  	v5 =	vld [tilespmem:s0+$0x0]  }
0x392: {  	p2 =	sne.s32 s1, $0x1  }
.Ltmp95:
0x393: {  	[tilespmem:s22+$0x16100] =	vst.msk vm0, v4;
	v4, _, _ =	vpop (xrf0);
	(pc) =	sbr.rel @!p2 .LBB2_121-.Ltmp95, $3  }
0x394: {  	(v2sf) =	vpush v4, $0xF;
	_ =	sdelay $0x1  }
0x395: {  	s23 =	simm.s32 $0x10010;
	s24 =	sadd.s32 $0xFFFFFFFF, s1;
	[tilespmem:s22+$0x19180] =	vst.msk vm0, v5  }
0x396: {  	p1 =	por $0x1, $0x1;
	s1 =	simm.s32 $0x13080;
	s21 =	simm.s32 $0x0;
	v4 =	vld [tilespmem:s23+$0x0]  }
.LBB2_122:
0x397: {  	p2 =	sne.s32 s24, $0x1;
	_ =	sdelay $0x3  }
0x398: {  	vm0 =	vge.f32 v4, v3  }
0x399: {  	v5 =	vsel vm0, $0x1, v1  }
0x39a: {  	(xrf0) =	vadd.scan.msk.s32 $0xffff, v5;
	_ =	sdelay $0x1  }
0x39b: {  	s1 =	sadd.s32 $0x10, s1  }
0x39c: {  	v5 =	vld [tilespmem:s1+$0x0];
	_ =	sdelay $0x1  }
0x39d: {  	s25 =	spop (v2sf)  }
.Ltmp96:
0x39e: {  	v6, _, _ =	vpop (xrf0);
	s21 =	sadd.s32 s21, s25;
	(pc) =	sbr.rel @p2 .LBB2_122-.Ltmp96, $4  }
0x39f: {  	[tilespmem:s21+$0x16100] =	vst.msk vm0, v4;
	(v2sf) =	vpush v6, $0xF  }
0x3a0: {  	[tilespmem:s21+$0x19180] =	vst.msk vm0, v5  }
0x3a1: {  	s23 =	sadd.s32 $0x10, s23  }
0x3a2: {  	s24 =	sadd.s32 $0xFFFFFFFF, s24;
	v4 =	vld [tilespmem:s23+$0x0]  }
.LBB2_123:
0x3a3: {  	_ =	sdelay $0x3  }
0x3a4: {  	vm0 =	vge.f32 v4, v3  }
0x3a5: {  	v3 =	vsel vm0, $0x1, v1  }
0x3a6: {  	(xrf0) =	vadd.scan.msk.s32 $0xffff, v3;
	_ =	sdelay $0x5  }
0x3a7: {  	v3, _, _ =	vpop (xrf0)  }
0x3a8: {  	(v2sf) =	vpush v3, $0xF;
	_ =	sdelay $0x8  }
0x3a9: {  	s1 =	sadd.s32 @p1 $0x10, s1  }
0x3aa: {  	s0 =	smov.u32 @p1 s1  }
0x3ab: {  	v3 =	vld [tilespmem:s0+$0x0]  }
0x3ac: {  	s0 =	spop @p1 (v2sf)  }
0x3ad: {  	s0 =	sadd.s32 @p1 s21, s0  }
0x3ae: {  	s22 =	smov.u32 @p1 s0  }
0x3af: {  	[tilespmem:s22+$0x16100] =	vst.msk vm0, v4;
	s31 =	spop (v2sf)  }
0x3b0: {  	[tilespmem:s22+$0x19180] =	vst.msk vm0, v3;
	s0 =	sadd.s32 s22, s31  }
.LBB2_124:
0x3b1: {  	s1 =	sadd.s32 $0xF, s0  }
0x3b2: {  	s21 =	sand.u32 $0xF, s1  }
0x3b3: {  	s22 =	sshra.s32 s1, $0x1F;
	p1 =	slt.s32 s1, $0x1;
	p2 =	sne.s32 s21, $0x0  }
0x3b4: {  	s31 =	sshrl.u32 s22, $0x1C;
	p1 =	por !p1, !p2  }
0x3b5: {  	s21 =	simm.s32 $0x1;
	s1 =	sadd.s32 s31, s1;
	p1 =	por !p1, !p1  }
0x3b6: {  	s1 =	sshra.s32 s1, $0x4;
	s21 =	simm.s32 @!p1 $0x0  }
0x3b7: {  	s1 =	ssub.s32 s1, s21  }
.Ltmp97:
0x3b8: {  	s21 =	sshrl.u32 s1, $0x1F;
	(pc) =	sbr.rel .LBB2_125-.Ltmp97, $4  }
0x3b9: {  	s21 =	sadd.s32 s21, s1  }
0x3ba: {  	s24 =	sor.u32 $0x40, s19;
	s21 =	sand.u32 $0xFFFFFFFE, s21  }
0x3bb: {  	s23 =	simm.s32 $0xFFFFFFFF;
	s22 =	simm.f32 $+Inf;
	s1 =	ssub.s32 s1, s21  }
0x3bc: {  	[tilespmem:s0+$0x16100] =	vst v2;
	v3 =	vmov s24;
	s19 =	sshll.u32 s21, $0x4;
	p1 =	slt.s32 s21, $0x1;
	p2 =	slt.s32 s1, $0x1  }
.LBB2_126:
0x3bd: {  	v4 =	vimm.s32 $0x40000000;
	v5 =	vimm.f32 $-Inf  }
.LBB2_127:
0x3be: {  	v6 =	vld @!p2 [tilespmem:s19+$0x16100]  }
0x3bf: {  	v7 =	vld @!p2 [tilespmem:s19+$0x19180];
	_ =	sdelay $0x4  }
0x3c0: {  	vm0 =	veq.f32 @!p2 v6, s22;
	vm1 =	veq.s32 @!p2 v7, s23  }
0x3c1: {  	vm0 =	vmand @!p2 vm0, vm1  }
0x3c2: {  	v6 =	vsel @!p2 vm0, $0xFF800000, v6  }
0x3c3: {  	vm0 =	vlt.s32 @!p2 v7, v4;
	vm1 =	veq.f32 @!p2 v6, v5  }
0x3c4: {  	vm2 =	vgt.f32 @!p2 v6, v5;
	vm0 =	vmand @!p2 vm0, vm1  }
0x3c5: {  	vm0 =	vmor @!p2 vm2, vm0  }
0x3c6: {  	v8 =	vsel @!p2 vm0, v6, v5  }
0x3c7: {  	v5 =	vpsel p2, v5, v8  }
0x3c8: {  	(xrf0) =	vmax.scan.msk.f32 $0xffff, v5;
	_ =	sdelay $0x5  }
0x3c9: {  	v62, _, _ =	vpop (xrf0)  }
0x3ca: {  	v7 =	vsel @!p2 vm0, v7, v4;
	v63 =	vbroadcast v62, $0xF  }
0x3cb: {  	v4 =	vpsel p2, v4, v7  }
0x3cc: {  	v4 =	vxor.u32 $0x80000000, v4;
	vm15 =	veq.f32 v5, v63  }
0x3cd: {  	v4 =	vnsel vm15, $0xC0000000, v4  }
0x3ce: {  	(xrf0) =	vmin.scan.msk.u32 $0xffff, v4;
	_ =	sdelay $0x5  }
0x3cf: {  	(v2sf) =	vpush v62, $0xF;
	v4, _, _ =	vpop (xrf0)  }
0x3d0: {  	(v2sf) =	vpush v4, $0xF;
	_ =	sdelay $0xd  }
0x3d1: {  	s22 =	spop (v2sf)  }
0x3d2: {  	s0 =	spop (v2sf)  }
0x3d3: {  	[tilespmem:s19+$0x16100] =	vst @!p2 v6;
	s23 =	sxor.u32 $0x80000000, s0  }
0x3d4: {  	[tilespmem:v3+s20+$0x1C200 ss:$0x1] =	vst.idx.msk $0x1, v63;
	v4 =	vmov s23  }
0x3d5: {  	[tilespmem:v3+s20+$0x1C380 ss:$0x1] =	vst.idx.msk $0x1, v4;
	s20 =	sadd.s32 $0x1, s20  }
0x3d6: {  	p3 =	seq.s32 s20, $0x40  }
.Ltmp98:
0x3d7: {  	_ = 	snop;
	(pc) =	sbr.rel @p3 .LBB2_2-.Ltmp98, $1  }
0x3d8: {  	_ =	sdelay $0x3  }
.LBB2_125:
.Ltmp99:
0x3d9: {  	(pc) =	sbr.rel @p1 .LBB2_126-.Ltmp99, $1  }
0x3da: {  	_ =	sdelay $0x3  }
0x3db: {  	s25 =	simm.s32 $0x16110  }
0x3dc: {  	s0 =	simm.s32 $0x19190;
	v17 =	vld [tilespmem:s25+$0xFFFFFFF0]  }
0x3dd: {  	v16 =	vld [tilespmem:s0+$0xFFFFFFF0]  }
0x3de: {  	p4 =	sgt.s32 s21, $0x2  }
.Ltmp100:
0x3df: {  	v8 =	vld [tilespmem:s0+$0x0];
	(pc) =	sbr.rel @!p4 .LBB2_129-.Ltmp100, $4  }
0x3e0: {  	_ = 	snop  }
0x3e1: {  	v5 =	vmov s22;
	v4 =	vmov s23  }
0x3e2: {  	vm0 =	veq.f32 v17, v5;
	vm1 =	veq.s32 v16, v4  }
0x3e3: {  	v7 =	vimm.f32 $-Inf;
	v6 =	vimm.s32 $0x40000000;
	s24 =	simm.s32 $0x16130;
	p3 =	por $0x0, $0x0;
	v11 =	vld [tilespmem:s25+$0x0];
	vm0 =	vmand vm0, vm1  }
0x3e4: {  	_ =	sdelay $0x1  }
0x3e5: {  	v9 =	vld [tilespmem:s24+$0xFFFFFFF0];
	v15 =	vsel vm0, $0xFF800000, v17;
	s0 =	simm.s32 $0x191B0  }
0x3e6: {  	vm1 =	vlt.s32 v16, v6;
	v10 =	vld [tilespmem:s0+$0xFFFFFFF0];
	vm0 =	veq.f32 v15, v7;
	vm3 =	vgt.f32 v15, v7  }
0x3e7: {  	p4 =	sgt.s32 s21, $0x4;
	vm0 =	vmand vm1, vm0;
	vm1 =	veq.s32 v8, v4;
	vm2 =	veq.f32 v11, v5  }
.Ltmp101:
0x3e8: {  	vm0 =	vmor vm3, vm0;
	vm1 =	vmand vm2, vm1;
	(pc) =	sbr.rel @!p4 .LBB2_131-.Ltmp101, $4  }
0x3e9: {  	v12 =	vsel vm0, v15, v7;
	v13 =	vsel vm0, v16, v6;
	v14 =	vsel vm1, $0xFF800000, v11;
	v11 =	vld [tilespmem:s24+$0x0]  }
0x3ea: {  	[tilespmem:s25+$0xFFFFFFF0] =	vst v15;
	v15 =	vld [tilespmem:s0+$0x0];
	vm0 =	veq.f32 v9, v5;
	vm2 =	vlt.s32 v8, v13;
	vm1 =	veq.f32 v14, v12  }
0x3eb: {  	vm3 =	veq.s32 v10, v4;
	vm4 =	vgt.f32 v14, v12;
	vm1 =	vmand vm1, vm2  }
0x3ec: {  	s1 =	simm.s32 $0x4;
	p3 =	por $0x1, $0x1;
	[tilespmem:s25+$0x0] =	vst v14;
	vm0 =	vmand vm0, vm3;
	s25 =	simm.s32 $0x16150;
	vm1 =	vmor vm4, vm1  }
.LBB2_132:
0x3ed: {  	v16 =	vsel vm0, $0xFF800000, v9;
	v9 =	vld [tilespmem:s25+$0xFFFFFFF0];
	s0 =	sadd.s32 $0x20, s0;
	v12 =	vsel vm1, v14, v12;
	v13 =	vsel vm1, v8, v13  }
0x3ee: {  	s1 =	sadd.s32 $0x2, s1;
	v17 =	vld [tilespmem:s0+$0xFFFFFFF0];
	[tilespmem:s24+$0xFFFFFFF0] =	vst v16;
	vm0 =	veq.f32 v16, v12;
	vm1 =	vlt.s32 v10, v13;
	vm2 =	veq.f32 v11, v5  }
0x3ef: {  	p4 =	slt.s32 s1, s21;
	vm3 =	vgt.f32 v16, v12;
	vm0 =	vmand vm1, vm0;
	vm1 =	veq.s32 v15, v4;
	v8 =	vmovc v15  }
.Ltmp102:
0x3f0: {  	vm0 =	vmor vm3, vm0;
	vm1 =	vmand vm2, vm1;
	(pc) =	sbr.rel @p4 .LBB2_132-.Ltmp102, $4  }
0x3f1: {  	v12 =	vsel vm0, v16, v12;
	v13 =	vsel vm0, v10, v13;
	v14 =	vsel vm1, $0xFF800000, v11;
	v11 =	vld [tilespmem:s25+$0x0]  }
0x3f2: {  	vm0 =	veq.f32 v9, v5;
	v15 =	vld [tilespmem:s0+$0x0];
	[tilespmem:s24+$0x0] =	vst v14;
	vm1 =	veq.f32 v14, v12;
	vm2 =	vlt.s32 v8, v13;
	s24 =	smov.u32 s25  }
0x3f3: {  	vm4 =	vgt.f32 v14, v12;
	vm3 =	veq.s32 v17, v4;
	vm1 =	vmand vm1, vm2;
	v10 =	vmovc v17  }
0x3f4: {  	s25 =	sadd.s32 $0x20, s25;
	vm0 =	vmand vm0, vm3;
	vm1 =	vmor vm4, vm1  }
0x3f5: {  	_ =	sdelay $0x1  }
0x3f6: {  	v18 =	vmovc v8;
	v17 =	vmov v9;
	s25 =	smov.u32 s24;
	v16 =	vmov v10;
	v8 =	vmov v15  }
.LBB2_134:
0x3f7: {  	v9 =	vsel @p3 vm1, v14, v12;
	v10 =	vsel @p3 vm1, v18, v13  }
0x3f8: {  	v63 =	vsel vm0, $0xFF800000, v17;
	v7 =	vpsel p3, v9, v7;
	v6 =	vpsel p3, v10, v6  }
0x3f9: {  	vm2 =	veq.f32 v11, v5;
	vm0 =	veq.f32 v63, v7;
	vm11 =	vlt.s32 v16, v6  }
0x3fa: {  	vm12 =	veq.s32 v8, v4;
	vm3 =	vgt.f32 v63, v7;
	vm0 =	vmand vm11, vm0  }
0x3fb: {  	vm1 =	vmand vm2, vm12;
	vm0 =	vmor vm3, vm0  }
.Ltmp103:
0x3fc: {  	v5 =	vsel vm1, $0xFF800000, v11;
	v4 =	vsel vm0, v63, v7;
	v6 =	vsel vm0, v16, v6;
	(pc) =	sbr.rel .LBB2_127-.Ltmp103, $4  }
0x3fd: {  	vm13 =	veq.f32 v5, v4;
	vm14 =	vlt.s32 v8, v6  }
0x3fe: {  	vm15 =	vgt.f32 v5, v4;
	vm0 =	vmand vm13, vm14  }
0x3ff: {  	[tilespmem:s25+$0xFFFFFFF0] =	vst v63;
	vm0 =	vmor vm15, vm0  }
0x400: {  	[tilespmem:s25+$0x0] =	vst v5;
	v5 =	vsel vm0, v5, v4;
	v4 =	vsel vm0, v8, v6  }
.LBB2_129:
.Ltmp104:
0x401: {  	(pc) =	sbr.rel .LBB2_134-.Ltmp104, $2  }
0x402: {  	_ =	sdelay $0x2  }
0x403: {  	_ = 	snop  }
.LBB2_131:
.Ltmp105:
0x404: {  	(pc) =	sbr.rel .LBB2_134-.Ltmp105, $2  }
0x405: {  	_ =	sdelay $0x2  }
0x406: {  	v18 =	vmovc v8;
	v17 =	vmov v9;
	s25 =	simm.s32 $0x16130;
	v16 =	vmov v10;
	v8 =	vmov v15  }
.LBB2_27:
.Ltmp106:
0x407: {  	(pc) =	sbr.rel .LBB2_38-.Ltmp106, $2  }
0x408: {  	_ =	sdelay $0x2  }
0x409: {  	s1 =	simm.s32 $0x10000  }
.LBB2_50:
.Ltmp107:
0x40a: {  	(pc) =	sbr.rel .LBB2_57-.Ltmp107, $2  }
0x40b: {  	_ =	sdelay $0x2  }
0x40c: {  	s1 =	simm.s32 $0x13080;
	s21 =	simm.s32 $0x0  }
.LBB2_93:
.Ltmp108:
0x40d: {  	(pc) =	sbr.rel .LBB2_104-.Ltmp108, $2  }
0x40e: {  	_ =	sdelay $0x2  }
0x40f: {  	s1 =	simm.s32 $0x10000  }
.LBB2_116:
.Ltmp109:
0x410: {  	(pc) =	sbr.rel .LBB2_123-.Ltmp109, $2  }
0x411: {  	_ =	sdelay $0x2  }
0x412: {  	s1 =	simm.s32 $0x13080;
	s21 =	simm.s32 $0x0  }
.LBB2_36:
.Ltmp110:
0x413: {  	(pc) =	sbr.rel .LBB2_38-.Ltmp110, $2  }
0x414: {  	_ =	sdelay $0x2  }
0x415: {  	s1 =	simm.s32 $0x10000  }
.LBB2_55:
.Ltmp111:
0x416: {  	(pc) =	sbr.rel .LBB2_57-.Ltmp111, $2  }
0x417: {  	_ =	sdelay $0x2  }
0x418: {  	s1 =	simm.s32 $0x13080;
	s21 =	simm.s32 $0x0  }
.LBB2_102:
.Ltmp112:
0x419: {  	(pc) =	sbr.rel .LBB2_104-.Ltmp112, $2  }
0x41a: {  	_ =	sdelay $0x2  }
0x41b: {  	s1 =	simm.s32 $0x10000  }
.LBB2_121:
.Ltmp113:
0x41c: {  	(pc) =	sbr.rel .LBB2_123-.Ltmp113, $2  }
0x41d: {  	_ =	sdelay $0x2  }
0x41e: {  	s1 =	simm.s32 $0x13080;
	s21 =	simm.s32 $0x0  }
.LBB2_136:
0x41f: {  	_ =	sfence.sel $0x180000  }
0x420: {  	[bflag:$0x0] =	sbarrier.arrive $0xFFFF  }
0x421: {  	_ =	strace $0x90000047  }
0x422: {  	s0 =	stileid.u32;
	[bflag:$0x2] =	sbarrier.arrive $0xFFFF  }
0x423: {  	p0 =	sne.s32 s0, $0x0;
	s0 =	rddreg [dreg:$0x3]  }
0x424: {  	s0 =	sadd.s32 @!p0 $0x100000, s0  }
0x425: {  	[sflag:s0] =	ssyncadd.tile.s32 @!p0 $0x1;
	_ =	shalt  }
.Lfunc_end2:
_tile_overlayer_lowered:
.L_overlay_start_2:
0x426: {  	(tag) =	ssettag $0x2  }
0x427: {  	s0 =	rddreg [dreg:$0x0];
	s2 =	stileid.u32  }
0x428: {  	s1 =	rddreg [dreg:$0x1];
	p0 =	sne.s32 s2, $0x0  }
0x429: {  	s3 =	rddreg [dreg:$0x2];
	[bflag:$0x3] =	sbarrier.arrive $0xFFFF;
	s2 =	simm.s32 @!p0 $0x1C03  }
0x42a: {  	[timem:s3], [sflag:s2] =	dma.local @!p0 [hbm:s0], s1  }
0x42b: {  	s0 =	simm.s32 @!p0 $0x3  }
0x42c: {  	_ =	swait.ge @!p0 [sflag:s0], s1  }
0x42d: {  	s1 =	ssub.s32 @!p0 $0x0, s1;
	[sflag:s0] =	ssyncset.done @!p0 $0x0  }
0x42e: {  	[sflag:s0] =	ssyncadd.s32 @!p0 s1  }
0x42f: {  	[bflag:$0x3] =	sbarrier.arrive $0xFFFF  }
0x430: {  	_ =	shalt  }

</sc_bundles>
